<compile_context>
chip_gen: v7x
topology: tpu7x:2x2x1
jax: 0.10.2.dev20260603
libtpu: 0.0.44.dev20260713+nightly
codegen_flags: <defaults>
</compile_context>

<pallas_src>
import functools

import jax
import jax.numpy as jnp
from jax import lax
from jax.experimental import pallas as pl
from jax.experimental.pallas import tpu as pltpu
from jax.experimental.pallas import tpu_sc as plsc

VOCAB = 1000000
SEQ_LEN = 200
EMBED_DIM = 64
BATCH = 4096

NC, NS, L = 2, 16, 16
NW = NC * NS
B_PER_W = BATCH // NW
CB = 4
PAIR = 2 * CB
N_PAIRS = B_PER_W // PAIR
G = 40
GPR = SEQ_LEN // G

_SCALE = 8.0


def _emb_kernel(idx_hbm, tok_hbm, pos_hbm, out_hbm,
                pos_v, idx_v, rows_a, rows_b, sg_a, sg_b, ss_a, ss_b):
    wid = lax.axis_index("s") * NC + lax.axis_index("c")
    base = wid * B_PER_W

    pltpu.sync_copy(pos_hbm, pos_v)

    bufs = (rows_a, rows_b)
    gsems = (sg_a, sg_b)
    ssems = (ss_a, ss_b)

    def gather_chunk(half, pb):
        buf, sem = bufs[half], gsems[half]
        for h in range(GPR * CB):
            pltpu.async_copy(
                tok_hbm.at[idx_v.at[half * CB + h // GPR, pl.ds((h % GPR) * G, G)]],
                buf.at[h // GPR, pl.ds((h % GPR) * G, G), :],
                sem,
            )

    def drain_gather(half):
        buf, sem = bufs[half], gsems[half]
        for h in range(GPR * CB):
            pltpu.make_async_copy(
                tok_hbm.at[idx_v.at[half * CB + h // GPR, pl.ds((h % GPR) * G, G)]],
                buf.at[h // GPR, pl.ds((h % GPR) * G, G), :],
                sem,
            ).wait()

    def drain_scatter(half, dst):
        pltpu.make_async_copy(bufs[half], dst, ssems[half]).wait()

    def compute(half):
        buf = bufs[half]

        def p_body(p, carry):
            pv = [pos_v[p, pl.ds(c * L, L)] for c in range(EMBED_DIM // L)]
            for s in range(CB):
                for c in range(EMBED_DIM // L):
                    sl = pl.ds(c * L, L)
                    buf[s, p, sl] = buf[s, p, sl] * _SCALE + pv[c]
            return carry

        lax.fori_loop(0, SEQ_LEN, p_body, 0)

    def pair_body(p, scattered):
        b0 = pl.multiple_of(base + p * PAIR, 8)
        pltpu.sync_copy(idx_hbm.at[pl.ds(b0, PAIR)], idx_v)
        for half in range(2):
            dst = out_hbm.at[pl.ds(b0 + half * CB, CB)]

            @pl.when(scattered != 0)
            def _():
                drain_scatter(half, dst)

            gather_chunk(half, p)

        for half in range(2):
            dst = out_hbm.at[pl.ds(b0 + half * CB, CB)]
            drain_gather(half)
            compute(half)
            pltpu.async_copy(bufs[half], dst, ssems[half])
        return 1

    scattered = lax.fori_loop(0, N_PAIRS, pair_body, 0)

    @pl.when(scattered != 0)
    def _():
        last = pl.multiple_of(base + (N_PAIRS - 1) * PAIR, 8)
        for half in range(2):
            drain_scatter(half, out_hbm.at[pl.ds(last + half * CB, CB)])


@jax.jit
def _run(inputs, token_table, position_table):
    mesh = plsc.VectorSubcoreMesh(
        core_axis_name="c", subcore_axis_name="s", num_cores=NC, num_subcores=NS
    )
    kern = functools.partial(
        pl.kernel,
        out_type=jax.ShapeDtypeStruct((BATCH, SEQ_LEN, EMBED_DIM), jnp.float32),
        mesh=mesh,
        scratch_types=[
            pltpu.VMEM((SEQ_LEN, EMBED_DIM), jnp.float32),
            pltpu.VMEM((PAIR, SEQ_LEN), jnp.int32),
            pltpu.VMEM((CB, SEQ_LEN, EMBED_DIM), jnp.float32),
            pltpu.VMEM((CB, SEQ_LEN, EMBED_DIM), jnp.float32),
            pltpu.SemaphoreType.DMA,
            pltpu.SemaphoreType.DMA,
            pltpu.SemaphoreType.DMA,
            pltpu.SemaphoreType.DMA,
        ],
        compiler_params=pltpu.CompilerParams(use_tc_tiling_on_sc=False),
    )(_emb_kernel)
    return kern(inputs, token_table, position_table)


def kernel(inputs, token_table, position_table):
    return _run(inputs, token_table, position_table)

# --- scband reference (transcript-rebuilt; emitter-appended) ---
"""Pipeline reference for scband-positional-embedding-29755533426751 (READ-ONLY COPY).

The authoritative reference and input builder live on the scoring server;
editing this copy changes nothing except your own understanding.
"""

import jax, jax.numpy as jnp
import numpy as np

VOCAB = 1000000
SEQ_LEN = 200
EMBED_DIM = 64
BATCH = 4096


def setup_inputs(seed: int = 0) -> dict:
    key = jax.random.key(seed)
    k1, k2, k3 = jax.random.split(key, 3)
    inputs = jax.random.randint(k1, (BATCH, SEQ_LEN), 0, VOCAB, dtype=jnp.int64 if jax.config.jax_enable_x64 else jnp.int32).astype(jnp.int32)
    token_table = jax.random.normal(k2, (VOCAB, EMBED_DIM), dtype=jnp.float32) * 0.02
    position_table = jax.random.normal(k3, (SEQ_LEN, EMBED_DIM), dtype=jnp.float32) * 0.02
    return {"inputs": inputs, "token_table": token_table, "position_table": position_table}


def reference(inputs, token_table, position_table):
    length = inputs.shape[-1]
    positions = jnp.arange(0, length)
    embed_scale = jnp.sqrt(jnp.asarray(EMBED_DIM, dtype=jnp.float32))
    embedded_tokens = jnp.take(token_table, inputs, axis=0)
    embedded_tokens = embedded_tokens * embed_scale
    embedded_positions = jnp.take(position_table, positions, axis=0)
    return embedded_tokens + embedded_positions

if __name__ == "__main__":
    import jax
    _d = setup_inputs()
    print(jax.jit(kernel)(*tuple(_d.values())))

</pallas_src>

<mosaic_0001>
#map = affine_map<(d0, d1) -> (0, 0)>
#map1 = affine_map<(d0, d1) -> (0, 0, 0)>
module attributes {stable_mosaic.version = 14 : i64} {
  func.func @_emb_kernel(%arg0: i32, %arg1: i32, %arg2: memref<4096x200xi32, #tpu.memory_space<hbm>>, %arg3: memref<1000000x64xf32, #tpu.memory_space<hbm>>, %arg4: memref<200x64xf32, #tpu.memory_space<hbm>>, %arg5: memref<4096x200x64xf32, #tpu.memory_space<hbm>>, %arg6: memref<200x64xf32, #tpu.memory_space<vmem>>, %arg7: memref<8x200xi32, #tpu.memory_space<vmem>>, %arg8: memref<4x200x64xf32, #tpu.memory_space<vmem>>, %arg9: memref<4x200x64xf32, #tpu.memory_space<vmem>>, %arg10: memref<!tpu.dma_semaphore, #tpu.memory_space<semaphore_mem>>, %arg11: memref<!tpu.dma_semaphore, #tpu.memory_space<semaphore_mem>>, %arg12: memref<!tpu.dma_semaphore, #tpu.memory_space<semaphore_mem>>, %arg13: memref<!tpu.dma_semaphore, #tpu.memory_space<semaphore_mem>>) attributes {dimension_semantics = [#tpu.dimension_semantics<core_parallel>, #tpu.dimension_semantics<subcore_parallel>], iteration_bounds = array<i64: 2, 16>, scalar_prefetch = 0 : i64, scratch_operands = 8 : i64, tpu.core_type = #tpu.core_type<sc_vector_subcore>, window_params = [{transform_indices = #map}, {transform_indices = #map}, {transform_indices = #map}, {transform_indices = #map1}]} {
    %mul3A = arith.constant 2 : i32
    %mul3A_0 = arith.muli %arg1, %mul3A : i32
    %add3A = arith.addi %mul3A_0, %arg0 : i32
    %mul3A_1 = arith.constant 128 : i32
    %mul3A_2 = arith.muli %add3A, %mul3A_1 : i32
    "tpu.region"() ({
      %run_scoped3A = tpu.sem_alloc : memref<!tpu.dma_semaphore, #tpu.memory_space<semaphore_mem>>
      tpu.enqueue_dma source(%arg4 : memref<200x64xf32, #tpu.memory_space<hbm>>) target(%arg6 : memref<200x64xf32, #tpu.memory_space<vmem>>) target_semaphore(%run_scoped3A : memref<!tpu.dma_semaphore, #tpu.memory_space<semaphore_mem>>)
      tpu.wait_dma2 semaphore(%run_scoped3A : memref<!tpu.dma_semaphore, #tpu.memory_space<semaphore_mem>>) src(%arg4 : memref<200x64xf32, #tpu.memory_space<hbm>>) dst(%arg6 : memref<200x64xf32, #tpu.memory_space<vmem>>)
      tpu.yield
    }) : () -> ()
    %scan3A = arith.constant 0 : i32
    %scan3A_3 = arith.constant 0 : i32
    %scan3A_4 = arith.constant 16 : i32
    %scan3A_5 = arith.addi %scan3A_3, %scan3A_4 : i32
    %scan3A_6 = arith.constant 1 : i32
    %scan3A_7 = scf.for %scan3A_11 = %scan3A_3 to %scan3A_5 step %scan3A_6 iter_args(%scan3A_12 = %scan3A) -> (i32)  : i32 {
      %mul3A_13 = arith.constant 8 : i32
      %mul3A_14 = arith.muli %scan3A_11, %mul3A_13 : i32
      %add3A_15 = arith.addi %mul3A_2, %mul3A_14 : i32
      %multiple_of3A = tpu.assume_multiple %add3A_15, 8 : i32
      "tpu.region"() ({
        %run_scoped3A = tpu.sem_alloc : memref<!tpu.dma_semaphore, #tpu.memory_space<semaphore_mem>>
        %dma_start3A_1017 = arith.constant 0 : i32
        %dma_start3A_1018 = tpu.memref_slice %arg2[%multiple_of3A, %dma_start3A_1017] : memref<4096x200xi32, #tpu.memory_space<hbm>> -> memref<8x200xi32, #tpu.memory_space<hbm>>
        %dma_start3A_1019 = arith.constant 0 : i32
        %dma_start3A_1020 = tpu.memref_slice %arg2[%multiple_of3A, %dma_start3A_1019] : memref<4096x200xi32, #tpu.memory_space<hbm>> -> memref<8x200xi32, #tpu.memory_space<hbm>>
        tpu.enqueue_dma source(%dma_start3A_1020 : memref<8x200xi32, #tpu.memory_space<hbm>>) target(%arg7 : memref<8x200xi32, #tpu.memory_space<vmem>>) target_semaphore(%run_scoped3A : memref<!tpu.dma_semaphore, #tpu.memory_space<semaphore_mem>>)
        %dma_wait3A_1021 = arith.constant 0 : i32
        %dma_wait3A_1022 = tpu.memref_slice %arg2[%multiple_of3A, %dma_wait3A_1021] : memref<4096x200xi32, #tpu.memory_space<hbm>> -> memref<8x200xi32, #tpu.memory_space<hbm>>
        %dma_wait3A_1023 = arith.constant 0 : i32
        %dma_wait3A_1024 = tpu.memref_slice %arg2[%multiple_of3A, %dma_wait3A_1023] : memref<4096x200xi32, #tpu.memory_space<hbm>> -> memref<8x200xi32, #tpu.memory_space<hbm>>
        tpu.wait_dma2 semaphore(%run_scoped3A : memref<!tpu.dma_semaphore, #tpu.memory_space<semaphore_mem>>) src(%dma_wait3A_1024 : memref<8x200xi32, #tpu.memory_space<hbm>>) dst(%arg7 : memref<8x200xi32, #tpu.memory_space<vmem>>)
        tpu.yield
      }) : () -> ()
      %add3A_16 = arith.constant 0 : i32
      %add3A_17 = arith.addi %multiple_of3A, %add3A_16 : i32
      %ne3A_18 = arith.constant 0 : i32
      %ne3A_19 = arith.cmpi ne, %scan3A_12, %ne3A_18 : i32
      %convert_element_type3A_20 = arith.extui %ne3A_19 : i1 to i32
      %cond3A_21 = arith.constant 0 : i32
      %cond3A_22 = arith.cmpi ne, %convert_element_type3A_20, %cond3A_21 : i32
      scf.if %cond3A_22 {
        %dma_wait3A_1017 = arith.constant 0 : i32
        %dma_wait3A_1018 = arith.constant 0 : i32
        %dma_wait3A_1019 = tpu.memref_slice %arg5[%add3A_17, %dma_wait3A_1017, %dma_wait3A_1018] : memref<4096x200x64xf32, #tpu.memory_space<hbm>> -> memref<4x200x64xf32, #tpu.memory_space<hbm>>
        %dma_wait3A_1020 = arith.constant 0 : i32
        %dma_wait3A_1021 = arith.constant 0 : i32
        %dma_wait3A_1022 = tpu.memref_slice %arg5[%add3A_17, %dma_wait3A_1020, %dma_wait3A_1021] : memref<4096x200x64xf32, #tpu.memory_space<hbm>> -> memref<4x200x64xf32, #tpu.memory_space<hbm>>
        tpu.wait_dma2 semaphore(%arg12 : memref<!tpu.dma_semaphore, #tpu.memory_space<semaphore_mem>>) src(%arg8 : memref<4x200x64xf32, #tpu.memory_space<vmem>>) dst(%dma_wait3A_1022 : memref<4x200x64xf32, #tpu.memory_space<hbm>>)
      } else {
      }
      %dma_start3A = arith.constant 0 : i32
      %dma_start3A_23 = arith.constant 0 : i32
      %dma_start3A_24 = arith.constant 0 : i32
      %dma_start3A_25 = arith.constant 0 : i32
      %dma_start3A_26 = tpu.memref_slice %arg8[%dma_start3A_23, %dma_start3A_24, %dma_start3A_25] : memref<4x200x64xf32, #tpu.memory_space<vmem>> -> memref<1x40x64xf32, #tpu.memory_space<vmem>>
      %dma_start3A_27 = tpu.memref_squeeze %dma_start3A_26 : memref<1x40x64xf32, #tpu.memory_space<vmem>> -> memref<40x64xf32, #tpu.memory_space<vmem>>
      %dma_start3A_28 = arith.constant 0 : i32
      %dma_start3A_29 = tpu.memref_slice %arg7[%dma_start3A, %dma_start3A_28] : memref<8x200xi32, #tpu.memory_space<vmem>> -> memref<1x40xi32, #tpu.memory_space<vmem>>
      %dma_start3A_30 = tpu.memref_squeeze %dma_start3A_29 : memref<1x40xi32, #tpu.memory_space<vmem>> -> memref<40xi32, #tpu.memory_space<vmem>>
      %dma_start3A_31 = arith.constant 0 : i32
      %dma_start3A_32 = arith.constant 0 : i32
      %dma_start3A_33 = tpu.memref_slice %arg3[%dma_start3A_31, %dma_start3A_32] : memref<1000000x64xf32, #tpu.memory_space<hbm>> -> memref<1000000x64xf32, #tpu.memory_space<hbm>>
      tpu.enqueue_indirect_dma source(%dma_start3A_33 : memref<1000000x64xf32, #tpu.memory_space<hbm>>) target(%dma_start3A_27 : memref<40x64xf32, #tpu.memory_space<vmem>>) offsets(%dma_start3A_30 : memref<40xi32, #tpu.memory_space<vmem>>) semaphore(%arg10 : memref<!tpu.dma_semaphore, #tpu.memory_space<semaphore_mem>>)
      %dma_start3A_34 = arith.constant 0 : i32
      %dma_start3A_35 = arith.constant 0 : i32
      %dma_start3A_36 = arith.constant 40 : i32
      %dma_start3A_37 = arith.constant 0 : i32
      %dma_start3A_38 = tpu.memref_slice %arg8[%dma_start3A_35, %dma_start3A_36, %dma_start3A_37] : memref<4x200x64xf32, #tpu.memory_space<vmem>> -> memref<1x40x64xf32, #tpu.memory_space<vmem>>
      %dma_start3A_39 = tpu.memref_squeeze %dma_start3A_38 : memref<1x40x64xf32, #tpu.memory_space<vmem>> -> memref<40x64xf32, #tpu.memory_space<vmem>>
      %dma_start3A_40 = arith.constant 40 : i32
      %dma_start3A_41 = tpu.memref_slice %arg7[%dma_start3A_34, %dma_start3A_40] : memref<8x200xi32, #tpu.memory_space<vmem>> -> memref<1x40xi32, #tpu.memory_space<vmem>>
      %dma_start3A_42 = tpu.memref_squeeze %dma_start3A_41 : memref<1x40xi32, #tpu.memory_space<vmem>> -> memref<40xi32, #tpu.memory_space<vmem>>
      %dma_start3A_43 = arith.constant 0 : i32
      %dma_start3A_44 = arith.constant 0 : i32
      %dma_start3A_45 = tpu.memref_slice %arg3[%dma_start3A_43, %dma_start3A_44] : memref<1000000x64xf32, #tpu.memory_space<hbm>> -> memref<1000000x64xf32, #tpu.memory_space<hbm>>
      tpu.enqueue_indirect_dma source(%dma_start3A_45 : memref<1000000x64xf32, #tpu.memory_space<hbm>>) target(%dma_start3A_39 : memref<40x64xf32, #tpu.memory_space<vmem>>) offsets(%dma_start3A_42 : memref<40xi32, #tpu.memory_space<vmem>>) semaphore(%arg10 : memref<!tpu.dma_semaphore, #tpu.memory_space<semaphore_mem>>)
      %dma_start3A_46 = arith.constant 0 : i32
      %dma_start3A_47 = arith.constant 0 : i32
      %dma_start3A_48 = arith.constant 80 : i32
      %dma_start3A_49 = arith.constant 0 : i32
      %dma_start3A_50 = tpu.memref_slice %arg8[%dma_start3A_47, %dma_start3A_48, %dma_start3A_49] : memref<4x200x64xf32, #tpu.memory_space<vmem>> -> memref<1x40x64xf32, #tpu.memory_space<vmem>>
      %dma_start3A_51 = tpu.memref_squeeze %dma_start3A_50 : memref<1x40x64xf32, #tpu.memory_space<vmem>> -> memref<40x64xf32, #tpu.memory_space<vmem>>
      %dma_start3A_52 = arith.constant 80 : i32
      %dma_start3A_53 = tpu.memref_slice %arg7[%dma_start3A_46, %dma_start3A_52] : memref<8x200xi32, #tpu.memory_space<vmem>> -> memref<1x40xi32, #tpu.memory_space<vmem>>
      %dma_start3A_54 = tpu.memref_squeeze %dma_start3A_53 : memref<1x40xi32, #tpu.memory_space<vmem>> -> memref<40xi32, #tpu.memory_space<vmem>>
      %dma_start3A_55 = arith.constant 0 : i32
      %dma_start3A_56 = arith.constant 0 : i32
      %dma_start3A_57 = tpu.memref_slice %arg3[%dma_start3A_55, %dma_start3A_56] : memref<1000000x64xf32, #tpu.memory_space<hbm>> -> memref<1000000x64xf32, #tpu.memory_space<hbm>>
      tpu.enqueue_indirect_dma source(%dma_start3A_57 : memref<1000000x64xf32, #tpu.memory_space<hbm>>) target(%dma_start3A_51 : memref<40x64xf32, #tpu.memory_space<vmem>>) offsets(%dma_start3A_54 : memref<40xi32, #tpu.memory_space<vmem>>) semaphore(%arg10 : memref<!tpu.dma_semaphore, #tpu.memory_space<semaphore_mem>>)
      %dma_start3A_58 = arith.constant 0 : i32
      %dma_start3A_59 = arith.constant 0 : i32
      %dma_start3A_60 = arith.constant 120 : i32
      %dma_start3A_61 = arith.constant 0 : i32
      %dma_start3A_62 = tpu.memref_slice %arg8[%dma_start3A_59, %dma_start3A_60, %dma_start3A_61] : memref<4x200x64xf32, #tpu.memory_space<vmem>> -> memref<1x40x64xf32, #tpu.memory_space<vmem>>
      %dma_start3A_63 = tpu.memref_squeeze %dma_start3A_62 : memref<1x40x64xf32, #tpu.memory_space<vmem>> -> memref<40x64xf32, #tpu.memory_space<vmem>>
      %dma_start3A_64 = arith.constant 120 : i32
      %dma_start3A_65 = tpu.memref_slice %arg7[%dma_start3A_58, %dma_start3A_64] : memref<8x200xi32, #tpu.memory_space<vmem>> -> memref<1x40xi32, #tpu.memory_space<vmem>>
      %dma_start3A_66 = tpu.memref_squeeze %dma_start3A_65 : memref<1x40xi32, #tpu.memory_space<vmem>> -> memref<40xi32, #tpu.memory_space<vmem>>
      %dma_start3A_67 = arith.constant 0 : i32
      %dma_start3A_68 = arith.constant 0 : i32
      %dma_start3A_69 = tpu.memref_slice %arg3[%dma_start3A_67, %dma_start3A_68] : memref<1000000x64xf32, #tpu.memory_space<hbm>> -> memref<1000000x64xf32, #tpu.memory_space<hbm>>
      tpu.enqueue_indirect_dma source(%dma_start3A_69 : memref<1000000x64xf32, #tpu.memory_space<hbm>>) target(%dma_start3A_63 : memref<40x64xf32, #tpu.memory_space<vmem>>) offsets(%dma_start3A_66 : memref<40xi32, #tpu.memory_space<vmem>>) semaphore(%arg10 : memref<!tpu.dma_semaphore, #tpu.memory_space<semaphore_mem>>)
      %dma_start3A_70 = arith.constant 0 : i32
      %dma_start3A_71 = arith.constant 0 : i32
      %dma_start3A_72 = arith.constant 160 : i32
      %dma_start3A_73 = arith.constant 0 : i32
      %dma_start3A_74 = tpu.memref_slice %arg8[%dma_start3A_71, %dma_start3A_72, %dma_start3A_73] : memref<4x200x64xf32, #tpu.memory_space<vmem>> -> memref<1x40x64xf32, #tpu.memory_space<vmem>>
      %dma_start3A_75 = tpu.memref_squeeze %dma_start3A_74 : memref<1x40x64xf32, #tpu.memory_space<vmem>> -> memref<40x64xf32, #tpu.memory_space<vmem>>
      %dma_start3A_76 = arith.constant 160 : i32
      %dma_start3A_77 = tpu.memref_slice %arg7[%dma_start3A_70, %dma_start3A_76] : memref<8x200xi32, #tpu.memory_space<vmem>> -> memref<1x40xi32, #tpu.memory_space<vmem>>
      %dma_start3A_78 = tpu.memref_squeeze %dma_start3A_77 : memref<1x40xi32, #tpu.memory_space<vmem>> -> memref<40xi32, #tpu.memory_space<vmem>>
      %dma_start3A_79 = arith.constant 0 : i32
      %dma_start3A_80 = arith.constant 0 : i32
      %dma_start3A_81 = tpu.memref_slice %arg3[%dma_start3A_79, %dma_start3A_80] : memref<1000000x64xf32, #tpu.memory_space<hbm>> -> memref<1000000x64xf32, #tpu.memory_space<hbm>>
      tpu.enqueue_indirect_dma source(%dma_start3A_81 : memref<1000000x64xf32, #tpu.memory_space<hbm>>) target(%dma_start3A_75 : memref<40x64xf32, #tpu.memory_space<vmem>>) offsets(%dma_start3A_78 : memref<40xi32, #tpu.memory_space<vmem>>) semaphore(%arg10 : memref<!tpu.dma_semaphore, #tpu.memory_space<semaphore_mem>>)
      %dma_start3A_82 = arith.constant 1 : i32
      %dma_start3A_83 = arith.constant 1 : i32
      %dma_start3A_84 = arith.constant 0 : i32
      %dma_start3A_85 = arith.constant 0 : i32
      %dma_start3A_86 = tpu.memref_slice %arg8[%dma_start3A_83, %dma_start3A_84, %dma_start3A_85] : memref<4x200x64xf32, #tpu.memory_space<vmem>> -> memref<1x40x64xf32, #tpu.memory_space<vmem>>
      %dma_start3A_87 = tpu.memref_squeeze %dma_start3A_86 : memref<1x40x64xf32, #tpu.memory_space<vmem>> -> memref<40x64xf32, #tpu.memory_space<vmem>>
      %dma_start3A_88 = arith.constant 0 : i32
      %dma_start3A_89 = tpu.memref_slice %arg7[%dma_start3A_82, %dma_start3A_88] : memref<8x200xi32, #tpu.memory_space<vmem>> -> memref<1x40xi32, #tpu.memory_space<vmem>>
      %dma_start3A_90 = tpu.memref_squeeze %dma_start3A_89 : memref<1x40xi32, #tpu.memory_space<vmem>> -> memref<40xi32, #tpu.memory_space<vmem>>
      %dma_start3A_91 = arith.constant 0 : i32
      %dma_start3A_92 = arith.constant 0 : i32
      %dma_start3A_93 = tpu.memref_slice %arg3[%dma_start3A_91, %dma_start3A_92] : memref<1000000x64xf32, #tpu.memory_space<hbm>> -> memref<1000000x64xf32, #tpu.memory_space<hbm>>
      tpu.enqueue_indirect_dma source(%dma_start3A_93 : memref<1000000x64xf32, #tpu.memory_space<hbm>>) target(%dma_start3A_87 : memref<40x64xf32, #tpu.memory_space<vmem>>) offsets(%dma_start3A_90 : memref<40xi32, #tpu.memory_space<vmem>>) semaphore(%arg10 : memref<!tpu.dma_semaphore, #tpu.memory_space<semaphore_mem>>)
      %dma_start3A_94 = arith.constant 1 : i32
      %dma_start3A_95 = arith.constant 1 : i32
      %dma_start3A_96 = arith.constant 40 : i32
      %dma_start3A_97 = arith.constant 0 : i32
      %dma_start3A_98 = tpu.memref_slice %arg8[%dma_start3A_95, %dma_start3A_96, %dma_start3A_97] : memref<4x200x64xf32, #tpu.memory_space<vmem>> -> memref<1x40x64xf32, #tpu.memory_space<vmem>>
      %dma_start3A_99 = tpu.memref_squeeze %dma_start3A_98 : memref<1x40x64xf32, #tpu.memory_space<vmem>> -> memref<40x64xf32, #tpu.memory_space<vmem>>
      %dma_start3A_100 = arith.constant 40 : i32
      %dma_start3A_101 = tpu.memref_slice %arg7[%dma_start3A_94, %dma_start3A_100] : memref<8x200xi32, #tpu.memory_space<vmem>> -> memref<1x40xi32, #tpu.memory_space<vmem>>
      %dma_start3A_102 = tpu.memref_squeeze %dma_start3A_101 : memref<1x40xi32, #tpu.memory_space<vmem>> -> memref<40xi32, #tpu.memory_space<vmem>>
      %dma_start3A_103 = arith.constant 0 : i32
      %dma_start3A_104 = arith.constant 0 : i32
      %dma_start3A_105 = tpu.memref_slice %arg3[%dma_start3A_103, %dma_start3A_104] : memref<1000000x64xf32, #tpu.memory_space<hbm>> -> memref<1000000x64xf32, #tpu.memory_space<hbm>>
      tpu.enqueue_indirect_dma source(%dma_start3A_105 : memref<1000000x64xf32, #tpu.memory_space<hbm>>) target(%dma_start3A_99 : memref<40x64xf32, #tpu.memory_space<vmem>>) offsets(%dma_start3A_102 : memref<40xi32, #tpu.memory_space<vmem>>) semaphore(%arg10 : memref<!tpu.dma_semaphore, #tpu.memory_space<semaphore_mem>>)
      %dma_start3A_106 = arith.constant 1 : i32
      %dma_start3A_107 = arith.constant 1 : i32
      %dma_start3A_108 = arith.constant 80 : i32
      %dma_start3A_109 = arith.constant 0 : i32
      %dma_start3A_110 = tpu.memref_slice %arg8[%dma_start3A_107, %dma_start3A_108, %dma_start3A_109] : memref<4x200x64xf32, #tpu.memory_space<vmem>> -> memref<1x40x64xf32, #tpu.memory_space<vmem>>
      %dma_start3A_111 = tpu.memref_squeeze %dma_start3A_110 : memref<1x40x64xf32, #tpu.memory_space<vmem>> -> memref<40x64xf32, #tpu.memory_space<vmem>>
      %dma_start3A_112 = arith.constant 80 : i32
      %dma_start3A_113 = tpu.memref_slice %arg7[%dma_start3A_106, %dma_start3A_112] : memref<8x200xi32, #tpu.memory_space<vmem>> -> memref<1x40xi32, #tpu.memory_space<vmem>>
      %dma_start3A_114 = tpu.memref_squeeze %dma_start3A_113 : memref<1x40xi32, #tpu.memory_space<vmem>> -> memref<40xi32, #tpu.memory_space<vmem>>
      %dma_start3A_115 = arith.constant 0 : i32
      %dma_start3A_116 = arith.constant 0 : i32
      %dma_start3A_117 = tpu.memref_slice %arg3[%dma_start3A_115, %dma_start3A_116] : memref<1000000x64xf32, #tpu.memory_space<hbm>> -> memref<1000000x64xf32, #tpu.memory_space<hbm>>
      tpu.enqueue_indirect_dma source(%dma_start3A_117 : memref<1000000x64xf32, #tpu.memory_space<hbm>>) target(%dma_start3A_111 : memref<40x64xf32, #tpu.memory_space<vmem>>) offsets(%dma_start3A_114 : memref<40xi32, #tpu.memory_space<vmem>>) semaphore(%arg10 : memref<!tpu.dma_semaphore, #tpu.memory_space<semaphore_mem>>)
      %dma_start3A_118 = arith.constant 1 : i32
      %dma_start3A_119 = arith.constant 1 : i32
      %dma_start3A_120 = arith.constant 120 : i32
      %dma_start3A_121 = arith.constant 0 : i32
      %dma_start3A_122 = tpu.memref_slice %arg8[%dma_start3A_119, %dma_start3A_120, %dma_start3A_121] : memref<4x200x64xf32, #tpu.memory_space<vmem>> -> memref<1x40x64xf32, #tpu.memory_space<vmem>>
      %dma_start3A_123 = tpu.memref_squeeze %dma_start3A_122 : memref<1x40x64xf32, #tpu.memory_space<vmem>> -> memref<40x64xf32, #tpu.memory_space<vmem>>
      %dma_start3A_124 = arith.constant 120 : i32
      %dma_start3A_125 = tpu.memref_slice %arg7[%dma_start3A_118, %dma_start3A_124] : memref<8x200xi32, #tpu.memory_space<vmem>> -> memref<1x40xi32, #tpu.memory_space<vmem>>
      %dma_start3A_126 = tpu.memref_squeeze %dma_start3A_125 : memref<1x40xi32, #tpu.memory_space<vmem>> -> memref<40xi32, #tpu.memory_space<vmem>>
      %dma_start3A_127 = arith.constant 0 : i32
      %dma_start3A_128 = arith.constant 0 : i32
      %dma_start3A_129 = tpu.memref_slice %arg3[%dma_start3A_127, %dma_start3A_128] : memref<1000000x64xf32, #tpu.memory_space<hbm>> -> memref<1000000x64xf32, #tpu.memory_space<hbm>>
      tpu.enqueue_indirect_dma source(%dma_start3A_129 : memref<1000000x64xf32, #tpu.memory_space<hbm>>) target(%dma_start3A_123 : memref<40x64xf32, #tpu.memory_space<vmem>>) offsets(%dma_start3A_126 : memref<40xi32, #tpu.memory_space<vmem>>) semaphore(%arg10 : memref<!tpu.dma_semaphore, #tpu.memory_space<semaphore_mem>>)
      %dma_start3A_130 = arith.constant 1 : i32
      %dma_start3A_131 = arith.constant 1 : i32
      %dma_start3A_132 = arith.constant 160 : i32
      %dma_start3A_133 = arith.constant 0 : i32
      %dma_start3A_134 = tpu.memref_slice %arg8[%dma_start3A_131, %dma_start3A_132, %dma_start3A_133] : memref<4x200x64xf32, #tpu.memory_space<vmem>> -> memref<1x40x64xf32, #tpu.memory_space<vmem>>
      %dma_start3A_135 = tpu.memref_squeeze %dma_start3A_134 : memref<1x40x64xf32, #tpu.memory_space<vmem>> -> memref<40x64xf32, #tpu.memory_space<vmem>>
      %dma_start3A_136 = arith.constant 160 : i32
      %dma_start3A_137 = tpu.memref_slice %arg7[%dma_start3A_130, %dma_start3A_136] : memref<8x200xi32, #tpu.memory_space<vmem>> -> memref<1x40xi32, #tpu.memory_space<vmem>>
      %dma_start3A_138 = tpu.memref_squeeze %dma_start3A_137 : memref<1x40xi32, #tpu.memory_space<vmem>> -> memref<40xi32, #tpu.memory_space<vmem>>
      %dma_start3A_139 = arith.constant 0 : i32
      %dma_start3A_140 = arith.constant 0 : i32
      %dma_start3A_141 = tpu.memref_slice %arg3[%dma_start3A_139, %dma_start3A_140] : memref<1000000x64xf32, #tpu.memory_space<hbm>> -> memref<1000000x64xf32, #tpu.memory_space<hbm>>
      tpu.enqueue_indirect_dma source(%dma_start3A_141 : memref<1000000x64xf32, #tpu.memory_space<hbm>>) target(%dma_start3A_135 : memref<40x64xf32, #tpu.memory_space<vmem>>) offsets(%dma_start3A_138 : memref<40xi32, #tpu.memory_space<vmem>>) semaphore(%arg10 : memref<!tpu.dma_semaphore, #tpu.memory_space<semaphore_mem>>)
      %dma_start3A_142 = arith.constant 2 : i32
      %dma_start3A_143 = arith.constant 2 : i32
      %dma_start3A_144 = arith.constant 0 : i32
      %dma_start3A_145 = arith.constant 0 : i32
      %dma_start3A_146 = tpu.memref_slice %arg8[%dma_start3A_143, %dma_start3A_144, %dma_start3A_145] : memref<4x200x64xf32, #tpu.memory_space<vmem>> -> memref<1x40x64xf32, #tpu.memory_space<vmem>>
      %dma_start3A_147 = tpu.memref_squeeze %dma_start3A_146 : memref<1x40x64xf32, #tpu.memory_space<vmem>> -> memref<40x64xf32, #tpu.memory_space<vmem>>
      %dma_start3A_148 = arith.constant 0 : i32
      %dma_start3A_149 = tpu.memref_slice %arg7[%dma_start3A_142, %dma_start3A_148] : memref<8x200xi32, #tpu.memory_space<vmem>> -> memref<1x40xi32, #tpu.memory_space<vmem>>
      %dma_start3A_150 = tpu.memref_squeeze %dma_start3A_149 : memref<1x40xi32, #tpu.memory_space<vmem>> -> memref<40xi32, #tpu.memory_space<vmem>>
      %dma_start3A_151 = arith.constant 0 : i32
      %dma_start3A_152 = arith.constant 0 : i32
      %dma_start3A_153 = tpu.memref_slice %arg3[%dma_start3A_151, %dma_start3A_152] : memref<1000000x64xf32, #tpu.memory_space<hbm>> -> memref<1000000x64xf32, #tpu.memory_space<hbm>>
      tpu.enqueue_indirect_dma source(%dma_start3A_153 : memref<1000000x64xf32, #tpu.memory_space<hbm>>) target(%dma_start3A_147 : memref<40x64xf32, #tpu.memory_space<vmem>>) offsets(%dma_start3A_150 : memref<40xi32, #tpu.memory_space<vmem>>) semaphore(%arg10 : memref<!tpu.dma_semaphore, #tpu.memory_space<semaphore_mem>>)
      %dma_start3A_154 = arith.constant 2 : i32
      %dma_start3A_155 = arith.constant 2 : i32
      %dma_start3A_156 = arith.constant 40 : i32
      %dma_start3A_157 = arith.constant 0 : i32
      %dma_start3A_158 = tpu.memref_slice %arg8[%dma_start3A_155, %dma_start3A_156, %dma_start3A_157] : memref<4x200x64xf32, #tpu.memory_space<vmem>> -> memref<1x40x64xf32, #tpu.memory_space<vmem>>
      %dma_start3A_159 = tpu.memref_squeeze %dma_start3A_158 : memref<1x40x64xf32, #tpu.memory_space<vmem>> -> memref<40x64xf32, #tpu.memory_space<vmem>>
      %dma_start3A_160 = arith.constant 40 : i32
      %dma_start3A_161 = tpu.memref_slice %arg7[%dma_start3A_154, %dma_start3A_160] : memref<8x200xi32, #tpu.memory_space<vmem>> -> memref<1x40xi32, #tpu.memory_space<vmem>>
      %dma_start3A_162 = tpu.memref_squeeze %dma_start3A_161 : memref<1x40xi32, #tpu.memory_space<vmem>> -> memref<40xi32, #tpu.memory_space<vmem>>
      %dma_start3A_163 = arith.constant 0 : i32
      %dma_start3A_164 = arith.constant 0 : i32
      %dma_start3A_165 = tpu.memref_slice %arg3[%dma_start3A_163, %dma_start3A_164] : memref<1000000x64xf32, #tpu.memory_space<hbm>> -> memref<1000000x64xf32, #tpu.memory_space<hbm>>
      tpu.enqueue_indirect_dma source(%dma_start3A_165 : memref<1000000x64xf32, #tpu.memory_space<hbm>>) target(%dma_start3A_159 : memref<40x64xf32, #tpu.memory_space<vmem>>) offsets(%dma_start3A_162 : memref<40xi32, #tpu.memory_space<vmem>>) semaphore(%arg10 : memref<!tpu.dma_semaphore, #tpu.memory_space<semaphore_mem>>)
      %dma_start3A_166 = arith.constant 2 : i32
      %dma_start3A_167 = arith.constant 2 : i32
      %dma_start3A_168 = arith.constant 80 : i32
      %dma_start3A_169 = arith.constant 0 : i32
      %dma_start3A_170 = tpu.memref_slice %arg8[%dma_start3A_167, %dma_start3A_168, %dma_start3A_169] : memref<4x200x64xf32, #tpu.memory_space<vmem>> -> memref<1x40x64xf32, #tpu.memory_space<vmem>>
      %dma_start3A_171 = tpu.memref_squeeze %dma_start3A_170 : memref<1x40x64xf32, #tpu.memory_space<vmem>> -> memref<40x64xf32, #tpu.memory_space<vmem>>
      %dma_start3A_172 = arith.constant 80 : i32
      %dma_start3A_173 = tpu.memref_slice %arg7[%dma_start3A_166, %dma_start3A_172] : memref<8x200xi32, #tpu.memory_space<vmem>> -> memref<1x40xi32, #tpu.memory_space<vmem>>
      %dma_start3A_174 = tpu.memref_squeeze %dma_start3A_173 : memref<1x40xi32, #tpu.memory_space<vmem>> -> memref<40xi32, #tpu.memory_space<vmem>>
      %dma_start3A_175 = arith.constant 0 : i32
      %dma_start3A_176 = arith.constant 0 : i32
      %dma_start3A_177 = tpu.memref_slice %arg3[%dma_start3A_175, %dma_start3A_176] : memref<1000000x64xf32, #tpu.memory_space<hbm>> -> memref<1000000x64xf32, #tpu.memory_space<hbm>>
      tpu.enqueue_indirect_dma source(%dma_start3A_177 : memref<1000000x64xf32, #tpu.memory_space<hbm>>) target(%dma_start3A_171 : memref<40x64xf32, #tpu.memory_space<vmem>>) offsets(%dma_start3A_174 : memref<40xi32, #tpu.memory_space<vmem>>) semaphore(%arg10 : memref<!tpu.dma_semaphore, #tpu.memory_space<semaphore_mem>>)
      %dma_start3A_178 = arith.constant 2 : i32
      %dma_start3A_179 = arith.constant 2 : i32
      %dma_start3A_180 = arith.constant 120 : i32
      %dma_start3A_181 = arith.constant 0 : i32
      %dma_start3A_182 = tpu.memref_slice %arg8[%dma_start3A_179, %dma_start3A_180, %dma_start3A_181] : memref<4x200x64xf32, #tpu.memory_space<vmem>> -> memref<1x40x64xf32, #tpu.memory_space<vmem>>
      %dma_start3A_183 = tpu.memref_squeeze %dma_start3A_182 : memref<1x40x64xf32, #tpu.memory_space<vmem>> -> memref<40x64xf32, #tpu.memory_space<vmem>>
      %dma_start3A_184 = arith.constant 120 : i32
      %dma_start3A_185 = tpu.memref_slice %arg7[%dma_start3A_178, %dma_start3A_184] : memref<8x200xi32, #tpu.memory_space<vmem>> -> memref<1x40xi32, #tpu.memory_space<vmem>>
      %dma_start3A_186 = tpu.memref_squeeze %dma_start3A_185 : memref<1x40xi32, #tpu.memory_space<vmem>> -> memref<40xi32, #tpu.memory_space<vmem>>
      %dma_start3A_187 = arith.constant 0 : i32
      %dma_start3A_188 = arith.constant 0 : i32
      %dma_start3A_189 = tpu.memref_slice %arg3[%dma_start3A_187, %dma_start3A_188] : memref<1000000x64xf32, #tpu.memory_space<hbm>> -> memref<1000000x64xf32, #tpu.memory_space<hbm>>
      tpu.enqueue_indirect_dma source(%dma_start3A_189 : memref<1000000x64xf32, #tpu.memory_space<hbm>>) target(%dma_start3A_183 : memref<40x64xf32, #tpu.memory_space<vmem>>) offsets(%dma_start3A_186 : memref<40xi32, #tpu.memory_space<vmem>>) semaphore(%arg10 : memref<!tpu.dma_semaphore, #tpu.memory_space<semaphore_mem>>)
      %dma_start3A_190 = arith.constant 2 : i32
      %dma_start3A_191 = arith.constant 2 : i32
      %dma_start3A_192 = arith.constant 160 : i32
      %dma_start3A_193 = arith.constant 0 : i32
      %dma_start3A_194 = tpu.memref_slice %arg8[%dma_start3A_191, %dma_start3A_192, %dma_start3A_193] : memref<4x200x64xf32, #tpu.memory_space<vmem>> -> memref<1x40x64xf32, #tpu.memory_space<vmem>>
      %dma_start3A_195 = tpu.memref_squeeze %dma_start3A_194 : memref<1x40x64xf32, #tpu.memory_space<vmem>> -> memref<40x64xf32, #tpu.memory_space<vmem>>
      %dma_start3A_196 = arith.constant 160 : i32
      %dma_start3A_197 = tpu.memref_slice %arg7[%dma_start3A_190, %dma_start3A_196] : memref<8x200xi32, #tpu.memory_space<vmem>> -> memref<1x40xi32, #tpu.memory_space<vmem>>
      %dma_start3A_198 = tpu.memref_squeeze %dma_start3A_197 : memref<1x40xi32, #tpu.memory_space<vmem>> -> memref<40xi32, #tpu.memory_space<vmem>>
      %dma_start3A_199 = arith.constant 0 : i32
      %dma_start3A_200 = arith.constant 0 : i32
      %dma_start3A_201 = tpu.memref_slice %arg3[%dma_start3A_199, %dma_start3A_200] : memref<1000000x64xf32, #tpu.memory_space<hbm>> -> memref<1000000x64xf32, #tpu.memory_space<hbm>>
      tpu.enqueue_indirect_dma source(%dma_start3A_201 : memref<1000000x64xf32, #tpu.memory_space<hbm>>) target(%dma_start3A_195 : memref<40x64xf32, #tpu.memory_space<vmem>>) offsets(%dma_start3A_198 : memref<40xi32, #tpu.memory_space<vmem>>) semaphore(%arg10 : memref<!tpu.dma_semaphore, #tpu.memory_space<semaphore_mem>>)
      %dma_start3A_202 = arith.constant 3 : i32
      %dma_start3A_203 = arith.constant 3 : i32
      %dma_start3A_204 = arith.constant 0 : i32
      %dma_start3A_205 = arith.constant 0 : i32
      %dma_start3A_206 = tpu.memref_slice %arg8[%dma_start3A_203, %dma_start3A_204, %dma_start3A_205] : memref<4x200x64xf32, #tpu.memory_space<vmem>> -> memref<1x40x64xf32, #tpu.memory_space<vmem>>
      %dma_start3A_207 = tpu.memref_squeeze %dma_start3A_206 : memref<1x40x64xf32, #tpu.memory_space<vmem>> -> memref<40x64xf32, #tpu.memory_space<vmem>>
      %dma_start3A_208 = arith.constant 0 : i32
      %dma_start3A_209 = tpu.memref_slice %arg7[%dma_start3A_202, %dma_start3A_208] : memref<8x200xi32, #tpu.memory_space<vmem>> -> memref<1x40xi32, #tpu.memory_space<vmem>>
      %dma_start3A_210 = tpu.memref_squeeze %dma_start3A_209 : memref<1x40xi32, #tpu.memory_space<vmem>> -> memref<40xi32, #tpu.memory_space<vmem>>
      %dma_start3A_211 = arith.constant 0 : i32
      %dma_start3A_212 = arith.constant 0 : i32
      %dma_start3A_213 = tpu.memref_slice %arg3[%dma_start3A_211, %dma_start3A_212] : memref<1000000x64xf32, #tpu.memory_space<hbm>> -> memref<1000000x64xf32, #tpu.memory_space<hbm>>
      tpu.enqueue_indirect_dma source(%dma_start3A_213 : memref<1000000x64xf32, #tpu.memory_space<hbm>>) target(%dma_start3A_207 : memref<40x64xf32, #tpu.memory_space<vmem>>) offsets(%dma_start3A_210 : memref<40xi32, #tpu.memory_space<vmem>>) semaphore(%arg10 : memref<!tpu.dma_semaphore, #tpu.memory_space<semaphore_mem>>)
      %dma_start3A_214 = arith.constant 3 : i32
      %dma_start3A_215 = arith.constant 3 : i32
      %dma_start3A_216 = arith.constant 40 : i32
      %dma_start3A_217 = arith.constant 0 : i32
      %dma_start3A_218 = tpu.memref_slice %arg8[%dma_start3A_215, %dma_start3A_216, %dma_start3A_217] : memref<4x200x64xf32, #tpu.memory_space<vmem>> -> memref<1x40x64xf32, #tpu.memory_space<vmem>>
      %dma_start3A_219 = tpu.memref_squeeze %dma_start3A_218 : memref<1x40x64xf32, #tpu.memory_space<vmem>> -> memref<40x64xf32, #tpu.memory_space<vmem>>
      %dma_start3A_220 = arith.constant 40 : i32
      %dma_start3A_221 = tpu.memref_slice %arg7[%dma_start3A_214, %dma_start3A_220] : memref<8x200xi32, #tpu.memory_space<vmem>> -> memref<1x40xi32, #tpu.memory_space<vmem>>
      %dma_start3A_222 = tpu.memref_squeeze %dma_start3A_221 : memref<1x40xi32, #tpu.memory_space<vmem>> -> memref<40xi32, #tpu.memory_space<vmem>>
      %dma_start3A_223 = arith.constant 0 : i32
      %dma_start3A_224 = arith.constant 0 : i32
      %dma_start3A_225 = tpu.memref_slice %arg3[%dma_start3A_223, %dma_start3A_224] : memref<1000000x64xf32, #tpu.memory_space<hbm>> -> memref<1000000x64xf32, #tpu.memory_space<hbm>>
      tpu.enqueue_indirect_dma source(%dma_start3A_225 : memref<1000000x64xf32, #tpu.memory_space<hbm>>) target(%dma_start3A_219 : memref<40x64xf32, #tpu.memory_space<vmem>>) offsets(%dma_start3A_222 : memref<40xi32, #tpu.memory_space<vmem>>) semaphore(%arg10 : memref<!tpu.dma_semaphore, #tpu.memory_space<semaphore_mem>>)
      %dma_start3A_226 = arith.constant 3 : i32
      %dma_start3A_227 = arith.constant 3 : i32
      %dma_start3A_228 = arith.constant 80 : i32
      %dma_start3A_229 = arith.constant 0 : i32
      %dma_start3A_230 = tpu.memref_slice %arg8[%dma_start3A_227, %dma_start3A_228, %dma_start3A_229] : memref<4x200x64xf32, #tpu.memory_space<vmem>> -> memref<1x40x64xf32, #tpu.memory_space<vmem>>
      %dma_start3A_231 = tpu.memref_squeeze %dma_start3A_230 : memref<1x40x64xf32, #tpu.memory_space<vmem>> -> memref<40x64xf32, #tpu.memory_space<vmem>>
      %dma_start3A_232 = arith.constant 80 : i32
      %dma_start3A_233 = tpu.memref_slice %arg7[%dma_start3A_226, %dma_start3A_232] : memref<8x200xi32, #tpu.memory_space<vmem>> -> memref<1x40xi32, #tpu.memory_space<vmem>>
      %dma_start3A_234 = tpu.memref_squeeze %dma_start3A_233 : memref<1x40xi32, #tpu.memory_space<vmem>> -> memref<40xi32, #tpu.memory_space<vmem>>
      %dma_start3A_235 = arith.constant 0 : i32
      %dma_start3A_236 = arith.constant 0 : i32
      %dma_start3A_237 = tpu.memref_slice %arg3[%dma_start3A_235, %dma_start3A_236] : memref<1000000x64xf32, #tpu.memory_space<hbm>> -> memref<1000000x64xf32, #tpu.memory_space<hbm>>
      tpu.enqueue_indirect_dma source(%dma_start3A_237 : memref<1000000x64xf32, #tpu.memory_space<hbm>>) target(%dma_start3A_231 : memref<40x64xf32, #tpu.memory_space<vmem>>) offsets(%dma_start3A_234 : memref<40xi32, #tpu.memory_space<vmem>>) semaphore(%arg10 : memref<!tpu.dma_semaphore, #tpu.memory_space<semaphore_mem>>)
      %dma_start3A_238 = arith.constant 3 : i32
      %dma_start3A_239 = arith.constant 3 : i32
      %dma_start3A_240 = arith.constant 120 : i32
      %dma_start3A_241 = arith.constant 0 : i32
      %dma_start3A_242 = tpu.memref_slice %arg8[%dma_start3A_239, %dma_start3A_240, %dma_start3A_241] : memref<4x200x64xf32, #tpu.memory_space<vmem>> -> memref<1x40x64xf32, #tpu.memory_space<vmem>>
      %dma_start3A_243 = tpu.memref_squeeze %dma_start3A_242 : memref<1x40x64xf32, #tpu.memory_space<vmem>> -> memref<40x64xf32, #tpu.memory_space<vmem>>
      %dma_start3A_244 = arith.constant 120 : i32
      %dma_start3A_245 = tpu.memref_slice %arg7[%dma_start3A_238, %dma_start3A_244] : memref<8x200xi32, #tpu.memory_space<vmem>> -> memref<1x40xi32, #tpu.memory_space<vmem>>
      %dma_start3A_246 = tpu.memref_squeeze %dma_start3A_245 : memref<1x40xi32, #tpu.memory_space<vmem>> -> memref<40xi32, #tpu.memory_space<vmem>>
      %dma_start3A_247 = arith.constant 0 : i32
      %dma_start3A_248 = arith.constant 0 : i32
      %dma_start3A_249 = tpu.memref_slice %arg3[%dma_start3A_247, %dma_start3A_248] : memref<1000000x64xf32, #tpu.memory_space<hbm>> -> memref<1000000x64xf32, #tpu.memory_space<hbm>>
      tpu.enqueue_indirect_dma source(%dma_start3A_249 : memref<1000000x64xf32, #tpu.memory_space<hbm>>) target(%dma_start3A_243 : memref<40x64xf32, #tpu.memory_space<vmem>>) offsets(%dma_start3A_246 : memref<40xi32, #tpu.memory_space<vmem>>) semaphore(%arg10 : memref<!tpu.dma_semaphore, #tpu.memory_space<semaphore_mem>>)
      %dma_start3A_250 = arith.constant 3 : i32
      %dma_start3A_251 = arith.constant 3 : i32
      %dma_start3A_252 = arith.constant 160 : i32
      %dma_start3A_253 = arith.constant 0 : i32
      %dma_start3A_254 = tpu.memref_slice %arg8[%dma_start3A_251, %dma_start3A_252, %dma_start3A_253] : memref<4x200x64xf32, #tpu.memory_space<vmem>> -> memref<1x40x64xf32, #tpu.memory_space<vmem>>
      %dma_start3A_255 = tpu.memref_squeeze %dma_start3A_254 : memref<1x40x64xf32, #tpu.memory_space<vmem>> -> memref<40x64xf32, #tpu.memory_space<vmem>>
      %dma_start3A_256 = arith.constant 160 : i32
      %dma_start3A_257 = tpu.memref_slice %arg7[%dma_start3A_250, %dma_start3A_256] : memref<8x200xi32, #tpu.memory_space<vmem>> -> memref<1x40xi32, #tpu.memory_space<vmem>>
      %dma_start3A_258 = tpu.memref_squeeze %dma_start3A_257 : memref<1x40xi32, #tpu.memory_space<vmem>> -> memref<40xi32, #tpu.memory_space<vmem>>
      %dma_start3A_259 = arith.constant 0 : i32
      %dma_start3A_260 = arith.constant 0 : i32
      %dma_start3A_261 = tpu.memref_slice %arg3[%dma_start3A_259, %dma_start3A_260] : memref<1000000x64xf32, #tpu.memory_space<hbm>> -> memref<1000000x64xf32, #tpu.memory_space<hbm>>
      tpu.enqueue_indirect_dma source(%dma_start3A_261 : memref<1000000x64xf32, #tpu.memory_space<hbm>>) target(%dma_start3A_255 : memref<40x64xf32, #tpu.memory_space<vmem>>) offsets(%dma_start3A_258 : memref<40xi32, #tpu.memory_space<vmem>>) semaphore(%arg10 : memref<!tpu.dma_semaphore, #tpu.memory_space<semaphore_mem>>)
      %add3A_262 = arith.constant 4 : i32
      %add3A_263 = arith.addi %multiple_of3A, %add3A_262 : i32
      %ne3A_264 = arith.constant 0 : i32
      %ne3A_265 = arith.cmpi ne, %scan3A_12, %ne3A_264 : i32
      %convert_element_type3A_266 = arith.extui %ne3A_265 : i1 to i32
      %cond3A_267 = arith.constant 0 : i32
      %cond3A_268 = arith.cmpi ne, %convert_element_type3A_266, %cond3A_267 : i32
      scf.if %cond3A_268 {
        %dma_wait3A_1017 = arith.constant 0 : i32
        %dma_wait3A_1018 = arith.constant 0 : i32
        %dma_wait3A_1019 = tpu.memref_slice %arg5[%add3A_263, %dma_wait3A_1017, %dma_wait3A_1018] : memref<4096x200x64xf32, #tpu.memory_space<hbm>> -> memref<4x200x64xf32, #tpu.memory_space<hbm>>
        %dma_wait3A_1020 = arith.constant 0 : i32
        %dma_wait3A_1021 = arith.constant 0 : i32
        %dma_wait3A_1022 = tpu.memref_slice %arg5[%add3A_263, %dma_wait3A_1020, %dma_wait3A_1021] : memref<4096x200x64xf32, #tpu.memory_space<hbm>> -> memref<4x200x64xf32, #tpu.memory_space<hbm>>
        tpu.wait_dma2 semaphore(%arg13 : memref<!tpu.dma_semaphore, #tpu.memory_space<semaphore_mem>>) src(%arg9 : memref<4x200x64xf32, #tpu.memory_space<vmem>>) dst(%dma_wait3A_1022 : memref<4x200x64xf32, #tpu.memory_space<hbm>>)
      } else {
      }
      %dma_start3A_269 = arith.constant 4 : i32
      %dma_start3A_270 = arith.constant 0 : i32
      %dma_start3A_271 = arith.constant 0 : i32
      %dma_start3A_272 = arith.constant 0 : i32
      %dma_start3A_273 = tpu.memref_slice %arg9[%dma_start3A_270, %dma_start3A_271, %dma_start3A_272] : memref<4x200x64xf32, #tpu.memory_space<vmem>> -> memref<1x40x64xf32, #tpu.memory_space<vmem>>
      %dma_start3A_274 = tpu.memref_squeeze %dma_start3A_273 : memref<1x40x64xf32, #tpu.memory_space<vmem>> -> memref<40x64xf32, #tpu.memory_space<vmem>>
      %dma_start3A_275 = arith.constant 0 : i32
      %dma_start3A_276 = tpu.memref_slice %arg7[%dma_start3A_269, %dma_start3A_275] : memref<8x200xi32, #tpu.memory_space<vmem>> -> memref<1x40xi32, #tpu.memory_space<vmem>>
      %dma_start3A_277 = tpu.memref_squeeze %dma_start3A_276 : memref<1x40xi32, #tpu.memory_space<vmem>> -> memref<40xi32, #tpu.memory_space<vmem>>
      %dma_start3A_278 = arith.constant 0 : i32
      %dma_start3A_279 = arith.constant 0 : i32
      %dma_start3A_280 = tpu.memref_slice %arg3[%dma_start3A_278, %dma_start3A_279] : memref<1000000x64xf32, #tpu.memory_space<hbm>> -> memref<1000000x64xf32, #tpu.memory_space<hbm>>
      tpu.enqueue_indirect_dma source(%dma_start3A_280 : memref<1000000x64xf32, #tpu.memory_space<hbm>>) target(%dma_start3A_274 : memref<40x64xf32, #tpu.memory_space<vmem>>) offsets(%dma_start3A_277 : memref<40xi32, #tpu.memory_space<vmem>>) semaphore(%arg11 : memref<!tpu.dma_semaphore, #tpu.memory_space<semaphore_mem>>)
      %dma_start3A_281 = arith.constant 4 : i32
      %dma_start3A_282 = arith.constant 0 : i32
      %dma_start3A_283 = arith.constant 40 : i32
      %dma_start3A_284 = arith.constant 0 : i32
      %dma_start3A_285 = tpu.memref_slice %arg9[%dma_start3A_282, %dma_start3A_283, %dma_start3A_284] : memref<4x200x64xf32, #tpu.memory_space<vmem>> -> memref<1x40x64xf32, #tpu.memory_space<vmem>>
      %dma_start3A_286 = tpu.memref_squeeze %dma_start3A_285 : memref<1x40x64xf32, #tpu.memory_space<vmem>> -> memref<40x64xf32, #tpu.memory_space<vmem>>
      %dma_start3A_287 = arith.constant 40 : i32
      %dma_start3A_288 = tpu.memref_slice %arg7[%dma_start3A_281, %dma_start3A_287] : memref<8x200xi32, #tpu.memory_space<vmem>> -> memref<1x40xi32, #tpu.memory_space<vmem>>
      %dma_start3A_289 = tpu.memref_squeeze %dma_start3A_288 : memref<1x40xi32, #tpu.memory_space<vmem>> -> memref<40xi32, #tpu.memory_space<vmem>>
      %dma_start3A_290 = arith.constant 0 : i32
      %dma_start3A_291 = arith.constant 0 : i32
      %dma_start3A_292 = tpu.memref_slice %arg3[%dma_start3A_290, %dma_start3A_291] : memref<1000000x64xf32, #tpu.memory_space<hbm>> -> memref<1000000x64xf32, #tpu.memory_space<hbm>>
      tpu.enqueue_indirect_dma source(%dma_start3A_292 : memref<1000000x64xf32, #tpu.memory_space<hbm>>) target(%dma_start3A_286 : memref<40x64xf32, #tpu.memory_space<vmem>>) offsets(%dma_start3A_289 : memref<40xi32, #tpu.memory_space<vmem>>) semaphore(%arg11 : memref<!tpu.dma_semaphore, #tpu.memory_space<semaphore_mem>>)
      %dma_start3A_293 = arith.constant 4 : i32
      %dma_start3A_294 = arith.constant 0 : i32
      %dma_start3A_295 = arith.constant 80 : i32
      %dma_start3A_296 = arith.constant 0 : i32
      %dma_start3A_297 = tpu.memref_slice %arg9[%dma_start3A_294, %dma_start3A_295, %dma_start3A_296] : memref<4x200x64xf32, #tpu.memory_space<vmem>> -> memref<1x40x64xf32, #tpu.memory_space<vmem>>
      %dma_start3A_298 = tpu.memref_squeeze %dma_start3A_297 : memref<1x40x64xf32, #tpu.memory_space<vmem>> -> memref<40x64xf32, #tpu.memory_space<vmem>>
      %dma_start3A_299 = arith.constant 80 : i32
      %dma_start3A_300 = tpu.memref_slice %arg7[%dma_start3A_293, %dma_start3A_299] : memref<8x200xi32, #tpu.memory_space<vmem>> -> memref<1x40xi32, #tpu.memory_space<vmem>>
      %dma_start3A_301 = tpu.memref_squeeze %dma_start3A_300 : memref<1x40xi32, #tpu.memory_space<vmem>> -> memref<40xi32, #tpu.memory_space<vmem>>
      %dma_start3A_302 = arith.constant 0 : i32
      %dma_start3A_303 = arith.constant 0 : i32
      %dma_start3A_304 = tpu.memref_slice %arg3[%dma_start3A_302, %dma_start3A_303] : memref<1000000x64xf32, #tpu.memory_space<hbm>> -> memref<1000000x64xf32, #tpu.memory_space<hbm>>
      tpu.enqueue_indirect_dma source(%dma_start3A_304 : memref<1000000x64xf32, #tpu.memory_space<hbm>>) target(%dma_start3A_298 : memref<40x64xf32, #tpu.memory_space<vmem>>) offsets(%dma_start3A_301 : memref<40xi32, #tpu.memory_space<vmem>>) semaphore(%arg11 : memref<!tpu.dma_semaphore, #tpu.memory_space<semaphore_mem>>)
      %dma_start3A_305 = arith.constant 4 : i32
      %dma_start3A_306 = arith.constant 0 : i32
      %dma_start3A_307 = arith.constant 120 : i32
      %dma_start3A_308 = arith.constant 0 : i32
      %dma_start3A_309 = tpu.memref_slice %arg9[%dma_start3A_306, %dma_start3A_307, %dma_start3A_308] : memref<4x200x64xf32, #tpu.memory_space<vmem>> -> memref<1x40x64xf32, #tpu.memory_space<vmem>>
      %dma_start3A_310 = tpu.memref_squeeze %dma_start3A_309 : memref<1x40x64xf32, #tpu.memory_space<vmem>> -> memref<40x64xf32, #tpu.memory_space<vmem>>
      %dma_start3A_311 = arith.constant 120 : i32
      %dma_start3A_312 = tpu.memref_slice %arg7[%dma_start3A_305, %dma_start3A_311] : memref<8x200xi32, #tpu.memory_space<vmem>> -> memref<1x40xi32, #tpu.memory_space<vmem>>
      %dma_start3A_313 = tpu.memref_squeeze %dma_start3A_312 : memref<1x40xi32, #tpu.memory_space<vmem>> -> memref<40xi32, #tpu.memory_space<vmem>>
      %dma_start3A_314 = arith.constant 0 : i32
      %dma_start3A_315 = arith.constant 0 : i32
      %dma_start3A_316 = tpu.memref_slice %arg3[%dma_start3A_314, %dma_start3A_315] : memref<1000000x64xf32, #tpu.memory_space<hbm>> -> memref<1000000x64xf32, #tpu.memory_space<hbm>>
      tpu.enqueue_indirect_dma source(%dma_start3A_316 : memref<1000000x64xf32, #tpu.memory_space<hbm>>) target(%dma_start3A_310 : memref<40x64xf32, #tpu.memory_space<vmem>>) offsets(%dma_start3A_313 : memref<40xi32, #tpu.memory_space<vmem>>) semaphore(%arg11 : memref<!tpu.dma_semaphore, #tpu.memory_space<semaphore_mem>>)
      %dma_start3A_317 = arith.constant 4 : i32
      %dma_start3A_318 = arith.constant 0 : i32
      %dma_start3A_319 = arith.constant 160 : i32
      %dma_start3A_320 = arith.constant 0 : i32
      %dma_start3A_321 = tpu.memref_slice %arg9[%dma_start3A_318, %dma_start3A_319, %dma_start3A_320] : memref<4x200x64xf32, #tpu.memory_space<vmem>> -> memref<1x40x64xf32, #tpu.memory_space<vmem>>
      %dma_start3A_322 = tpu.memref_squeeze %dma_start3A_321 : memref<1x40x64xf32, #tpu.memory_space<vmem>> -> memref<40x64xf32, #tpu.memory_space<vmem>>
      %dma_start3A_323 = arith.constant 160 : i32
      %dma_start3A_324 = tpu.memref_slice %arg7[%dma_start3A_317, %dma_start3A_323] : memref<8x200xi32, #tpu.memory_space<vmem>> -> memref<1x40xi32, #tpu.memory_space<vmem>>
      %dma_start3A_325 = tpu.memref_squeeze %dma_start3A_324 : memref<1x40xi32, #tpu.memory_space<vmem>> -> memref<40xi32, #tpu.memory_space<vmem>>
      %dma_start3A_326 = arith.constant 0 : i32
      %dma_start3A_327 = arith.constant 0 : i32
      %dma_start3A_328 = tpu.memref_slice %arg3[%dma_start3A_326, %dma_start3A_327] : memref<1000000x64xf32, #tpu.memory_space<hbm>> -> memref<1000000x64xf32, #tpu.memory_space<hbm>>
      tpu.enqueue_indirect_dma source(%dma_start3A_328 : memref<1000000x64xf32, #tpu.memory_space<hbm>>) target(%dma_start3A_322 : memref<40x64xf32, #tpu.memory_space<vmem>>) offsets(%dma_start3A_325 : memref<40xi32, #tpu.memory_space<vmem>>) semaphore(%arg11 : memref<!tpu.dma_semaphore, #tpu.memory_space<semaphore_mem>>)
      %dma_start3A_329 = arith.constant 5 : i32
      %dma_start3A_330 = arith.constant 1 : i32
      %dma_start3A_331 = arith.constant 0 : i32
      %dma_start3A_332 = arith.constant 0 : i32
      %dma_start3A_333 = tpu.memref_slice %arg9[%dma_start3A_330, %dma_start3A_331, %dma_start3A_332] : memref<4x200x64xf32, #tpu.memory_space<vmem>> -> memref<1x40x64xf32, #tpu.memory_space<vmem>>
      %dma_start3A_334 = tpu.memref_squeeze %dma_start3A_333 : memref<1x40x64xf32, #tpu.memory_space<vmem>> -> memref<40x64xf32, #tpu.memory_space<vmem>>
      %dma_start3A_335 = arith.constant 0 : i32
      %dma_start3A_336 = tpu.memref_slice %arg7[%dma_start3A_329, %dma_start3A_335] : memref<8x200xi32, #tpu.memory_space<vmem>> -> memref<1x40xi32, #tpu.memory_space<vmem>>
      %dma_start3A_337 = tpu.memref_squeeze %dma_start3A_336 : memref<1x40xi32, #tpu.memory_space<vmem>> -> memref<40xi32, #tpu.memory_space<vmem>>
      %dma_start3A_338 = arith.constant 0 : i32
      %dma_start3A_339 = arith.constant 0 : i32
      %dma_start3A_340 = tpu.memref_slice %arg3[%dma_start3A_338, %dma_start3A_339] : memref<1000000x64xf32, #tpu.memory_space<hbm>> -> memref<1000000x64xf32, #tpu.memory_space<hbm>>
      tpu.enqueue_indirect_dma source(%dma_start3A_340 : memref<1000000x64xf32, #tpu.memory_space<hbm>>) target(%dma_start3A_334 : memref<40x64xf32, #tpu.memory_space<vmem>>) offsets(%dma_start3A_337 : memref<40xi32, #tpu.memory_space<vmem>>) semaphore(%arg11 : memref<!tpu.dma_semaphore, #tpu.memory_space<semaphore_mem>>)
      %dma_start3A_341 = arith.constant 5 : i32
      %dma_start3A_342 = arith.constant 1 : i32
      %dma_start3A_343 = arith.constant 40 : i32
      %dma_start3A_344 = arith.constant 0 : i32
      %dma_start3A_345 = tpu.memref_slice %arg9[%dma_start3A_342, %dma_start3A_343, %dma_start3A_344] : memref<4x200x64xf32, #tpu.memory_space<vmem>> -> memref<1x40x64xf32, #tpu.memory_space<vmem>>
      %dma_start3A_346 = tpu.memref_squeeze %dma_start3A_345 : memref<1x40x64xf32, #tpu.memory_space<vmem>> -> memref<40x64xf32, #tpu.memory_space<vmem>>
      %dma_start3A_347 = arith.constant 40 : i32
      %dma_start3A_348 = tpu.memref_slice %arg7[%dma_start3A_341, %dma_start3A_347] : memref<8x200xi32, #tpu.memory_space<vmem>> -> memref<1x40xi32, #tpu.memory_space<vmem>>
      %dma_start3A_349 = tpu.memref_squeeze %dma_start3A_348 : memref<1x40xi32, #tpu.memory_space<vmem>> -> memref<40xi32, #tpu.memory_space<vmem>>
      %dma_start3A_350 = arith.constant 0 : i32
      %dma_start3A_351 = arith.constant 0 : i32
      %dma_start3A_352 = tpu.memref_slice %arg3[%dma_start3A_350, %dma_start3A_351] : memref<1000000x64xf32, #tpu.memory_space<hbm>> -> memref<1000000x64xf32, #tpu.memory_space<hbm>>
      tpu.enqueue_indirect_dma source(%dma_start3A_352 : memref<1000000x64xf32, #tpu.memory_space<hbm>>) target(%dma_start3A_346 : memref<40x64xf32, #tpu.memory_space<vmem>>) offsets(%dma_start3A_349 : memref<40xi32, #tpu.memory_space<vmem>>) semaphore(%arg11 : memref<!tpu.dma_semaphore, #tpu.memory_space<semaphore_mem>>)
      %dma_start3A_353 = arith.constant 5 : i32
      %dma_start3A_354 = arith.constant 1 : i32
      %dma_start3A_355 = arith.constant 80 : i32
      %dma_start3A_356 = arith.constant 0 : i32
      %dma_start3A_357 = tpu.memref_slice %arg9[%dma_start3A_354, %dma_start3A_355, %dma_start3A_356] : memref<4x200x64xf32, #tpu.memory_space<vmem>> -> memref<1x40x64xf32, #tpu.memory_space<vmem>>
      %dma_start3A_358 = tpu.memref_squeeze %dma_start3A_357 : memref<1x40x64xf32, #tpu.memory_space<vmem>> -> memref<40x64xf32, #tpu.memory_space<vmem>>
      %dma_start3A_359 = arith.constant 80 : i32
      %dma_start3A_360 = tpu.memref_slice %arg7[%dma_start3A_353, %dma_start3A_359] : memref<8x200xi32, #tpu.memory_space<vmem>> -> memref<1x40xi32, #tpu.memory_space<vmem>>
      %dma_start3A_361 = tpu.memref_squeeze %dma_start3A_360 : memref<1x40xi32, #tpu.memory_space<vmem>> -> memref<40xi32, #tpu.memory_space<vmem>>
      %dma_start3A_362 = arith.constant 0 : i32
      %dma_start3A_363 = arith.constant 0 : i32
      %dma_start3A_364 = tpu.memref_slice %arg3[%dma_start3A_362, %dma_start3A_363] : memref<1000000x64xf32, #tpu.memory_space<hbm>> -> memref<1000000x64xf32, #tpu.memory_space<hbm>>
      tpu.enqueue_indirect_dma source(%dma_start3A_364 : memref<1000000x64xf32, #tpu.memory_space<hbm>>) target(%dma_start3A_358 : memref<40x64xf32, #tpu.memory_space<vmem>>) offsets(%dma_start3A_361 : memref<40xi32, #tpu.memory_space<vmem>>) semaphore(%arg11 : memref<!tpu.dma_semaphore, #tpu.memory_space<semaphore_mem>>)
      %dma_start3A_365 = arith.constant 5 : i32
      %dma_start3A_366 = arith.constant 1 : i32
      %dma_start3A_367 = arith.constant 120 : i32
      %dma_start3A_368 = arith.constant 0 : i32
      %dma_start3A_369 = tpu.memref_slice %arg9[%dma_start3A_366, %dma_start3A_367, %dma_start3A_368] : memref<4x200x64xf32, #tpu.memory_space<vmem>> -> memref<1x40x64xf32, #tpu.memory_space<vmem>>
      %dma_start3A_370 = tpu.memref_squeeze %dma_start3A_369 : memref<1x40x64xf32, #tpu.memory_space<vmem>> -> memref<40x64xf32, #tpu.memory_space<vmem>>
      %dma_start3A_371 = arith.constant 120 : i32
      %dma_start3A_372 = tpu.memref_slice %arg7[%dma_start3A_365, %dma_start3A_371] : memref<8x200xi32, #tpu.memory_space<vmem>> -> memref<1x40xi32, #tpu.memory_space<vmem>>
      %dma_start3A_373 = tpu.memref_squeeze %dma_start3A_372 : memref<1x40xi32, #tpu.memory_space<vmem>> -> memref<40xi32, #tpu.memory_space<vmem>>
      %dma_start3A_374 = arith.constant 0 : i32
      %dma_start3A_375 = arith.constant 0 : i32
      %dma_start3A_376 = tpu.memref_slice %arg3[%dma_start3A_374, %dma_start3A_375] : memref<1000000x64xf32, #tpu.memory_space<hbm>> -> memref<1000000x64xf32, #tpu.memory_space<hbm>>
      tpu.enqueue_indirect_dma source(%dma_start3A_376 : memref<1000000x64xf32, #tpu.memory_space<hbm>>) target(%dma_start3A_370 : memref<40x64xf32, #tpu.memory_space<vmem>>) offsets(%dma_start3A_373 : memref<40xi32, #tpu.memory_space<vmem>>) semaphore(%arg11 : memref<!tpu.dma_semaphore, #tpu.memory_space<semaphore_mem>>)
      %dma_start3A_377 = arith.constant 5 : i32
      %dma_start3A_378 = arith.constant 1 : i32
      %dma_start3A_379 = arith.constant 160 : i32
      %dma_start3A_380 = arith.constant 0 : i32
      %dma_start3A_381 = tpu.memref_slice %arg9[%dma_start3A_378, %dma_start3A_379, %dma_start3A_380] : memref<4x200x64xf32, #tpu.memory_space<vmem>> -> memref<1x40x64xf32, #tpu.memory_space<vmem>>
      %dma_start3A_382 = tpu.memref_squeeze %dma_start3A_381 : memref<1x40x64xf32, #tpu.memory_space<vmem>> -> memref<40x64xf32, #tpu.memory_space<vmem>>
      %dma_start3A_383 = arith.constant 160 : i32
      %dma_start3A_384 = tpu.memref_slice %arg7[%dma_start3A_377, %dma_start3A_383] : memref<8x200xi32, #tpu.memory_space<vmem>> -> memref<1x40xi32, #tpu.memory_space<vmem>>
      %dma_start3A_385 = tpu.memref_squeeze %dma_start3A_384 : memref<1x40xi32, #tpu.memory_space<vmem>> -> memref<40xi32, #tpu.memory_space<vmem>>
      %dma_start3A_386 = arith.constant 0 : i32
      %dma_start3A_387 = arith.constant 0 : i32
      %dma_start3A_388 = tpu.memref_slice %arg3[%dma_start3A_386, %dma_start3A_387] : memref<1000000x64xf32, #tpu.memory_space<hbm>> -> memref<1000000x64xf32, #tpu.memory_space<hbm>>
      tpu.enqueue_indirect_dma source(%dma_start3A_388 : memref<1000000x64xf32, #tpu.memory_space<hbm>>) target(%dma_start3A_382 : memref<40x64xf32, #tpu.memory_space<vmem>>) offsets(%dma_start3A_385 : memref<40xi32, #tpu.memory_space<vmem>>) semaphore(%arg11 : memref<!tpu.dma_semaphore, #tpu.memory_space<semaphore_mem>>)
      %dma_start3A_389 = arith.constant 6 : i32
      %dma_start3A_390 = arith.constant 2 : i32
      %dma_start3A_391 = arith.constant 0 : i32
      %dma_start3A_392 = arith.constant 0 : i32
      %dma_start3A_393 = tpu.memref_slice %arg9[%dma_start3A_390, %dma_start3A_391, %dma_start3A_392] : memref<4x200x64xf32, #tpu.memory_space<vmem>> -> memref<1x40x64xf32, #tpu.memory_space<vmem>>
      %dma_start3A_394 = tpu.memref_squeeze %dma_start3A_393 : memref<1x40x64xf32, #tpu.memory_space<vmem>> -> memref<40x64xf32, #tpu.memory_space<vmem>>
      %dma_start3A_395 = arith.constant 0 : i32
      %dma_start3A_396 = tpu.memref_slice %arg7[%dma_start3A_389, %dma_start3A_395] : memref<8x200xi32, #tpu.memory_space<vmem>> -> memref<1x40xi32, #tpu.memory_space<vmem>>
      %dma_start3A_397 = tpu.memref_squeeze %dma_start3A_396 : memref<1x40xi32, #tpu.memory_space<vmem>> -> memref<40xi32, #tpu.memory_space<vmem>>
      %dma_start3A_398 = arith.constant 0 : i32
      %dma_start3A_399 = arith.constant 0 : i32
      %dma_start3A_400 = tpu.memref_slice %arg3[%dma_start3A_398, %dma_start3A_399] : memref<1000000x64xf32, #tpu.memory_space<hbm>> -> memref<1000000x64xf32, #tpu.memory_space<hbm>>
      tpu.enqueue_indirect_dma source(%dma_start3A_400 : memref<1000000x64xf32, #tpu.memory_space<hbm>>) target(%dma_start3A_394 : memref<40x64xf32, #tpu.memory_space<vmem>>) offsets(%dma_start3A_397 : memref<40xi32, #tpu.memory_space<vmem>>) semaphore(%arg11 : memref<!tpu.dma_semaphore, #tpu.memory_space<semaphore_mem>>)
      %dma_start3A_401 = arith.constant 6 : i32
      %dma_start3A_402 = arith.constant 2 : i32
      %dma_start3A_403 = arith.constant 40 : i32
      %dma_start3A_404 = arith.constant 0 : i32
      %dma_start3A_405 = tpu.memref_slice %arg9[%dma_start3A_402, %dma_start3A_403, %dma_start3A_404] : memref<4x200x64xf32, #tpu.memory_space<vmem>> -> memref<1x40x64xf32, #tpu.memory_space<vmem>>
      %dma_start3A_406 = tpu.memref_squeeze %dma_start3A_405 : memref<1x40x64xf32, #tpu.memory_space<vmem>> -> memref<40x64xf32, #tpu.memory_space<vmem>>
      %dma_start3A_407 = arith.constant 40 : i32
      %dma_start3A_408 = tpu.memref_slice %arg7[%dma_start3A_401, %dma_start3A_407] : memref<8x200xi32, #tpu.memory_space<vmem>> -> memref<1x40xi32, #tpu.memory_space<vmem>>
      %dma_start3A_409 = tpu.memref_squeeze %dma_start3A_408 : memref<1x40xi32, #tpu.memory_space<vmem>> -> memref<40xi32, #tpu.memory_space<vmem>>
      %dma_start3A_410 = arith.constant 0 : i32
      %dma_start3A_411 = arith.constant 0 : i32
      %dma_start3A_412 = tpu.memref_slice %arg3[%dma_start3A_410, %dma_start3A_411] : memref<1000000x64xf32, #tpu.memory_space<hbm>> -> memref<1000000x64xf32, #tpu.memory_space<hbm>>
      tpu.enqueue_indirect_dma source(%dma_start3A_412 : memref<1000000x64xf32, #tpu.memory_space<hbm>>) target(%dma_start3A_406 : memref<40x64xf32, #tpu.memory_space<vmem>>) offsets(%dma_start3A_409 : memref<40xi32, #tpu.memory_space<vmem>>) semaphore(%arg11 : memref<!tpu.dma_semaphore, #tpu.memory_space<semaphore_mem>>)
      %dma_start3A_413 = arith.constant 6 : i32
      %dma_start3A_414 = arith.constant 2 : i32
      %dma_start3A_415 = arith.constant 80 : i32
      %dma_start3A_416 = arith.constant 0 : i32
      %dma_start3A_417 = tpu.memref_slice %arg9[%dma_start3A_414, %dma_start3A_415, %dma_start3A_416] : memref<4x200x64xf32, #tpu.memory_space<vmem>> -> memref<1x40x64xf32, #tpu.memory_space<vmem>>
      %dma_start3A_418 = tpu.memref_squeeze %dma_start3A_417 : memref<1x40x64xf32, #tpu.memory_space<vmem>> -> memref<40x64xf32, #tpu.memory_space<vmem>>
      %dma_start3A_419 = arith.constant 80 : i32
      %dma_start3A_420 = tpu.memref_slice %arg7[%dma_start3A_413, %dma_start3A_419] : memref<8x200xi32, #tpu.memory_space<vmem>> -> memref<1x40xi32, #tpu.memory_space<vmem>>
      %dma_start3A_421 = tpu.memref_squeeze %dma_start3A_420 : memref<1x40xi32, #tpu.memory_space<vmem>> -> memref<40xi32, #tpu.memory_space<vmem>>
      %dma_start3A_422 = arith.constant 0 : i32
      %dma_start3A_423 = arith.constant 0 : i32
      %dma_start3A_424 = tpu.memref_slice %arg3[%dma_start3A_422, %dma_start3A_423] : memref<1000000x64xf32, #tpu.memory_space<hbm>> -> memref<1000000x64xf32, #tpu.memory_space<hbm>>
      tpu.enqueue_indirect_dma source(%dma_start3A_424 : memref<1000000x64xf32, #tpu.memory_space<hbm>>) target(%dma_start3A_418 : memref<40x64xf32, #tpu.memory_space<vmem>>) offsets(%dma_start3A_421 : memref<40xi32, #tpu.memory_space<vmem>>) semaphore(%arg11 : memref<!tpu.dma_semaphore, #tpu.memory_space<semaphore_mem>>)
      %dma_start3A_425 = arith.constant 6 : i32
      %dma_start3A_426 = arith.constant 2 : i32
      %dma_start3A_427 = arith.constant 120 : i32
      %dma_start3A_428 = arith.constant 0 : i32
      %dma_start3A_429 = tpu.memref_slice %arg9[%dma_start3A_426, %dma_start3A_427, %dma_start3A_428] : memref<4x200x64xf32, #tpu.memory_space<vmem>> -> memref<1x40x64xf32, #tpu.memory_space<vmem>>
      %dma_start3A_430 = tpu.memref_squeeze %dma_start3A_429 : memref<1x40x64xf32, #tpu.memory_space<vmem>> -> memref<40x64xf32, #tpu.memory_space<vmem>>
      %dma_start3A_431 = arith.constant 120 : i32
      %dma_start3A_432 = tpu.memref_slice %arg7[%dma_start3A_425, %dma_start3A_431] : memref<8x200xi32, #tpu.memory_space<vmem>> -> memref<1x40xi32, #tpu.memory_space<vmem>>
      %dma_start3A_433 = tpu.memref_squeeze %dma_start3A_432 : memref<1x40xi32, #tpu.memory_space<vmem>> -> memref<40xi32, #tpu.memory_space<vmem>>
      %dma_start3A_434 = arith.constant 0 : i32
      %dma_start3A_435 = arith.constant 0 : i32
      %dma_start3A_436 = tpu.memref_slice %arg3[%dma_start3A_434, %dma_start3A_435] : memref<1000000x64xf32, #tpu.memory_space<hbm>> -> memref<1000000x64xf32, #tpu.memory_space<hbm>>
      tpu.enqueue_indirect_dma source(%dma_start3A_436 : memref<1000000x64xf32, #tpu.memory_space<hbm>>) target(%dma_start3A_430 : memref<40x64xf32, #tpu.memory_space<vmem>>) offsets(%dma_start3A_433 : memref<40xi32, #tpu.memory_space<vmem>>) semaphore(%arg11 : memref<!tpu.dma_semaphore, #tpu.memory_space<semaphore_mem>>)
      %dma_start3A_437 = arith.constant 6 : i32
      %dma_start3A_438 = arith.constant 2 : i32
      %dma_start3A_439 = arith.constant 160 : i32
      %dma_start3A_440 = arith.constant 0 : i32
      %dma_start3A_441 = tpu.memref_slice %arg9[%dma_start3A_438, %dma_start3A_439, %dma_start3A_440] : memref<4x200x64xf32, #tpu.memory_space<vmem>> -> memref<1x40x64xf32, #tpu.memory_space<vmem>>
      %dma_start3A_442 = tpu.memref_squeeze %dma_start3A_441 : memref<1x40x64xf32, #tpu.memory_space<vmem>> -> memref<40x64xf32, #tpu.memory_space<vmem>>
      %dma_start3A_443 = arith.constant 160 : i32
      %dma_start3A_444 = tpu.memref_slice %arg7[%dma_start3A_437, %dma_start3A_443] : memref<8x200xi32, #tpu.memory_space<vmem>> -> memref<1x40xi32, #tpu.memory_space<vmem>>
      %dma_start3A_445 = tpu.memref_squeeze %dma_start3A_444 : memref<1x40xi32, #tpu.memory_space<vmem>> -> memref<40xi32, #tpu.memory_space<vmem>>
      %dma_start3A_446 = arith.constant 0 : i32
      %dma_start3A_447 = arith.constant 0 : i32
      %dma_start3A_448 = tpu.memref_slice %arg3[%dma_start3A_446, %dma_start3A_447] : memref<1000000x64xf32, #tpu.memory_space<hbm>> -> memref<1000000x64xf32, #tpu.memory_space<hbm>>
      tpu.enqueue_indirect_dma source(%dma_start3A_448 : memref<1000000x64xf32, #tpu.memory_space<hbm>>) target(%dma_start3A_442 : memref<40x64xf32, #tpu.memory_space<vmem>>) offsets(%dma_start3A_445 : memref<40xi32, #tpu.memory_space<vmem>>) semaphore(%arg11 : memref<!tpu.dma_semaphore, #tpu.memory_space<semaphore_mem>>)
      %dma_start3A_449 = arith.constant 7 : i32
      %dma_start3A_450 = arith.constant 3 : i32
      %dma_start3A_451 = arith.constant 0 : i32
      %dma_start3A_452 = arith.constant 0 : i32
      %dma_start3A_453 = tpu.memref_slice %arg9[%dma_start3A_450, %dma_start3A_451, %dma_start3A_452] : memref<4x200x64xf32, #tpu.memory_space<vmem>> -> memref<1x40x64xf32, #tpu.memory_space<vmem>>
      %dma_start3A_454 = tpu.memref_squeeze %dma_start3A_453 : memref<1x40x64xf32, #tpu.memory_space<vmem>> -> memref<40x64xf32, #tpu.memory_space<vmem>>
      %dma_start3A_455 = arith.constant 0 : i32
      %dma_start3A_456 = tpu.memref_slice %arg7[%dma_start3A_449, %dma_start3A_455] : memref<8x200xi32, #tpu.memory_space<vmem>> -> memref<1x40xi32, #tpu.memory_space<vmem>>
      %dma_start3A_457 = tpu.memref_squeeze %dma_start3A_456 : memref<1x40xi32, #tpu.memory_space<vmem>> -> memref<40xi32, #tpu.memory_space<vmem>>
      %dma_start3A_458 = arith.constant 0 : i32
      %dma_start3A_459 = arith.constant 0 : i32
      %dma_start3A_460 = tpu.memref_slice %arg3[%dma_start3A_458, %dma_start3A_459] : memref<1000000x64xf32, #tpu.memory_space<hbm>> -> memref<1000000x64xf32, #tpu.memory_space<hbm>>
      tpu.enqueue_indirect_dma source(%dma_start3A_460 : memref<1000000x64xf32, #tpu.memory_space<hbm>>) target(%dma_start3A_454 : memref<40x64xf32, #tpu.memory_space<vmem>>) offsets(%dma_start3A_457 : memref<40xi32, #tpu.memory_space<vmem>>) semaphore(%arg11 : memref<!tpu.dma_semaphore, #tpu.memory_space<semaphore_mem>>)
      %dma_start3A_461 = arith.constant 7 : i32
      %dma_start3A_462 = arith.constant 3 : i32
      %dma_start3A_463 = arith.constant 40 : i32
      %dma_start3A_464 = arith.constant 0 : i32
      %dma_start3A_465 = tpu.memref_slice %arg9[%dma_start3A_462, %dma_start3A_463, %dma_start3A_464] : memref<4x200x64xf32, #tpu.memory_space<vmem>> -> memref<1x40x64xf32, #tpu.memory_space<vmem>>
      %dma_start3A_466 = tpu.memref_squeeze %dma_start3A_465 : memref<1x40x64xf32, #tpu.memory_space<vmem>> -> memref<40x64xf32, #tpu.memory_space<vmem>>
      %dma_start3A_467 = arith.constant 40 : i32
      %dma_start3A_468 = tpu.memref_slice %arg7[%dma_start3A_461, %dma_start3A_467] : memref<8x200xi32, #tpu.memory_space<vmem>> -> memref<1x40xi32, #tpu.memory_space<vmem>>
      %dma_start3A_469 = tpu.memref_squeeze %dma_start3A_468 : memref<1x40xi32, #tpu.memory_space<vmem>> -> memref<40xi32, #tpu.memory_space<vmem>>
      %dma_start3A_470 = arith.constant 0 : i32
      %dma_start3A_471 = arith.constant 0 : i32
      %dma_start3A_472 = tpu.memref_slice %arg3[%dma_start3A_470, %dma_start3A_471] : memref<1000000x64xf32, #tpu.memory_space<hbm>> -> memref<1000000x64xf32, #tpu.memory_space<hbm>>
      tpu.enqueue_indirect_dma source(%dma_start3A_472 : memref<1000000x64xf32, #tpu.memory_space<hbm>>) target(%dma_start3A_466 : memref<40x64xf32, #tpu.memory_space<vmem>>) offsets(%dma_start3A_469 : memref<40xi32, #tpu.memory_space<vmem>>) semaphore(%arg11 : memref<!tpu.dma_semaphore, #tpu.memory_space<semaphore_mem>>)
      %dma_start3A_473 = arith.constant 7 : i32
      %dma_start3A_474 = arith.constant 3 : i32
      %dma_start3A_475 = arith.constant 80 : i32
      %dma_start3A_476 = arith.constant 0 : i32
      %dma_start3A_477 = tpu.memref_slice %arg9[%dma_start3A_474, %dma_start3A_475, %dma_start3A_476] : memref<4x200x64xf32, #tpu.memory_space<vmem>> -> memref<1x40x64xf32, #tpu.memory_space<vmem>>
      %dma_start3A_478 = tpu.memref_squeeze %dma_start3A_477 : memref<1x40x64xf32, #tpu.memory_space<vmem>> -> memref<40x64xf32, #tpu.memory_space<vmem>>
      %dma_start3A_479 = arith.constant 80 : i32
      %dma_start3A_480 = tpu.memref_slice %arg7[%dma_start3A_473, %dma_start3A_479] : memref<8x200xi32, #tpu.memory_space<vmem>> -> memref<1x40xi32, #tpu.memory_space<vmem>>
      %dma_start3A_481 = tpu.memref_squeeze %dma_start3A_480 : memref<1x40xi32, #tpu.memory_space<vmem>> -> memref<40xi32, #tpu.memory_space<vmem>>
      %dma_start3A_482 = arith.constant 0 : i32
      %dma_start3A_483 = arith.constant 0 : i32
      %dma_start3A_484 = tpu.memref_slice %arg3[%dma_start3A_482, %dma_start3A_483] : memref<1000000x64xf32, #tpu.memory_space<hbm>> -> memref<1000000x64xf32, #tpu.memory_space<hbm>>
      tpu.enqueue_indirect_dma source(%dma_start3A_484 : memref<1000000x64xf32, #tpu.memory_space<hbm>>) target(%dma_start3A_478 : memref<40x64xf32, #tpu.memory_space<vmem>>) offsets(%dma_start3A_481 : memref<40xi32, #tpu.memory_space<vmem>>) semaphore(%arg11 : memref<!tpu.dma_semaphore, #tpu.memory_space<semaphore_mem>>)
      %dma_start3A_485 = arith.constant 7 : i32
      %dma_start3A_486 = arith.constant 3 : i32
      %dma_start3A_487 = arith.constant 120 : i32
      %dma_start3A_488 = arith.constant 0 : i32
      %dma_start3A_489 = tpu.memref_slice %arg9[%dma_start3A_486, %dma_start3A_487, %dma_start3A_488] : memref<4x200x64xf32, #tpu.memory_space<vmem>> -> memref<1x40x64xf32, #tpu.memory_space<vmem>>
      %dma_start3A_490 = tpu.memref_squeeze %dma_start3A_489 : memref<1x40x64xf32, #tpu.memory_space<vmem>> -> memref<40x64xf32, #tpu.memory_space<vmem>>
      %dma_start3A_491 = arith.constant 120 : i32
      %dma_start3A_492 = tpu.memref_slice %arg7[%dma_start3A_485, %dma_start3A_491] : memref<8x200xi32, #tpu.memory_space<vmem>> -> memref<1x40xi32, #tpu.memory_space<vmem>>
      %dma_start3A_493 = tpu.memref_squeeze %dma_start3A_492 : memref<1x40xi32, #tpu.memory_space<vmem>> -> memref<40xi32, #tpu.memory_space<vmem>>
      %dma_start3A_494 = arith.constant 0 : i32
      %dma_start3A_495 = arith.constant 0 : i32
      %dma_start3A_496 = tpu.memref_slice %arg3[%dma_start3A_494, %dma_start3A_495] : memref<1000000x64xf32, #tpu.memory_space<hbm>> -> memref<1000000x64xf32, #tpu.memory_space<hbm>>
      tpu.enqueue_indirect_dma source(%dma_start3A_496 : memref<1000000x64xf32, #tpu.memory_space<hbm>>) target(%dma_start3A_490 : memref<40x64xf32, #tpu.memory_space<vmem>>) offsets(%dma_start3A_493 : memref<40xi32, #tpu.memory_space<vmem>>) semaphore(%arg11 : memref<!tpu.dma_semaphore, #tpu.memory_space<semaphore_mem>>)
      %dma_start3A_497 = arith.constant 7 : i32
      %dma_start3A_498 = arith.constant 3 : i32
      %dma_start3A_499 = arith.constant 160 : i32
      %dma_start3A_500 = arith.constant 0 : i32
      %dma_start3A_501 = tpu.memref_slice %arg9[%dma_start3A_498, %dma_start3A_499, %dma_start3A_500] : memref<4x200x64xf32, #tpu.memory_space<vmem>> -> memref<1x40x64xf32, #tpu.memory_space<vmem>>
      %dma_start3A_502 = tpu.memref_squeeze %dma_start3A_501 : memref<1x40x64xf32, #tpu.memory_space<vmem>> -> memref<40x64xf32, #tpu.memory_space<vmem>>
      %dma_start3A_503 = arith.constant 160 : i32
      %dma_start3A_504 = tpu.memref_slice %arg7[%dma_start3A_497, %dma_start3A_503] : memref<8x200xi32, #tpu.memory_space<vmem>> -> memref<1x40xi32, #tpu.memory_space<vmem>>
      %dma_start3A_505 = tpu.memref_squeeze %dma_start3A_504 : memref<1x40xi32, #tpu.memory_space<vmem>> -> memref<40xi32, #tpu.memory_space<vmem>>
      %dma_start3A_506 = arith.constant 0 : i32
      %dma_start3A_507 = arith.constant 0 : i32
      %dma_start3A_508 = tpu.memref_slice %arg3[%dma_start3A_506, %dma_start3A_507] : memref<1000000x64xf32, #tpu.memory_space<hbm>> -> memref<1000000x64xf32, #tpu.memory_space<hbm>>
      tpu.enqueue_indirect_dma source(%dma_start3A_508 : memref<1000000x64xf32, #tpu.memory_space<hbm>>) target(%dma_start3A_502 : memref<40x64xf32, #tpu.memory_space<vmem>>) offsets(%dma_start3A_505 : memref<40xi32, #tpu.memory_space<vmem>>) semaphore(%arg11 : memref<!tpu.dma_semaphore, #tpu.memory_space<semaphore_mem>>)
      %add3A_509 = arith.constant 0 : i32
      %add3A_510 = arith.addi %multiple_of3A, %add3A_509 : i32
      %dma_wait3A = arith.constant 0 : i32
      %dma_wait3A_511 = arith.constant 0 : i32
      %dma_wait3A_512 = arith.constant 0 : i32
      %dma_wait3A_513 = arith.constant 0 : i32
      %dma_wait3A_514 = tpu.memref_slice %arg8[%dma_wait3A_511, %dma_wait3A_512, %dma_wait3A_513] : memref<4x200x64xf32, #tpu.memory_space<vmem>> -> memref<1x40x64xf32, #tpu.memory_space<vmem>>
      %dma_wait3A_515 = tpu.memref_squeeze %dma_wait3A_514 : memref<1x40x64xf32, #tpu.memory_space<vmem>> -> memref<40x64xf32, #tpu.memory_space<vmem>>
      %dma_wait3A_516 = arith.constant 0 : i32
      %dma_wait3A_517 = tpu.memref_slice %arg7[%dma_wait3A, %dma_wait3A_516] : memref<8x200xi32, #tpu.memory_space<vmem>> -> memref<1x40xi32, #tpu.memory_space<vmem>>
      %dma_wait3A_518 = tpu.memref_squeeze %dma_wait3A_517 : memref<1x40xi32, #tpu.memory_space<vmem>> -> memref<40xi32, #tpu.memory_space<vmem>>
      %dma_wait3A_519 = arith.constant 0 : i32
      %dma_wait3A_520 = arith.constant 0 : i32
      %dma_wait3A_521 = tpu.memref_slice %arg3[%dma_wait3A_519, %dma_wait3A_520] : memref<1000000x64xf32, #tpu.memory_space<hbm>> -> memref<1000000x64xf32, #tpu.memory_space<hbm>>
      tpu.wait_indirect_dma semaphore(%arg10 : memref<!tpu.dma_semaphore, #tpu.memory_space<semaphore_mem>>) src(%dma_wait3A_521 : memref<1000000x64xf32, #tpu.memory_space<hbm>>) dst(%dma_wait3A_515 : memref<40x64xf32, #tpu.memory_space<vmem>>)
      %dma_wait3A_522 = arith.constant 0 : i32
      %dma_wait3A_523 = arith.constant 0 : i32
      %dma_wait3A_524 = arith.constant 40 : i32
      %dma_wait3A_525 = arith.constant 0 : i32
      %dma_wait3A_526 = tpu.memref_slice %arg8[%dma_wait3A_523, %dma_wait3A_524, %dma_wait3A_525] : memref<4x200x64xf32, #tpu.memory_space<vmem>> -> memref<1x40x64xf32, #tpu.memory_space<vmem>>
      %dma_wait3A_527 = tpu.memref_squeeze %dma_wait3A_526 : memref<1x40x64xf32, #tpu.memory_space<vmem>> -> memref<40x64xf32, #tpu.memory_space<vmem>>
      %dma_wait3A_528 = arith.constant 40 : i32
      %dma_wait3A_529 = tpu.memref_slice %arg7[%dma_wait3A_522, %dma_wait3A_528] : memref<8x200xi32, #tpu.memory_space<vmem>> -> memref<1x40xi32, #tpu.memory_space<vmem>>
      %dma_wait3A_530 = tpu.memref_squeeze %dma_wait3A_529 : memref<1x40xi32, #tpu.memory_space<vmem>> -> memref<40xi32, #tpu.memory_space<vmem>>
      %dma_wait3A_531 = arith.constant 0 : i32
      %dma_wait3A_532 = arith.constant 0 : i32
      %dma_wait3A_533 = tpu.memref_slice %arg3[%dma_wait3A_531, %dma_wait3A_532] : memref<1000000x64xf32, #tpu.memory_space<hbm>> -> memref<1000000x64xf32, #tpu.memory_space<hbm>>
      tpu.wait_indirect_dma semaphore(%arg10 : memref<!tpu.dma_semaphore, #tpu.memory_space<semaphore_mem>>) src(%dma_wait3A_533 : memref<1000000x64xf32, #tpu.memory_space<hbm>>) dst(%dma_wait3A_527 : memref<40x64xf32, #tpu.memory_space<vmem>>)
      %dma_wait3A_534 = arith.constant 0 : i32
      %dma_wait3A_535 = arith.constant 0 : i32
      %dma_wait3A_536 = arith.constant 80 : i32
      %dma_wait3A_537 = arith.constant 0 : i32
      %dma_wait3A_538 = tpu.memref_slice %arg8[%dma_wait3A_535, %dma_wait3A_536, %dma_wait3A_537] : memref<4x200x64xf32, #tpu.memory_space<vmem>> -> memref<1x40x64xf32, #tpu.memory_space<vmem>>
      %dma_wait3A_539 = tpu.memref_squeeze %dma_wait3A_538 : memref<1x40x64xf32, #tpu.memory_space<vmem>> -> memref<40x64xf32, #tpu.memory_space<vmem>>
      %dma_wait3A_540 = arith.constant 80 : i32
      %dma_wait3A_541 = tpu.memref_slice %arg7[%dma_wait3A_534, %dma_wait3A_540] : memref<8x200xi32, #tpu.memory_space<vmem>> -> memref<1x40xi32, #tpu.memory_space<vmem>>
      %dma_wait3A_542 = tpu.memref_squeeze %dma_wait3A_541 : memref<1x40xi32, #tpu.memory_space<vmem>> -> memref<40xi32, #tpu.memory_space<vmem>>
      %dma_wait3A_543 = arith.constant 0 : i32
      %dma_wait3A_544 = arith.constant 0 : i32
      %dma_wait3A_545 = tpu.memref_slice %arg3[%dma_wait3A_543, %dma_wait3A_544] : memref<1000000x64xf32, #tpu.memory_space<hbm>> -> memref<1000000x64xf32, #tpu.memory_space<hbm>>
      tpu.wait_indirect_dma semaphore(%arg10 : memref<!tpu.dma_semaphore, #tpu.memory_space<semaphore_mem>>) src(%dma_wait3A_545 : memref<1000000x64xf32, #tpu.memory_space<hbm>>) dst(%dma_wait3A_539 : memref<40x64xf32, #tpu.memory_space<vmem>>)
      %dma_wait3A_546 = arith.constant 0 : i32
      %dma_wait3A_547 = arith.constant 0 : i32
      %dma_wait3A_548 = arith.constant 120 : i32
      %dma_wait3A_549 = arith.constant 0 : i32
      %dma_wait3A_550 = tpu.memref_slice %arg8[%dma_wait3A_547, %dma_wait3A_548, %dma_wait3A_549] : memref<4x200x64xf32, #tpu.memory_space<vmem>> -> memref<1x40x64xf32, #tpu.memory_space<vmem>>
      %dma_wait3A_551 = tpu.memref_squeeze %dma_wait3A_550 : memref<1x40x64xf32, #tpu.memory_space<vmem>> -> memref<40x64xf32, #tpu.memory_space<vmem>>
      %dma_wait3A_552 = arith.constant 120 : i32
      %dma_wait3A_553 = tpu.memref_slice %arg7[%dma_wait3A_546, %dma_wait3A_552] : memref<8x200xi32, #tpu.memory_space<vmem>> -> memref<1x40xi32, #tpu.memory_space<vmem>>
      %dma_wait3A_554 = tpu.memref_squeeze %dma_wait3A_553 : memref<1x40xi32, #tpu.memory_space<vmem>> -> memref<40xi32, #tpu.memory_space<vmem>>
      %dma_wait3A_555 = arith.constant 0 : i32
      %dma_wait3A_556 = arith.constant 0 : i32
      %dma_wait3A_557 = tpu.memref_slice %arg3[%dma_wait3A_555, %dma_wait3A_556] : memref<1000000x64xf32, #tpu.memory_space<hbm>> -> memref<1000000x64xf32, #tpu.memory_space<hbm>>
      tpu.wait_indirect_dma semaphore(%arg10 : memref<!tpu.dma_semaphore, #tpu.memory_space<semaphore_mem>>) src(%dma_wait3A_557 : memref<1000000x64xf32, #tpu.memory_space<hbm>>) dst(%dma_wait3A_551 : memref<40x64xf32, #tpu.memory_space<vmem>>)
      %dma_wait3A_558 = arith.constant 0 : i32
      %dma_wait3A_559 = arith.constant 0 : i32
      %dma_wait3A_560 = arith.constant 160 : i32
      %dma_wait3A_561 = arith.constant 0 : i32
      %dma_wait3A_562 = tpu.memref_slice %arg8[%dma_wait3A_559, %dma_wait3A_560, %dma_wait3A_561] : memref<4x200x64xf32, #tpu.memory_space<vmem>> -> memref<1x40x64xf32, #tpu.memory_space<vmem>>
      %dma_wait3A_563 = tpu.memref_squeeze %dma_wait3A_562 : memref<1x40x64xf32, #tpu.memory_space<vmem>> -> memref<40x64xf32, #tpu.memory_space<vmem>>
      %dma_wait3A_564 = arith.constant 160 : i32
      %dma_wait3A_565 = tpu.memref_slice %arg7[%dma_wait3A_558, %dma_wait3A_564] : memref<8x200xi32, #tpu.memory_space<vmem>> -> memref<1x40xi32, #tpu.memory_space<vmem>>
      %dma_wait3A_566 = tpu.memref_squeeze %dma_wait3A_565 : memref<1x40xi32, #tpu.memory_space<vmem>> -> memref<40xi32, #tpu.memory_space<vmem>>
      %dma_wait3A_567 = arith.constant 0 : i32
      %dma_wait3A_568 = arith.constant 0 : i32
      %dma_wait3A_569 = tpu.memref_slice %arg3[%dma_wait3A_567, %dma_wait3A_568] : memref<1000000x64xf32, #tpu.memory_space<hbm>> -> memref<1000000x64xf32, #tpu.memory_space<hbm>>
      tpu.wait_indirect_dma semaphore(%arg10 : memref<!tpu.dma_semaphore, #tpu.memory_space<semaphore_mem>>) src(%dma_wait3A_569 : memref<1000000x64xf32, #tpu.memory_space<hbm>>) dst(%dma_wait3A_563 : memref<40x64xf32, #tpu.memory_space<vmem>>)
      %dma_wait3A_570 = arith.constant 1 : i32
      %dma_wait3A_571 = arith.constant 1 : i32
      %dma_wait3A_572 = arith.constant 0 : i32
      %dma_wait3A_573 = arith.constant 0 : i32
      %dma_wait3A_574 = tpu.memref_slice %arg8[%dma_wait3A_571, %dma_wait3A_572, %dma_wait3A_573] : memref<4x200x64xf32, #tpu.memory_space<vmem>> -> memref<1x40x64xf32, #tpu.memory_space<vmem>>
      %dma_wait3A_575 = tpu.memref_squeeze %dma_wait3A_574 : memref<1x40x64xf32, #tpu.memory_space<vmem>> -> memref<40x64xf32, #tpu.memory_space<vmem>>
      %dma_wait3A_576 = arith.constant 0 : i32
      %dma_wait3A_577 = tpu.memref_slice %arg7[%dma_wait3A_570, %dma_wait3A_576] : memref<8x200xi32, #tpu.memory_space<vmem>> -> memref<1x40xi32, #tpu.memory_space<vmem>>
      %dma_wait3A_578 = tpu.memref_squeeze %dma_wait3A_577 : memref<1x40xi32, #tpu.memory_space<vmem>> -> memref<40xi32, #tpu.memory_space<vmem>>
      %dma_wait3A_579 = arith.constant 0 : i32
      %dma_wait3A_580 = arith.constant 0 : i32
      %dma_wait3A_581 = tpu.memref_slice %arg3[%dma_wait3A_579, %dma_wait3A_580] : memref<1000000x64xf32, #tpu.memory_space<hbm>> -> memref<1000000x64xf32, #tpu.memory_space<hbm>>
      tpu.wait_indirect_dma semaphore(%arg10 : memref<!tpu.dma_semaphore, #tpu.memory_space<semaphore_mem>>) src(%dma_wait3A_581 : memref<1000000x64xf32, #tpu.memory_space<hbm>>) dst(%dma_wait3A_575 : memref<40x64xf32, #tpu.memory_space<vmem>>)
      %dma_wait3A_582 = arith.constant 1 : i32
      %dma_wait3A_583 = arith.constant 1 : i32
      %dma_wait3A_584 = arith.constant 40 : i32
      %dma_wait3A_585 = arith.constant 0 : i32
      %dma_wait3A_586 = tpu.memref_slice %arg8[%dma_wait3A_583, %dma_wait3A_584, %dma_wait3A_585] : memref<4x200x64xf32, #tpu.memory_space<vmem>> -> memref<1x40x64xf32, #tpu.memory_space<vmem>>
      %dma_wait3A_587 = tpu.memref_squeeze %dma_wait3A_586 : memref<1x40x64xf32, #tpu.memory_space<vmem>> -> memref<40x64xf32, #tpu.memory_space<vmem>>
      %dma_wait3A_588 = arith.constant 40 : i32
      %dma_wait3A_589 = tpu.memref_slice %arg7[%dma_wait3A_582, %dma_wait3A_588] : memref<8x200xi32, #tpu.memory_space<vmem>> -> memref<1x40xi32, #tpu.memory_space<vmem>>
      %dma_wait3A_590 = tpu.memref_squeeze %dma_wait3A_589 : memref<1x40xi32, #tpu.memory_space<vmem>> -> memref<40xi32, #tpu.memory_space<vmem>>
      %dma_wait3A_591 = arith.constant 0 : i32
      %dma_wait3A_592 = arith.constant 0 : i32
      %dma_wait3A_593 = tpu.memref_slice %arg3[%dma_wait3A_591, %dma_wait3A_592] : memref<1000000x64xf32, #tpu.memory_space<hbm>> -> memref<1000000x64xf32, #tpu.memory_space<hbm>>
      tpu.wait_indirect_dma semaphore(%arg10 : memref<!tpu.dma_semaphore, #tpu.memory_space<semaphore_mem>>) src(%dma_wait3A_593 : memref<1000000x64xf32, #tpu.memory_space<hbm>>) dst(%dma_wait3A_587 : memref<40x64xf32, #tpu.memory_space<vmem>>)
      %dma_wait3A_594 = arith.constant 1 : i32
      %dma_wait3A_595 = arith.constant 1 : i32
      %dma_wait3A_596 = arith.constant 80 : i32
      %dma_wait3A_597 = arith.constant 0 : i32
      %dma_wait3A_598 = tpu.memref_slice %arg8[%dma_wait3A_595, %dma_wait3A_596, %dma_wait3A_597] : memref<4x200x64xf32, #tpu.memory_space<vmem>> -> memref<1x40x64xf32, #tpu.memory_space<vmem>>
      %dma_wait3A_599 = tpu.memref_squeeze %dma_wait3A_598 : memref<1x40x64xf32, #tpu.memory_space<vmem>> -> memref<40x64xf32, #tpu.memory_space<vmem>>
      %dma_wait3A_600 = arith.constant 80 : i32
      %dma_wait3A_601 = tpu.memref_slice %arg7[%dma_wait3A_594, %dma_wait3A_600] : memref<8x200xi32, #tpu.memory_space<vmem>> -> memref<1x40xi32, #tpu.memory_space<vmem>>
      %dma_wait3A_602 = tpu.memref_squeeze %dma_wait3A_601 : memref<1x40xi32, #tpu.memory_space<vmem>> -> memref<40xi32, #tpu.memory_space<vmem>>
      %dma_wait3A_603 = arith.constant 0 : i32
      %dma_wait3A_604 = arith.constant 0 : i32
      %dma_wait3A_605 = tpu.memref_slice %arg3[%dma_wait3A_603, %dma_wait3A_604] : memref<1000000x64xf32, #tpu.memory_space<hbm>> -> memref<1000000x64xf32, #tpu.memory_space<hbm>>
      tpu.wait_indirect_dma semaphore(%arg10 : memref<!tpu.dma_semaphore, #tpu.memory_space<semaphore_mem>>) src(%dma_wait3A_605 : memref<1000000x64xf32, #tpu.memory_space<hbm>>) dst(%dma_wait3A_599 : memref<40x64xf32, #tpu.memory_space<vmem>>)
      %dma_wait3A_606 = arith.constant 1 : i32
      %dma_wait3A_607 = arith.constant 1 : i32
      %dma_wait3A_608 = arith.constant 120 : i32
      %dma_wait3A_609 = arith.constant 0 : i32
      %dma_wait3A_610 = tpu.memref_slice %arg8[%dma_wait3A_607, %dma_wait3A_608, %dma_wait3A_609] : memref<4x200x64xf32, #tpu.memory_space<vmem>> -> memref<1x40x64xf32, #tpu.memory_space<vmem>>
      %dma_wait3A_611 = tpu.memref_squeeze %dma_wait3A_610 : memref<1x40x64xf32, #tpu.memory_space<vmem>> -> memref<40x64xf32, #tpu.memory_space<vmem>>
      %dma_wait3A_612 = arith.constant 120 : i32
      %dma_wait3A_613 = tpu.memref_slice %arg7[%dma_wait3A_606, %dma_wait3A_612] : memref<8x200xi32, #tpu.memory_space<vmem>> -> memref<1x40xi32, #tpu.memory_space<vmem>>
      %dma_wait3A_614 = tpu.memref_squeeze %dma_wait3A_613 : memref<1x40xi32, #tpu.memory_space<vmem>> -> memref<40xi32, #tpu.memory_space<vmem>>
      %dma_wait3A_615 = arith.constant 0 : i32
      %dma_wait3A_616 = arith.constant 0 : i32
      %dma_wait3A_617 = tpu.memref_slice %arg3[%dma_wait3A_615, %dma_wait3A_616] : memref<1000000x64xf32, #tpu.memory_space<hbm>> -> memref<1000000x64xf32, #tpu.memory_space<hbm>>
      tpu.wait_indirect_dma semaphore(%arg10 : memref<!tpu.dma_semaphore, #tpu.memory_space<semaphore_mem>>) src(%dma_wait3A_617 : memref<1000000x64xf32, #tpu.memory_space<hbm>>) dst(%dma_wait3A_611 : memref<40x64xf32, #tpu.memory_space<vmem>>)
      %dma_wait3A_618 = arith.constant 1 : i32
      %dma_wait3A_619 = arith.constant 1 : i32
      %dma_wait3A_620 = arith.constant 160 : i32
      %dma_wait3A_621 = arith.constant 0 : i32
      %dma_wait3A_622 = tpu.memref_slice %arg8[%dma_wait3A_619, %dma_wait3A_620, %dma_wait3A_621] : memref<4x200x64xf32, #tpu.memory_space<vmem>> -> memref<1x40x64xf32, #tpu.memory_space<vmem>>
      %dma_wait3A_623 = tpu.memref_squeeze %dma_wait3A_622 : memref<1x40x64xf32, #tpu.memory_space<vmem>> -> memref<40x64xf32, #tpu.memory_space<vmem>>
      %dma_wait3A_624 = arith.constant 160 : i32
      %dma_wait3A_625 = tpu.memref_slice %arg7[%dma_wait3A_618, %dma_wait3A_624] : memref<8x200xi32, #tpu.memory_space<vmem>> -> memref<1x40xi32, #tpu.memory_space<vmem>>
      %dma_wait3A_626 = tpu.memref_squeeze %dma_wait3A_625 : memref<1x40xi32, #tpu.memory_space<vmem>> -> memref<40xi32, #tpu.memory_space<vmem>>
      %dma_wait3A_627 = arith.constant 0 : i32
      %dma_wait3A_628 = arith.constant 0 : i32
      %dma_wait3A_629 = tpu.memref_slice %arg3[%dma_wait3A_627, %dma_wait3A_628] : memref<1000000x64xf32, #tpu.memory_space<hbm>> -> memref<1000000x64xf32, #tpu.memory_space<hbm>>
      tpu.wait_indirect_dma semaphore(%arg10 : memref<!tpu.dma_semaphore, #tpu.memory_space<semaphore_mem>>) src(%dma_wait3A_629 : memref<1000000x64xf32, #tpu.memory_space<hbm>>) dst(%dma_wait3A_623 : memref<40x64xf32, #tpu.memory_space<vmem>>)
      %dma_wait3A_630 = arith.constant 2 : i32
      %dma_wait3A_631 = arith.constant 2 : i32
      %dma_wait3A_632 = arith.constant 0 : i32
      %dma_wait3A_633 = arith.constant 0 : i32
      %dma_wait3A_634 = tpu.memref_slice %arg8[%dma_wait3A_631, %dma_wait3A_632, %dma_wait3A_633] : memref<4x200x64xf32, #tpu.memory_space<vmem>> -> memref<1x40x64xf32, #tpu.memory_space<vmem>>
      %dma_wait3A_635 = tpu.memref_squeeze %dma_wait3A_634 : memref<1x40x64xf32, #tpu.memory_space<vmem>> -> memref<40x64xf32, #tpu.memory_space<vmem>>
      %dma_wait3A_636 = arith.constant 0 : i32
      %dma_wait3A_637 = tpu.memref_slice %arg7[%dma_wait3A_630, %dma_wait3A_636] : memref<8x200xi32, #tpu.memory_space<vmem>> -> memref<1x40xi32, #tpu.memory_space<vmem>>
      %dma_wait3A_638 = tpu.memref_squeeze %dma_wait3A_637 : memref<1x40xi32, #tpu.memory_space<vmem>> -> memref<40xi32, #tpu.memory_space<vmem>>
      %dma_wait3A_639 = arith.constant 0 : i32
      %dma_wait3A_640 = arith.constant 0 : i32
      %dma_wait3A_641 = tpu.memref_slice %arg3[%dma_wait3A_639, %dma_wait3A_640] : memref<1000000x64xf32, #tpu.memory_space<hbm>> -> memref<1000000x64xf32, #tpu.memory_space<hbm>>
      tpu.wait_indirect_dma semaphore(%arg10 : memref<!tpu.dma_semaphore, #tpu.memory_space<semaphore_mem>>) src(%dma_wait3A_641 : memref<1000000x64xf32, #tpu.memory_space<hbm>>) dst(%dma_wait3A_635 : memref<40x64xf32, #tpu.memory_space<vmem>>)
      %dma_wait3A_642 = arith.constant 2 : i32
      %dma_wait3A_643 = arith.constant 2 : i32
      %dma_wait3A_644 = arith.constant 40 : i32
      %dma_wait3A_645 = arith.constant 0 : i32
      %dma_wait3A_646 = tpu.memref_slice %arg8[%dma_wait3A_643, %dma_wait3A_644, %dma_wait3A_645] : memref<4x200x64xf32, #tpu.memory_space<vmem>> -> memref<1x40x64xf32, #tpu.memory_space<vmem>>
      %dma_wait3A_647 = tpu.memref_squeeze %dma_wait3A_646 : memref<1x40x64xf32, #tpu.memory_space<vmem>> -> memref<40x64xf32, #tpu.memory_space<vmem>>
      %dma_wait3A_648 = arith.constant 40 : i32
      %dma_wait3A_649 = tpu.memref_slice %arg7[%dma_wait3A_642, %dma_wait3A_648] : memref<8x200xi32, #tpu.memory_space<vmem>> -> memref<1x40xi32, #tpu.memory_space<vmem>>
      %dma_wait3A_650 = tpu.memref_squeeze %dma_wait3A_649 : memref<1x40xi32, #tpu.memory_space<vmem>> -> memref<40xi32, #tpu.memory_space<vmem>>
      %dma_wait3A_651 = arith.constant 0 : i32
      %dma_wait3A_652 = arith.constant 0 : i32
      %dma_wait3A_653 = tpu.memref_slice %arg3[%dma_wait3A_651, %dma_wait3A_652] : memref<1000000x64xf32, #tpu.memory_space<hbm>> -> memref<1000000x64xf32, #tpu.memory_space<hbm>>
      tpu.wait_indirect_dma semaphore(%arg10 : memref<!tpu.dma_semaphore, #tpu.memory_space<semaphore_mem>>) src(%dma_wait3A_653 : memref<1000000x64xf32, #tpu.memory_space<hbm>>) dst(%dma_wait3A_647 : memref<40x64xf32, #tpu.memory_space<vmem>>)
      %dma_wait3A_654 = arith.constant 2 : i32
      %dma_wait3A_655 = arith.constant 2 : i32
      %dma_wait3A_656 = arith.constant 80 : i32
      %dma_wait3A_657 = arith.constant 0 : i32
      %dma_wait3A_658 = tpu.memref_slice %arg8[%dma_wait3A_655, %dma_wait3A_656, %dma_wait3A_657] : memref<4x200x64xf32, #tpu.memory_space<vmem>> -> memref<1x40x64xf32, #tpu.memory_space<vmem>>
      %dma_wait3A_659 = tpu.memref_squeeze %dma_wait3A_658 : memref<1x40x64xf32, #tpu.memory_space<vmem>> -> memref<40x64xf32, #tpu.memory_space<vmem>>
      %dma_wait3A_660 = arith.constant 80 : i32
      %dma_wait3A_661 = tpu.memref_slice %arg7[%dma_wait3A_654, %dma_wait3A_660] : memref<8x200xi32, #tpu.memory_space<vmem>> -> memref<1x40xi32, #tpu.memory_space<vmem>>
      %dma_wait3A_662 = tpu.memref_squeeze %dma_wait3A_661 : memref<1x40xi32, #tpu.memory_space<vmem>> -> memref<40xi32, #tpu.memory_space<vmem>>
      %dma_wait3A_663 = arith.constant 0 : i32
      %dma_wait3A_664 = arith.constant 0 : i32
      %dma_wait3A_665 = tpu.memref_slice %arg3[%dma_wait3A_663, %dma_wait3A_664] : memref<1000000x64xf32, #tpu.memory_space<hbm>> -> memref<1000000x64xf32, #tpu.memory_space<hbm>>
      tpu.wait_indirect_dma semaphore(%arg10 : memref<!tpu.dma_semaphore, #tpu.memory_space<semaphore_mem>>) src(%dma_wait3A_665 : memref<1000000x64xf32, #tpu.memory_space<hbm>>) dst(%dma_wait3A_659 : memref<40x64xf32, #tpu.memory_space<vmem>>)
      %dma_wait3A_666 = arith.constant 2 : i32
      %dma_wait3A_667 = arith.constant 2 : i32
      %dma_wait3A_668 = arith.constant 120 : i32
      %dma_wait3A_669 = arith.constant 0 : i32
      %dma_wait3A_670 = tpu.memref_slice %arg8[%dma_wait3A_667, %dma_wait3A_668, %dma_wait3A_669] : memref<4x200x64xf32, #tpu.memory_space<vmem>> -> memref<1x40x64xf32, #tpu.memory_space<vmem>>
      %dma_wait3A_671 = tpu.memref_squeeze %dma_wait3A_670 : memref<1x40x64xf32, #tpu.memory_space<vmem>> -> memref<40x64xf32, #tpu.memory_space<vmem>>
      %dma_wait3A_672 = arith.constant 120 : i32
      %dma_wait3A_673 = tpu.memref_slice %arg7[%dma_wait3A_666, %dma_wait3A_672] : memref<8x200xi32, #tpu.memory_space<vmem>> -> memref<1x40xi32, #tpu.memory_space<vmem>>
      %dma_wait3A_674 = tpu.memref_squeeze %dma_wait3A_673 : memref<1x40xi32, #tpu.memory_space<vmem>> -> memref<40xi32, #tpu.memory_space<vmem>>
      %dma_wait3A_675 = arith.constant 0 : i32
      %dma_wait3A_676 = arith.constant 0 : i32
      %dma_wait3A_677 = tpu.memref_slice %arg3[%dma_wait3A_675, %dma_wait3A_676] : memref<1000000x64xf32, #tpu.memory_space<hbm>> -> memref<1000000x64xf32, #tpu.memory_space<hbm>>
      tpu.wait_indirect_dma semaphore(%arg10 : memref<!tpu.dma_semaphore, #tpu.memory_space<semaphore_mem>>) src(%dma_wait3A_677 : memref<1000000x64xf32, #tpu.memory_space<hbm>>) dst(%dma_wait3A_671 : memref<40x64xf32, #tpu.memory_space<vmem>>)
      %dma_wait3A_678 = arith.constant 2 : i32
      %dma_wait3A_679 = arith.constant 2 : i32
      %dma_wait3A_680 = arith.constant 160 : i32
      %dma_wait3A_681 = arith.constant 0 : i32
      %dma_wait3A_682 = tpu.memref_slice %arg8[%dma_wait3A_679, %dma_wait3A_680, %dma_wait3A_681] : memref<4x200x64xf32, #tpu.memory_space<vmem>> -> memref<1x40x64xf32, #tpu.memory_space<vmem>>
      %dma_wait3A_683 = tpu.memref_squeeze %dma_wait3A_682 : memref<1x40x64xf32, #tpu.memory_space<vmem>> -> memref<40x64xf32, #tpu.memory_space<vmem>>
      %dma_wait3A_684 = arith.constant 160 : i32
      %dma_wait3A_685 = tpu.memref_slice %arg7[%dma_wait3A_678, %dma_wait3A_684] : memref<8x200xi32, #tpu.memory_space<vmem>> -> memref<1x40xi32, #tpu.memory_space<vmem>>
      %dma_wait3A_686 = tpu.memref_squeeze %dma_wait3A_685 : memref<1x40xi32, #tpu.memory_space<vmem>> -> memref<40xi32, #tpu.memory_space<vmem>>
      %dma_wait3A_687 = arith.constant 0 : i32
      %dma_wait3A_688 = arith.constant 0 : i32
      %dma_wait3A_689 = tpu.memref_slice %arg3[%dma_wait3A_687, %dma_wait3A_688] : memref<1000000x64xf32, #tpu.memory_space<hbm>> -> memref<1000000x64xf32, #tpu.memory_space<hbm>>
      tpu.wait_indirect_dma semaphore(%arg10 : memref<!tpu.dma_semaphore, #tpu.memory_space<semaphore_mem>>) src(%dma_wait3A_689 : memref<1000000x64xf32, #tpu.memory_space<hbm>>) dst(%dma_wait3A_683 : memref<40x64xf32, #tpu.memory_space<vmem>>)
      %dma_wait3A_690 = arith.constant 3 : i32
      %dma_wait3A_691 = arith.constant 3 : i32
      %dma_wait3A_692 = arith.constant 0 : i32
      %dma_wait3A_693 = arith.constant 0 : i32
      %dma_wait3A_694 = tpu.memref_slice %arg8[%dma_wait3A_691, %dma_wait3A_692, %dma_wait3A_693] : memref<4x200x64xf32, #tpu.memory_space<vmem>> -> memref<1x40x64xf32, #tpu.memory_space<vmem>>
      %dma_wait3A_695 = tpu.memref_squeeze %dma_wait3A_694 : memref<1x40x64xf32, #tpu.memory_space<vmem>> -> memref<40x64xf32, #tpu.memory_space<vmem>>
      %dma_wait3A_696 = arith.constant 0 : i32
      %dma_wait3A_697 = tpu.memref_slice %arg7[%dma_wait3A_690, %dma_wait3A_696] : memref<8x200xi32, #tpu.memory_space<vmem>> -> memref<1x40xi32, #tpu.memory_space<vmem>>
      %dma_wait3A_698 = tpu.memref_squeeze %dma_wait3A_697 : memref<1x40xi32, #tpu.memory_space<vmem>> -> memref<40xi32, #tpu.memory_space<vmem>>
      %dma_wait3A_699 = arith.constant 0 : i32
      %dma_wait3A_700 = arith.constant 0 : i32
      %dma_wait3A_701 = tpu.memref_slice %arg3[%dma_wait3A_699, %dma_wait3A_700] : memref<1000000x64xf32, #tpu.memory_space<hbm>> -> memref<1000000x64xf32, #tpu.memory_space<hbm>>
      tpu.wait_indirect_dma semaphore(%arg10 : memref<!tpu.dma_semaphore, #tpu.memory_space<semaphore_mem>>) src(%dma_wait3A_701 : memref<1000000x64xf32, #tpu.memory_space<hbm>>) dst(%dma_wait3A_695 : memref<40x64xf32, #tpu.memory_space<vmem>>)
      %dma_wait3A_702 = arith.constant 3 : i32
      %dma_wait3A_703 = arith.constant 3 : i32
      %dma_wait3A_704 = arith.constant 40 : i32
      %dma_wait3A_705 = arith.constant 0 : i32
      %dma_wait3A_706 = tpu.memref_slice %arg8[%dma_wait3A_703, %dma_wait3A_704, %dma_wait3A_705] : memref<4x200x64xf32, #tpu.memory_space<vmem>> -> memref<1x40x64xf32, #tpu.memory_space<vmem>>
      %dma_wait3A_707 = tpu.memref_squeeze %dma_wait3A_706 : memref<1x40x64xf32, #tpu.memory_space<vmem>> -> memref<40x64xf32, #tpu.memory_space<vmem>>
      %dma_wait3A_708 = arith.constant 40 : i32
      %dma_wait3A_709 = tpu.memref_slice %arg7[%dma_wait3A_702, %dma_wait3A_708] : memref<8x200xi32, #tpu.memory_space<vmem>> -> memref<1x40xi32, #tpu.memory_space<vmem>>
      %dma_wait3A_710 = tpu.memref_squeeze %dma_wait3A_709 : memref<1x40xi32, #tpu.memory_space<vmem>> -> memref<40xi32, #tpu.memory_space<vmem>>
      %dma_wait3A_711 = arith.constant 0 : i32
      %dma_wait3A_712 = arith.constant 0 : i32
      %dma_wait3A_713 = tpu.memref_slice %arg3[%dma_wait3A_711, %dma_wait3A_712] : memref<1000000x64xf32, #tpu.memory_space<hbm>> -> memref<1000000x64xf32, #tpu.memory_space<hbm>>
      tpu.wait_indirect_dma semaphore(%arg10 : memref<!tpu.dma_semaphore, #tpu.memory_space<semaphore_mem>>) src(%dma_wait3A_713 : memref<1000000x64xf32, #tpu.memory_space<hbm>>) dst(%dma_wait3A_707 : memref<40x64xf32, #tpu.memory_space<vmem>>)
      %dma_wait3A_714 = arith.constant 3 : i32
      %dma_wait3A_715 = arith.constant 3 : i32
      %dma_wait3A_716 = arith.constant 80 : i32
      %dma_wait3A_717 = arith.constant 0 : i32
      %dma_wait3A_718 = tpu.memref_slice %arg8[%dma_wait3A_715, %dma_wait3A_716, %dma_wait3A_717] : memref<4x200x64xf32, #tpu.memory_space<vmem>> -> memref<1x40x64xf32, #tpu.memory_space<vmem>>
      %dma_wait3A_719 = tpu.memref_squeeze %dma_wait3A_718 : memref<1x40x64xf32, #tpu.memory_space<vmem>> -> memref<40x64xf32, #tpu.memory_space<vmem>>
      %dma_wait3A_720 = arith.constant 80 : i32
      %dma_wait3A_721 = tpu.memref_slice %arg7[%dma_wait3A_714, %dma_wait3A_720] : memref<8x200xi32, #tpu.memory_space<vmem>> -> memref<1x40xi32, #tpu.memory_space<vmem>>
      %dma_wait3A_722 = tpu.memref_squeeze %dma_wait3A_721 : memref<1x40xi32, #tpu.memory_space<vmem>> -> memref<40xi32, #tpu.memory_space<vmem>>
      %dma_wait3A_723 = arith.constant 0 : i32
      %dma_wait3A_724 = arith.constant 0 : i32
      %dma_wait3A_725 = tpu.memref_slice %arg3[%dma_wait3A_723, %dma_wait3A_724] : memref<1000000x64xf32, #tpu.memory_space<hbm>> -> memref<1000000x64xf32, #tpu.memory_space<hbm>>
      tpu.wait_indirect_dma semaphore(%arg10 : memref<!tpu.dma_semaphore, #tpu.memory_space<semaphore_mem>>) src(%dma_wait3A_725 : memref<1000000x64xf32, #tpu.memory_space<hbm>>) dst(%dma_wait3A_719 : memref<40x64xf32, #tpu.memory_space<vmem>>)
      %dma_wait3A_726 = arith.constant 3 : i32
      %dma_wait3A_727 = arith.constant 3 : i32
      %dma_wait3A_728 = arith.constant 120 : i32
      %dma_wait3A_729 = arith.constant 0 : i32
      %dma_wait3A_730 = tpu.memref_slice %arg8[%dma_wait3A_727, %dma_wait3A_728, %dma_wait3A_729] : memref<4x200x64xf32, #tpu.memory_space<vmem>> -> memref<1x40x64xf32, #tpu.memory_space<vmem>>
      %dma_wait3A_731 = tpu.memref_squeeze %dma_wait3A_730 : memref<1x40x64xf32, #tpu.memory_space<vmem>> -> memref<40x64xf32, #tpu.memory_space<vmem>>
      %dma_wait3A_732 = arith.constant 120 : i32
      %dma_wait3A_733 = tpu.memref_slice %arg7[%dma_wait3A_726, %dma_wait3A_732] : memref<8x200xi32, #tpu.memory_space<vmem>> -> memref<1x40xi32, #tpu.memory_space<vmem>>
      %dma_wait3A_734 = tpu.memref_squeeze %dma_wait3A_733 : memref<1x40xi32, #tpu.memory_space<vmem>> -> memref<40xi32, #tpu.memory_space<vmem>>
      %dma_wait3A_735 = arith.constant 0 : i32
      %dma_wait3A_736 = arith.constant 0 : i32
      %dma_wait3A_737 = tpu.memref_slice %arg3[%dma_wait3A_735, %dma_wait3A_736] : memref<1000000x64xf32, #tpu.memory_space<hbm>> -> memref<1000000x64xf32, #tpu.memory_space<hbm>>
      tpu.wait_indirect_dma semaphore(%arg10 : memref<!tpu.dma_semaphore, #tpu.memory_space<semaphore_mem>>) src(%dma_wait3A_737 : memref<1000000x64xf32, #tpu.memory_space<hbm>>) dst(%dma_wait3A_731 : memref<40x64xf32, #tpu.memory_space<vmem>>)
      %dma_wait3A_738 = arith.constant 3 : i32
      %dma_wait3A_739 = arith.constant 3 : i32
      %dma_wait3A_740 = arith.constant 160 : i32
      %dma_wait3A_741 = arith.constant 0 : i32
      %dma_wait3A_742 = tpu.memref_slice %arg8[%dma_wait3A_739, %dma_wait3A_740, %dma_wait3A_741] : memref<4x200x64xf32, #tpu.memory_space<vmem>> -> memref<1x40x64xf32, #tpu.memory_space<vmem>>
      %dma_wait3A_743 = tpu.memref_squeeze %dma_wait3A_742 : memref<1x40x64xf32, #tpu.memory_space<vmem>> -> memref<40x64xf32, #tpu.memory_space<vmem>>
      %dma_wait3A_744 = arith.constant 160 : i32
      %dma_wait3A_745 = tpu.memref_slice %arg7[%dma_wait3A_738, %dma_wait3A_744] : memref<8x200xi32, #tpu.memory_space<vmem>> -> memref<1x40xi32, #tpu.memory_space<vmem>>
      %dma_wait3A_746 = tpu.memref_squeeze %dma_wait3A_745 : memref<1x40xi32, #tpu.memory_space<vmem>> -> memref<40xi32, #tpu.memory_space<vmem>>
      %dma_wait3A_747 = arith.constant 0 : i32
      %dma_wait3A_748 = arith.constant 0 : i32
      %dma_wait3A_749 = tpu.memref_slice %arg3[%dma_wait3A_747, %dma_wait3A_748] : memref<1000000x64xf32, #tpu.memory_space<hbm>> -> memref<1000000x64xf32, #tpu.memory_space<hbm>>
      tpu.wait_indirect_dma semaphore(%arg10 : memref<!tpu.dma_semaphore, #tpu.memory_space<semaphore_mem>>) src(%dma_wait3A_749 : memref<1000000x64xf32, #tpu.memory_space<hbm>>) dst(%dma_wait3A_743 : memref<40x64xf32, #tpu.memory_space<vmem>>)
      %scan3A_750 = arith.constant 0 : i32
      %scan3A_751 = arith.constant 0 : i32
      %scan3A_752 = arith.constant 200 : i32
      %scan3A_753 = arith.addi %scan3A_751, %scan3A_752 : i32
      %scan3A_754 = arith.constant 1 : i32
      scf.for %scan3A_1017 = %scan3A_751 to %scan3A_753 step %scan3A_754  : i32 {
        %get3A = arith.index_cast %scan3A_1017 : i32 to index
        %get3A_1018 = arith.constant 0 : index
        %get3A_1019 = tpu.vector_load %arg6[%get3A, %get3A_1018] {strides = array<i32>} : memref<200x64xf32, #tpu.memory_space<vmem>>, vector<1x16xf32>,
        %get3A_1020 = vector.shape_cast %get3A_1019 : vector<1x16xf32> to vector<16xf32>
        %get3A_1021 = arith.index_cast %scan3A_1017 : i32 to index
        %get3A_1022 = arith.constant 16 : index
        %get3A_1023 = tpu.vector_load %arg6[%get3A_1021, %get3A_1022] {strides = array<i32>} : memref<200x64xf32, #tpu.memory_space<vmem>>, vector<1x16xf32>,
        %get3A_1024 = vector.shape_cast %get3A_1023 : vector<1x16xf32> to vector<16xf32>
        %get3A_1025 = arith.index_cast %scan3A_1017 : i32 to index
        %get3A_1026 = arith.constant 32 : index
        %get3A_1027 = tpu.vector_load %arg6[%get3A_1025, %get3A_1026] {strides = array<i32>} : memref<200x64xf32, #tpu.memory_space<vmem>>, vector<1x16xf32>,
        %get3A_1028 = vector.shape_cast %get3A_1027 : vector<1x16xf32> to vector<16xf32>
        %get3A_1029 = arith.index_cast %scan3A_1017 : i32 to index
        %get3A_1030 = arith.constant 48 : index
        %get3A_1031 = tpu.vector_load %arg6[%get3A_1029, %get3A_1030] {strides = array<i32>} : memref<200x64xf32, #tpu.memory_space<vmem>>, vector<1x16xf32>,
        %get3A_1032 = vector.shape_cast %get3A_1031 : vector<1x16xf32> to vector<16xf32>
        %get3A_1033 = arith.constant 0 : i32
        %get3A_1034 = arith.index_cast %get3A_1033 : i32 to index
        %get3A_1035 = arith.index_cast %scan3A_1017 : i32 to index
        %get3A_1036 = arith.constant 0 : index
        %get3A_1037 = tpu.vector_load %arg8[%get3A_1034, %get3A_1035, %get3A_1036] {strides = array<i32>} : memref<4x200x64xf32, #tpu.memory_space<vmem>>, vector<1x1x16xf32>,
        %get3A_1038 = vector.shape_cast %get3A_1037 : vector<1x1x16xf32> to vector<16xf32>
        %mul3A_1039 = arith.constant 8.000000e+00 : f32
        %mul3A_1040 = vector.broadcast %mul3A_1039 : f32 to vector<16xf32>
        %mul3A_1041 = arith.mulf %get3A_1038, %mul3A_1040 : vector<16xf32>
        %add3A_1042 = arith.addf %mul3A_1041, %get3A_1020 : vector<16xf32>
        %swap3A = arith.constant 0 : i32
        %swap3A_1043 = arith.index_cast %swap3A : i32 to index
        %swap3A_1044 = arith.index_cast %scan3A_1017 : i32 to index
        %swap3A_1045 = arith.constant 0 : index
        %swap3A_1046 = tpu.vector_load %arg8[%swap3A_1043, %swap3A_1044, %swap3A_1045] {strides = array<i32>} : memref<4x200x64xf32, #tpu.memory_space<vmem>>, vector<1x1x16xf32>,
        %swap3A_1047 = vector.shape_cast %swap3A_1046 : vector<1x1x16xf32> to vector<16xf32>
        %swap3A_1048 = vector.shape_cast %add3A_1042 : vector<16xf32> to vector<1x1x16xf32>
        tpu.vector_store %arg8[%swap3A_1043, %swap3A_1044, %swap3A_1045], %swap3A_1048 {strides = array<i32>} : memref<4x200x64xf32, #tpu.memory_space<vmem>>, vector<1x1x16xf32>,
        %get3A_1049 = arith.constant 0 : i32
        %get3A_1050 = arith.index_cast %get3A_1049 : i32 to index
        %get3A_1051 = arith.index_cast %scan3A_1017 : i32 to index
        %get3A_1052 = arith.constant 16 : index
        %get3A_1053 = tpu.vector_load %arg8[%get3A_1050, %get3A_1051, %get3A_1052] {strides = array<i32>} : memref<4x200x64xf32, #tpu.memory_space<vmem>>, vector<1x1x16xf32>,
        %get3A_1054 = vector.shape_cast %get3A_1053 : vector<1x1x16xf32> to vector<16xf32>
        %mul3A_1055 = arith.constant 8.000000e+00 : f32
        %mul3A_1056 = vector.broadcast %mul3A_1055 : f32 to vector<16xf32>
        %mul3A_1057 = arith.mulf %get3A_1054, %mul3A_1056 : vector<16xf32>
        %add3A_1058 = arith.addf %mul3A_1057, %get3A_1024 : vector<16xf32>
        %swap3A_1059 = arith.constant 0 : i32
        %swap3A_1060 = arith.index_cast %swap3A_1059 : i32 to index
        %swap3A_1061 = arith.index_cast %scan3A_1017 : i32 to index
        %swap3A_1062 = arith.constant 16 : index
        %swap3A_1063 = tpu.vector_load %arg8[%swap3A_1060, %swap3A_1061, %swap3A_1062] {strides = array<i32>} : memref<4x200x64xf32, #tpu.memory_space<vmem>>, vector<1x1x16xf32>,
        %swap3A_1064 = vector.shape_cast %swap3A_1063 : vector<1x1x16xf32> to vector<16xf32>
        %swap3A_1065 = vector.shape_cast %add3A_1058 : vector<16xf32> to vector<1x1x16xf32>
        tpu.vector_store %arg8[%swap3A_1060, %swap3A_1061, %swap3A_1062], %swap3A_1065 {strides = array<i32>} : memref<4x200x64xf32, #tpu.memory_space<vmem>>, vector<1x1x16xf32>,
        %get3A_1066 = arith.constant 0 : i32
        %get3A_1067 = arith.index_cast %get3A_1066 : i32 to index
        %get3A_1068 = arith.index_cast %scan3A_1017 : i32 to index
        %get3A_1069 = arith.constant 32 : index
        %get3A_1070 = tpu.vector_load %arg8[%get3A_1067, %get3A_1068, %get3A_1069] {strides = array<i32>} : memref<4x200x64xf32, #tpu.memory_space<vmem>>, vector<1x1x16xf32>,
        %get3A_1071 = vector.shape_cast %get3A_1070 : vector<1x1x16xf32> to vector<16xf32>
        %mul3A_1072 = arith.constant 8.000000e+00 : f32
        %mul3A_1073 = vector.broadcast %mul3A_1072 : f32 to vector<16xf32>
        %mul3A_1074 = arith.mulf %get3A_1071, %mul3A_1073 : vector<16xf32>
        %add3A_1075 = arith.addf %mul3A_1074, %get3A_1028 : vector<16xf32>
        %swap3A_1076 = arith.constant 0 : i32
        %swap3A_1077 = arith.index_cast %swap3A_1076 : i32 to index
        %swap3A_1078 = arith.index_cast %scan3A_1017 : i32 to index
        %swap3A_1079 = arith.constant 32 : index
        %swap3A_1080 = tpu.vector_load %arg8[%swap3A_1077, %swap3A_1078, %swap3A_1079] {strides = array<i32>} : memref<4x200x64xf32, #tpu.memory_space<vmem>>, vector<1x1x16xf32>,
        %swap3A_1081 = vector.shape_cast %swap3A_1080 : vector<1x1x16xf32> to vector<16xf32>
        %swap3A_1082 = vector.shape_cast %add3A_1075 : vector<16xf32> to vector<1x1x16xf32>
        tpu.vector_store %arg8[%swap3A_1077, %swap3A_1078, %swap3A_1079], %swap3A_1082 {strides = array<i32>} : memref<4x200x64xf32, #tpu.memory_space<vmem>>, vector<1x1x16xf32>,
        %get3A_1083 = arith.constant 0 : i32
        %get3A_1084 = arith.index_cast %get3A_1083 : i32 to index
        %get3A_1085 = arith.index_cast %scan3A_1017 : i32 to index
        %get3A_1086 = arith.constant 48 : index
        %get3A_1087 = tpu.vector_load %arg8[%get3A_1084, %get3A_1085, %get3A_1086] {strides = array<i32>} : memref<4x200x64xf32, #tpu.memory_space<vmem>>, vector<1x1x16xf32>,
        %get3A_1088 = vector.shape_cast %get3A_1087 : vector<1x1x16xf32> to vector<16xf32>
        %mul3A_1089 = arith.constant 8.000000e+00 : f32
        %mul3A_1090 = vector.broadcast %mul3A_1089 : f32 to vector<16xf32>
        %mul3A_1091 = arith.mulf %get3A_1088, %mul3A_1090 : vector<16xf32>
        %add3A_1092 = arith.addf %mul3A_1091, %get3A_1032 : vector<16xf32>
        %swap3A_1093 = arith.constant 0 : i32
        %swap3A_1094 = arith.index_cast %swap3A_1093 : i32 to index
        %swap3A_1095 = arith.index_cast %scan3A_1017 : i32 to index
        %swap3A_1096 = arith.constant 48 : index
        %swap3A_1097 = tpu.vector_load %arg8[%swap3A_1094, %swap3A_1095, %swap3A_1096] {strides = array<i32>} : memref<4x200x64xf32, #tpu.memory_space<vmem>>, vector<1x1x16xf32>,
        %swap3A_1098 = vector.shape_cast %swap3A_1097 : vector<1x1x16xf32> to vector<16xf32>
        %swap3A_1099 = vector.shape_cast %add3A_1092 : vector<16xf32> to vector<1x1x16xf32>
        tpu.vector_store %arg8[%swap3A_1094, %swap3A_1095, %swap3A_1096], %swap3A_1099 {strides = array<i32>} : memref<4x200x64xf32, #tpu.memory_space<vmem>>, vector<1x1x16xf32>,
        %get3A_1100 = arith.constant 1 : i32
        %get3A_1101 = arith.index_cast %get3A_1100 : i32 to index
        %get3A_1102 = arith.index_cast %scan3A_1017 : i32 to index
        %get3A_1103 = arith.constant 0 : index
        %get3A_1104 = tpu.vector_load %arg8[%get3A_1101, %get3A_1102, %get3A_1103] {strides = array<i32>} : memref<4x200x64xf32, #tpu.memory_space<vmem>>, vector<1x1x16xf32>,
        %get3A_1105 = vector.shape_cast %get3A_1104 : vector<1x1x16xf32> to vector<16xf32>
        %mul3A_1106 = arith.constant 8.000000e+00 : f32
        %mul3A_1107 = vector.broadcast %mul3A_1106 : f32 to vector<16xf32>
        %mul3A_1108 = arith.mulf %get3A_1105, %mul3A_1107 : vector<16xf32>
        %add3A_1109 = arith.addf %mul3A_1108, %get3A_1020 : vector<16xf32>
        %swap3A_1110 = arith.constant 1 : i32
        %swap3A_1111 = arith.index_cast %swap3A_1110 : i32 to index
        %swap3A_1112 = arith.index_cast %scan3A_1017 : i32 to index
        %swap3A_1113 = arith.constant 0 : index
        %swap3A_1114 = tpu.vector_load %arg8[%swap3A_1111, %swap3A_1112, %swap3A_1113] {strides = array<i32>} : memref<4x200x64xf32, #tpu.memory_space<vmem>>, vector<1x1x16xf32>,
        %swap3A_1115 = vector.shape_cast %swap3A_1114 : vector<1x1x16xf32> to vector<16xf32>
        %swap3A_1116 = vector.shape_cast %add3A_1109 : vector<16xf32> to vector<1x1x16xf32>
        tpu.vector_store %arg8[%swap3A_1111, %swap3A_1112, %swap3A_1113], %swap3A_1116 {strides = array<i32>} : memref<4x200x64xf32, #tpu.memory_space<vmem>>, vector<1x1x16xf32>,
        %get3A_1117 = arith.constant 1 : i32
        %get3A_1118 = arith.index_cast %get3A_1117 : i32 to index
        %get3A_1119 = arith.index_cast %scan3A_1017 : i32 to index
        %get3A_1120 = arith.constant 16 : index
        %get3A_1121 = tpu.vector_load %arg8[%get3A_1118, %get3A_1119, %get3A_1120] {strides = array<i32>} : memref<4x200x64xf32, #tpu.memory_space<vmem>>, vector<1x1x16xf32>,
        %get3A_1122 = vector.shape_cast %get3A_1121 : vector<1x1x16xf32> to vector<16xf32>
        %mul3A_1123 = arith.constant 8.000000e+00 : f32
        %mul3A_1124 = vector.broadcast %mul3A_1123 : f32 to vector<16xf32>
        %mul3A_1125 = arith.mulf %get3A_1122, %mul3A_1124 : vector<16xf32>
        %add3A_1126 = arith.addf %mul3A_1125, %get3A_1024 : vector<16xf32>
        %swap3A_1127 = arith.constant 1 : i32
        %swap3A_1128 = arith.index_cast %swap3A_1127 : i32 to index
        %swap3A_1129 = arith.index_cast %scan3A_1017 : i32 to index
        %swap3A_1130 = arith.constant 16 : index
        %swap3A_1131 = tpu.vector_load %arg8[%swap3A_1128, %swap3A_1129, %swap3A_1130] {strides = array<i32>} : memref<4x200x64xf32, #tpu.memory_space<vmem>>, vector<1x1x16xf32>,
        %swap3A_1132 = vector.shape_cast %swap3A_1131 : vector<1x1x16xf32> to vector<16xf32>
        %swap3A_1133 = vector.shape_cast %add3A_1126 : vector<16xf32> to vector<1x1x16xf32>
        tpu.vector_store %arg8[%swap3A_1128, %swap3A_1129, %swap3A_1130], %swap3A_1133 {strides = array<i32>} : memref<4x200x64xf32, #tpu.memory_space<vmem>>, vector<1x1x16xf32>,
        %get3A_1134 = arith.constant 1 : i32
        %get3A_1135 = arith.index_cast %get3A_1134 : i32 to index
        %get3A_1136 = arith.index_cast %scan3A_1017 : i32 to index
        %get3A_1137 = arith.constant 32 : index
        %get3A_1138 = tpu.vector_load %arg8[%get3A_1135, %get3A_1136, %get3A_1137] {strides = array<i32>} : memref<4x200x64xf32, #tpu.memory_space<vmem>>, vector<1x1x16xf32>,
        %get3A_1139 = vector.shape_cast %get3A_1138 : vector<1x1x16xf32> to vector<16xf32>
        %mul3A_1140 = arith.constant 8.000000e+00 : f32
        %mul3A_1141 = vector.broadcast %mul3A_1140 : f32 to vector<16xf32>
        %mul3A_1142 = arith.mulf %get3A_1139, %mul3A_1141 : vector<16xf32>
        %add3A_1143 = arith.addf %mul3A_1142, %get3A_1028 : vector<16xf32>
        %swap3A_1144 = arith.constant 1 : i32
        %swap3A_1145 = arith.index_cast %swap3A_1144 : i32 to index
        %swap3A_1146 = arith.index_cast %scan3A_1017 : i32 to index
        %swap3A_1147 = arith.constant 32 : index
        %swap3A_1148 = tpu.vector_load %arg8[%swap3A_1145, %swap3A_1146, %swap3A_1147] {strides = array<i32>} : memref<4x200x64xf32, #tpu.memory_space<vmem>>, vector<1x1x16xf32>,
        %swap3A_1149 = vector.shape_cast %swap3A_1148 : vector<1x1x16xf32> to vector<16xf32>
        %swap3A_1150 = vector.shape_cast %add3A_1143 : vector<16xf32> to vector<1x1x16xf32>
        tpu.vector_store %arg8[%swap3A_1145, %swap3A_1146, %swap3A_1147], %swap3A_1150 {strides = array<i32>} : memref<4x200x64xf32, #tpu.memory_space<vmem>>, vector<1x1x16xf32>,
        %get3A_1151 = arith.constant 1 : i32
        %get3A_1152 = arith.index_cast %get3A_1151 : i32 to index
        %get3A_1153 = arith.index_cast %scan3A_1017 : i32 to index
        %get3A_1154 = arith.constant 48 : index
        %get3A_1155 = tpu.vector_load %arg8[%get3A_1152, %get3A_1153, %get3A_1154] {strides = array<i32>} : memref<4x200x64xf32, #tpu.memory_space<vmem>>, vector<1x1x16xf32>,
        %get3A_1156 = vector.shape_cast %get3A_1155 : vector<1x1x16xf32> to vector<16xf32>
        %mul3A_1157 = arith.constant 8.000000e+00 : f32
        %mul3A_1158 = vector.broadcast %mul3A_1157 : f32 to vector<16xf32>
        %mul3A_1159 = arith.mulf %get3A_1156, %mul3A_1158 : vector<16xf32>
        %add3A_1160 = arith.addf %mul3A_1159, %get3A_1032 : vector<16xf32>
        %swap3A_1161 = arith.constant 1 : i32
        %swap3A_1162 = arith.index_cast %swap3A_1161 : i32 to index
        %swap3A_1163 = arith.index_cast %scan3A_1017 : i32 to index
        %swap3A_1164 = arith.constant 48 : index
        %swap3A_1165 = tpu.vector_load %arg8[%swap3A_1162, %swap3A_1163, %swap3A_1164] {strides = array<i32>} : memref<4x200x64xf32, #tpu.memory_space<vmem>>, vector<1x1x16xf32>,
        %swap3A_1166 = vector.shape_cast %swap3A_1165 : vector<1x1x16xf32> to vector<16xf32>
        %swap3A_1167 = vector.shape_cast %add3A_1160 : vector<16xf32> to vector<1x1x16xf32>
        tpu.vector_store %arg8[%swap3A_1162, %swap3A_1163, %swap3A_1164], %swap3A_1167 {strides = array<i32>} : memref<4x200x64xf32, #tpu.memory_space<vmem>>, vector<1x1x16xf32>,
        %get3A_1168 = arith.constant 2 : i32
        %get3A_1169 = arith.index_cast %get3A_1168 : i32 to index
        %get3A_1170 = arith.index_cast %scan3A_1017 : i32 to index
        %get3A_1171 = arith.constant 0 : index
        %get3A_1172 = tpu.vector_load %arg8[%get3A_1169, %get3A_1170, %get3A_1171] {strides = array<i32>} : memref<4x200x64xf32, #tpu.memory_space<vmem>>, vector<1x1x16xf32>,
        %get3A_1173 = vector.shape_cast %get3A_1172 : vector<1x1x16xf32> to vector<16xf32>
        %mul3A_1174 = arith.constant 8.000000e+00 : f32
        %mul3A_1175 = vector.broadcast %mul3A_1174 : f32 to vector<16xf32>
        %mul3A_1176 = arith.mulf %get3A_1173, %mul3A_1175 : vector<16xf32>
        %add3A_1177 = arith.addf %mul3A_1176, %get3A_1020 : vector<16xf32>
        %swap3A_1178 = arith.constant 2 : i32
        %swap3A_1179 = arith.index_cast %swap3A_1178 : i32 to index
        %swap3A_1180 = arith.index_cast %scan3A_1017 : i32 to index
        %swap3A_1181 = arith.constant 0 : index
        %swap3A_1182 = tpu.vector_load %arg8[%swap3A_1179, %swap3A_1180, %swap3A_1181] {strides = array<i32>} : memref<4x200x64xf32, #tpu.memory_space<vmem>>, vector<1x1x16xf32>,
        %swap3A_1183 = vector.shape_cast %swap3A_1182 : vector<1x1x16xf32> to vector<16xf32>
        %swap3A_1184 = vector.shape_cast %add3A_1177 : vector<16xf32> to vector<1x1x16xf32>
        tpu.vector_store %arg8[%swap3A_1179, %swap3A_1180, %swap3A_1181], %swap3A_1184 {strides = array<i32>} : memref<4x200x64xf32, #tpu.memory_space<vmem>>, vector<1x1x16xf32>,
        %get3A_1185 = arith.constant 2 : i32
        %get3A_1186 = arith.index_cast %get3A_1185 : i32 to index
        %get3A_1187 = arith.index_cast %scan3A_1017 : i32 to index
        %get3A_1188 = arith.constant 16 : index
        %get3A_1189 = tpu.vector_load %arg8[%get3A_1186, %get3A_1187, %get3A_1188] {strides = array<i32>} : memref<4x200x64xf32, #tpu.memory_space<vmem>>, vector<1x1x16xf32>,
        %get3A_1190 = vector.shape_cast %get3A_1189 : vector<1x1x16xf32> to vector<16xf32>
        %mul3A_1191 = arith.constant 8.000000e+00 : f32
        %mul3A_1192 = vector.broadcast %mul3A_1191 : f32 to vector<16xf32>
        %mul3A_1193 = arith.mulf %get3A_1190, %mul3A_1192 : vector<16xf32>
        %add3A_1194 = arith.addf %mul3A_1193, %get3A_1024 : vector<16xf32>
        %swap3A_1195 = arith.constant 2 : i32
        %swap3A_1196 = arith.index_cast %swap3A_1195 : i32 to index
        %swap3A_1197 = arith.index_cast %scan3A_1017 : i32 to index
        %swap3A_1198 = arith.constant 16 : index
        %swap3A_1199 = tpu.vector_load %arg8[%swap3A_1196, %swap3A_1197, %swap3A_1198] {strides = array<i32>} : memref<4x200x64xf32, #tpu.memory_space<vmem>>, vector<1x1x16xf32>,
        %swap3A_1200 = vector.shape_cast %swap3A_1199 : vector<1x1x16xf32> to vector<16xf32>
        %swap3A_1201 = vector.shape_cast %add3A_1194 : vector<16xf32> to vector<1x1x16xf32>
        tpu.vector_store %arg8[%swap3A_1196, %swap3A_1197, %swap3A_1198], %swap3A_1201 {strides = array<i32>} : memref<4x200x64xf32, #tpu.memory_space<vmem>>, vector<1x1x16xf32>,
        %get3A_1202 = arith.constant 2 : i32
        %get3A_1203 = arith.index_cast %get3A_1202 : i32 to index
        %get3A_1204 = arith.index_cast %scan3A_1017 : i32 to index
        %get3A_1205 = arith.constant 32 : index
        %get3A_1206 = tpu.vector_load %arg8[%get3A_1203, %get3A_1204, %get3A_1205] {strides = array<i32>} : memref<4x200x64xf32, #tpu.memory_space<vmem>>, vector<1x1x16xf32>,
        %get3A_1207 = vector.shape_cast %get3A_1206 : vector<1x1x16xf32> to vector<16xf32>
        %mul3A_1208 = arith.constant 8.000000e+00 : f32
        %mul3A_1209 = vector.broadcast %mul3A_1208 : f32 to vector<16xf32>
        %mul3A_1210 = arith.mulf %get3A_1207, %mul3A_1209 : vector<16xf32>
        %add3A_1211 = arith.addf %mul3A_1210, %get3A_1028 : vector<16xf32>
        %swap3A_1212 = arith.constant 2 : i32
        %swap3A_1213 = arith.index_cast %swap3A_1212 : i32 to index
        %swap3A_1214 = arith.index_cast %scan3A_1017 : i32 to index
        %swap3A_1215 = arith.constant 32 : index
        %swap3A_1216 = tpu.vector_load %arg8[%swap3A_1213, %swap3A_1214, %swap3A_1215] {strides = array<i32>} : memref<4x200x64xf32, #tpu.memory_space<vmem>>, vector<1x1x16xf32>,
        %swap3A_1217 = vector.shape_cast %swap3A_1216 : vector<1x1x16xf32> to vector<16xf32>
        %swap3A_1218 = vector.shape_cast %add3A_1211 : vector<16xf32> to vector<1x1x16xf32>
        tpu.vector_store %arg8[%swap3A_1213, %swap3A_1214, %swap3A_1215], %swap3A_1218 {strides = array<i32>} : memref<4x200x64xf32, #tpu.memory_space<vmem>>, vector<1x1x16xf32>,
        %get3A_1219 = arith.constant 2 : i32
        %get3A_1220 = arith.index_cast %get3A_1219 : i32 to index
        %get3A_1221 = arith.index_cast %scan3A_1017 : i32 to index
        %get3A_1222 = arith.constant 48 : index
        %get3A_1223 = tpu.vector_load %arg8[%get3A_1220, %get3A_1221, %get3A_1222] {strides = array<i32>} : memref<4x200x64xf32, #tpu.memory_space<vmem>>, vector<1x1x16xf32>,
        %get3A_1224 = vector.shape_cast %get3A_1223 : vector<1x1x16xf32> to vector<16xf32>
        %mul3A_1225 = arith.constant 8.000000e+00 : f32
        %mul3A_1226 = vector.broadcast %mul3A_1225 : f32 to vector<16xf32>
        %mul3A_1227 = arith.mulf %get3A_1224, %mul3A_1226 : vector<16xf32>
        %add3A_1228 = arith.addf %mul3A_1227, %get3A_1032 : vector<16xf32>
        %swap3A_1229 = arith.constant 2 : i32
        %swap3A_1230 = arith.index_cast %swap3A_1229 : i32 to index
        %swap3A_1231 = arith.index_cast %scan3A_1017 : i32 to index
        %swap3A_1232 = arith.constant 48 : index
        %swap3A_1233 = tpu.vector_load %arg8[%swap3A_1230, %swap3A_1231, %swap3A_1232] {strides = array<i32>} : memref<4x200x64xf32, #tpu.memory_space<vmem>>, vector<1x1x16xf32>,
        %swap3A_1234 = vector.shape_cast %swap3A_1233 : vector<1x1x16xf32> to vector<16xf32>
        %swap3A_1235 = vector.shape_cast %add3A_1228 : vector<16xf32> to vector<1x1x16xf32>
        tpu.vector_store %arg8[%swap3A_1230, %swap3A_1231, %swap3A_1232], %swap3A_1235 {strides = array<i32>} : memref<4x200x64xf32, #tpu.memory_space<vmem>>, vector<1x1x16xf32>,
        %get3A_1236 = arith.constant 3 : i32
        %get3A_1237 = arith.index_cast %get3A_1236 : i32 to index
        %get3A_1238 = arith.index_cast %scan3A_1017 : i32 to index
        %get3A_1239 = arith.constant 0 : index
        %get3A_1240 = tpu.vector_load %arg8[%get3A_1237, %get3A_1238, %get3A_1239] {strides = array<i32>} : memref<4x200x64xf32, #tpu.memory_space<vmem>>, vector<1x1x16xf32>,
        %get3A_1241 = vector.shape_cast %get3A_1240 : vector<1x1x16xf32> to vector<16xf32>
        %mul3A_1242 = arith.constant 8.000000e+00 : f32
        %mul3A_1243 = vector.broadcast %mul3A_1242 : f32 to vector<16xf32>
        %mul3A_1244 = arith.mulf %get3A_1241, %mul3A_1243 : vector<16xf32>
        %add3A_1245 = arith.addf %mul3A_1244, %get3A_1020 : vector<16xf32>
        %swap3A_1246 = arith.constant 3 : i32
        %swap3A_1247 = arith.index_cast %swap3A_1246 : i32 to index
        %swap3A_1248 = arith.index_cast %scan3A_1017 : i32 to index
        %swap3A_1249 = arith.constant 0 : index
        %swap3A_1250 = tpu.vector_load %arg8[%swap3A_1247, %swap3A_1248, %swap3A_1249] {strides = array<i32>} : memref<4x200x64xf32, #tpu.memory_space<vmem>>, vector<1x1x16xf32>,
        %swap3A_1251 = vector.shape_cast %swap3A_1250 : vector<1x1x16xf32> to vector<16xf32>
        %swap3A_1252 = vector.shape_cast %add3A_1245 : vector<16xf32> to vector<1x1x16xf32>
        tpu.vector_store %arg8[%swap3A_1247, %swap3A_1248, %swap3A_1249], %swap3A_1252 {strides = array<i32>} : memref<4x200x64xf32, #tpu.memory_space<vmem>>, vector<1x1x16xf32>,
        %get3A_1253 = arith.constant 3 : i32
        %get3A_1254 = arith.index_cast %get3A_1253 : i32 to index
        %get3A_1255 = arith.index_cast %scan3A_1017 : i32 to index
        %get3A_1256 = arith.constant 16 : index
        %get3A_1257 = tpu.vector_load %arg8[%get3A_1254, %get3A_1255, %get3A_1256] {strides = array<i32>} : memref<4x200x64xf32, #tpu.memory_space<vmem>>, vector<1x1x16xf32>,
        %get3A_1258 = vector.shape_cast %get3A_1257 : vector<1x1x16xf32> to vector<16xf32>
        %mul3A_1259 = arith.constant 8.000000e+00 : f32
        %mul3A_1260 = vector.broadcast %mul3A_1259 : f32 to vector<16xf32>
        %mul3A_1261 = arith.mulf %get3A_1258, %mul3A_1260 : vector<16xf32>
        %add3A_1262 = arith.addf %mul3A_1261, %get3A_1024 : vector<16xf32>
        %swap3A_1263 = arith.constant 3 : i32
        %swap3A_1264 = arith.index_cast %swap3A_1263 : i32 to index
        %swap3A_1265 = arith.index_cast %scan3A_1017 : i32 to index
        %swap3A_1266 = arith.constant 16 : index
        %swap3A_1267 = tpu.vector_load %arg8[%swap3A_1264, %swap3A_1265, %swap3A_1266] {strides = array<i32>} : memref<4x200x64xf32, #tpu.memory_space<vmem>>, vector<1x1x16xf32>,
        %swap3A_1268 = vector.shape_cast %swap3A_1267 : vector<1x1x16xf32> to vector<16xf32>
        %swap3A_1269 = vector.shape_cast %add3A_1262 : vector<16xf32> to vector<1x1x16xf32>
        tpu.vector_store %arg8[%swap3A_1264, %swap3A_1265, %swap3A_1266], %swap3A_1269 {strides = array<i32>} : memref<4x200x64xf32, #tpu.memory_space<vmem>>, vector<1x1x16xf32>,
        %get3A_1270 = arith.constant 3 : i32
        %get3A_1271 = arith.index_cast %get3A_1270 : i32 to index
        %get3A_1272 = arith.index_cast %scan3A_1017 : i32 to index
        %get3A_1273 = arith.constant 32 : index
        %get3A_1274 = tpu.vector_load %arg8[%get3A_1271, %get3A_1272, %get3A_1273] {strides = array<i32>} : memref<4x200x64xf32, #tpu.memory_space<vmem>>, vector<1x1x16xf32>,
        %get3A_1275 = vector.shape_cast %get3A_1274 : vector<1x1x16xf32> to vector<16xf32>
        %mul3A_1276 = arith.constant 8.000000e+00 : f32
        %mul3A_1277 = vector.broadcast %mul3A_1276 : f32 to vector<16xf32>
        %mul3A_1278 = arith.mulf %get3A_1275, %mul3A_1277 : vector<16xf32>
        %add3A_1279 = arith.addf %mul3A_1278, %get3A_1028 : vector<16xf32>
        %swap3A_1280 = arith.constant 3 : i32
        %swap3A_1281 = arith.index_cast %swap3A_1280 : i32 to index
        %swap3A_1282 = arith.index_cast %scan3A_1017 : i32 to index
        %swap3A_1283 = arith.constant 32 : index
        %swap3A_1284 = tpu.vector_load %arg8[%swap3A_1281, %swap3A_1282, %swap3A_1283] {strides = array<i32>} : memref<4x200x64xf32, #tpu.memory_space<vmem>>, vector<1x1x16xf32>,
        %swap3A_1285 = vector.shape_cast %swap3A_1284 : vector<1x1x16xf32> to vector<16xf32>
        %swap3A_1286 = vector.shape_cast %add3A_1279 : vector<16xf32> to vector<1x1x16xf32>
        tpu.vector_store %arg8[%swap3A_1281, %swap3A_1282, %swap3A_1283], %swap3A_1286 {strides = array<i32>} : memref<4x200x64xf32, #tpu.memory_space<vmem>>, vector<1x1x16xf32>,
        %get3A_1287 = arith.constant 3 : i32
        %get3A_1288 = arith.index_cast %get3A_1287 : i32 to index
        %get3A_1289 = arith.index_cast %scan3A_1017 : i32 to index
        %get3A_1290 = arith.constant 48 : index
        %get3A_1291 = tpu.vector_load %arg8[%get3A_1288, %get3A_1289, %get3A_1290] {strides = array<i32>} : memref<4x200x64xf32, #tpu.memory_space<vmem>>, vector<1x1x16xf32>,
        %get3A_1292 = vector.shape_cast %get3A_1291 : vector<1x1x16xf32> to vector<16xf32>
        %mul3A_1293 = arith.constant 8.000000e+00 : f32
        %mul3A_1294 = vector.broadcast %mul3A_1293 : f32 to vector<16xf32>
        %mul3A_1295 = arith.mulf %get3A_1292, %mul3A_1294 : vector<16xf32>
        %add3A_1296 = arith.addf %mul3A_1295, %get3A_1032 : vector<16xf32>
        %swap3A_1297 = arith.constant 3 : i32
        %swap3A_1298 = arith.index_cast %swap3A_1297 : i32 to index
        %swap3A_1299 = arith.index_cast %scan3A_1017 : i32 to index
        %swap3A_1300 = arith.constant 48 : index
        %swap3A_1301 = tpu.vector_load %arg8[%swap3A_1298, %swap3A_1299, %swap3A_1300] {strides = array<i32>} : memref<4x200x64xf32, #tpu.memory_space<vmem>>, vector<1x1x16xf32>,
        %swap3A_1302 = vector.shape_cast %swap3A_1301 : vector<1x1x16xf32> to vector<16xf32>
        %swap3A_1303 = vector.shape_cast %add3A_1296 : vector<16xf32> to vector<1x1x16xf32>
        tpu.vector_store %arg8[%swap3A_1298, %swap3A_1299, %swap3A_1300], %swap3A_1303 {strides = array<i32>} : memref<4x200x64xf32, #tpu.memory_space<vmem>>, vector<1x1x16xf32>,
      }
      %scan3A_755 = arith.constant 200 : i32
      %dma_start3A_756 = arith.constant 0 : i32
      %dma_start3A_757 = arith.constant 0 : i32
      %dma_start3A_758 = tpu.memref_slice %arg5[%add3A_510, %dma_start3A_756, %dma_start3A_757] : memref<4096x200x64xf32, #tpu.memory_space<hbm>> -> memref<4x200x64xf32, #tpu.memory_space<hbm>>
      %dma_start3A_759 = arith.constant 0 : i32
      %dma_start3A_760 = arith.constant 0 : i32
      %dma_start3A_761 = tpu.memref_slice %arg5[%add3A_510, %dma_start3A_759, %dma_start3A_760] : memref<4096x200x64xf32, #tpu.memory_space<hbm>> -> memref<4x200x64xf32, #tpu.memory_space<hbm>>
      tpu.enqueue_dma source(%arg8 : memref<4x200x64xf32, #tpu.memory_space<vmem>>) target(%dma_start3A_761 : memref<4x200x64xf32, #tpu.memory_space<hbm>>) target_semaphore(%arg12 : memref<!tpu.dma_semaphore, #tpu.memory_space<semaphore_mem>>)
      %add3A_762 = arith.constant 4 : i32
      %add3A_763 = arith.addi %multiple_of3A, %add3A_762 : i32
      %dma_wait3A_764 = arith.constant 4 : i32
      %dma_wait3A_765 = arith.constant 0 : i32
      %dma_wait3A_766 = arith.constant 0 : i32
      %dma_wait3A_767 = arith.constant 0 : i32
      %dma_wait3A_768 = tpu.memref_slice %arg9[%dma_wait3A_765, %dma_wait3A_766, %dma_wait3A_767] : memref<4x200x64xf32, #tpu.memory_space<vmem>> -> memref<1x40x64xf32, #tpu.memory_space<vmem>>
      %dma_wait3A_769 = tpu.memref_squeeze %dma_wait3A_768 : memref<1x40x64xf32, #tpu.memory_space<vmem>> -> memref<40x64xf32, #tpu.memory_space<vmem>>
      %dma_wait3A_770 = arith.constant 0 : i32
      %dma_wait3A_771 = tpu.memref_slice %arg7[%dma_wait3A_764, %dma_wait3A_770] : memref<8x200xi32, #tpu.memory_space<vmem>> -> memref<1x40xi32, #tpu.memory_space<vmem>>
      %dma_wait3A_772 = tpu.memref_squeeze %dma_wait3A_771 : memref<1x40xi32, #tpu.memory_space<vmem>> -> memref<40xi32, #tpu.memory_space<vmem>>
      %dma_wait3A_773 = arith.constant 0 : i32
      %dma_wait3A_774 = arith.constant 0 : i32
      %dma_wait3A_775 = tpu.memref_slice %arg3[%dma_wait3A_773, %dma_wait3A_774] : memref<1000000x64xf32, #tpu.memory_space<hbm>> -> memref<1000000x64xf32, #tpu.memory_space<hbm>>
      tpu.wait_indirect_dma semaphore(%arg11 : memref<!tpu.dma_semaphore, #tpu.memory_space<semaphore_mem>>) src(%dma_wait3A_775 : memref<1000000x64xf32, #tpu.memory_space<hbm>>) dst(%dma_wait3A_769 : memref<40x64xf32, #tpu.memory_space<vmem>>)
      %dma_wait3A_776 = arith.constant 4 : i32
      %dma_wait3A_777 = arith.constant 0 : i32
      %dma_wait3A_778 = arith.constant 40 : i32
      %dma_wait3A_779 = arith.constant 0 : i32
      %dma_wait3A_780 = tpu.memref_slice %arg9[%dma_wait3A_777, %dma_wait3A_778, %dma_wait3A_779] : memref<4x200x64xf32, #tpu.memory_space<vmem>> -> memref<1x40x64xf32, #tpu.memory_space<vmem>>
      %dma_wait3A_781 = tpu.memref_squeeze %dma_wait3A_780 : memref<1x40x64xf32, #tpu.memory_space<vmem>> -> memref<40x64xf32, #tpu.memory_space<vmem>>
      %dma_wait3A_782 = arith.constant 40 : i32
      %dma_wait3A_783 = tpu.memref_slice %arg7[%dma_wait3A_776, %dma_wait3A_782] : memref<8x200xi32, #tpu.memory_space<vmem>> -> memref<1x40xi32, #tpu.memory_space<vmem>>
      %dma_wait3A_784 = tpu.memref_squeeze %dma_wait3A_783 : memref<1x40xi32, #tpu.memory_space<vmem>> -> memref<40xi32, #tpu.memory_space<vmem>>
      %dma_wait3A_785 = arith.constant 0 : i32
      %dma_wait3A_786 = arith.constant 0 : i32
      %dma_wait3A_787 = tpu.memref_slice %arg3[%dma_wait3A_785, %dma_wait3A_786] : memref<1000000x64xf32, #tpu.memory_space<hbm>> -> memref<1000000x64xf32, #tpu.memory_space<hbm>>
      tpu.wait_indirect_dma semaphore(%arg11 : memref<!tpu.dma_semaphore, #tpu.memory_space<semaphore_mem>>) src(%dma_wait3A_787 : memref<1000000x64xf32, #tpu.memory_space<hbm>>) dst(%dma_wait3A_781 : memref<40x64xf32, #tpu.memory_space<vmem>>)
      %dma_wait3A_788 = arith.constant 4 : i32
      %dma_wait3A_789 = arith.constant 0 : i32
      %dma_wait3A_790 = arith.constant 80 : i32
      %dma_wait3A_791 = arith.constant 0 : i32
      %dma_wait3A_792 = tpu.memref_slice %arg9[%dma_wait3A_789, %dma_wait3A_790, %dma_wait3A_791] : memref<4x200x64xf32, #tpu.memory_space<vmem>> -> memref<1x40x64xf32, #tpu.memory_space<vmem>>
      %dma_wait3A_793 = tpu.memref_squeeze %dma_wait3A_792 : memref<1x40x64xf32, #tpu.memory_space<vmem>> -> memref<40x64xf32, #tpu.memory_space<vmem>>
      %dma_wait3A_794 = arith.constant 80 : i32
      %dma_wait3A_795 = tpu.memref_slice %arg7[%dma_wait3A_788, %dma_wait3A_794] : memref<8x200xi32, #tpu.memory_space<vmem>> -> memref<1x40xi32, #tpu.memory_space<vmem>>
      %dma_wait3A_796 = tpu.memref_squeeze %dma_wait3A_795 : memref<1x40xi32, #tpu.memory_space<vmem>> -> memref<40xi32, #tpu.memory_space<vmem>>
      %dma_wait3A_797 = arith.constant 0 : i32
      %dma_wait3A_798 = arith.constant 0 : i32
      %dma_wait3A_799 = tpu.memref_slice %arg3[%dma_wait3A_797, %dma_wait3A_798] : memref<1000000x64xf32, #tpu.memory_space<hbm>> -> memref<1000000x64xf32, #tpu.memory_space<hbm>>
      tpu.wait_indirect_dma semaphore(%arg11 : memref<!tpu.dma_semaphore, #tpu.memory_space<semaphore_mem>>) src(%dma_wait3A_799 : memref<1000000x64xf32, #tpu.memory_space<hbm>>) dst(%dma_wait3A_793 : memref<40x64xf32, #tpu.memory_space<vmem>>)
      %dma_wait3A_800 = arith.constant 4 : i32
      %dma_wait3A_801 = arith.constant 0 : i32
      %dma_wait3A_802 = arith.constant 120 : i32
      %dma_wait3A_803 = arith.constant 0 : i32
      %dma_wait3A_804 = tpu.memref_slice %arg9[%dma_wait3A_801, %dma_wait3A_802, %dma_wait3A_803] : memref<4x200x64xf32, #tpu.memory_space<vmem>> -> memref<1x40x64xf32, #tpu.memory_space<vmem>>
      %dma_wait3A_805 = tpu.memref_squeeze %dma_wait3A_804 : memref<1x40x64xf32, #tpu.memory_space<vmem>> -> memref<40x64xf32, #tpu.memory_space<vmem>>
      %dma_wait3A_806 = arith.constant 120 : i32
      %dma_wait3A_807 = tpu.memref_slice %arg7[%dma_wait3A_800, %dma_wait3A_806] : memref<8x200xi32, #tpu.memory_space<vmem>> -> memref<1x40xi32, #tpu.memory_space<vmem>>
      %dma_wait3A_808 = tpu.memref_squeeze %dma_wait3A_807 : memref<1x40xi32, #tpu.memory_space<vmem>> -> memref<40xi32, #tpu.memory_space<vmem>>
      %dma_wait3A_809 = arith.constant 0 : i32
      %dma_wait3A_810 = arith.constant 0 : i32
      %dma_wait3A_811 = tpu.memref_slice %arg3[%dma_wait3A_809, %dma_wait3A_810] : memref<1000000x64xf32, #tpu.memory_space<hbm>> -> memref<1000000x64xf32, #tpu.memory_space<hbm>>
      tpu.wait_indirect_dma semaphore(%arg11 : memref<!tpu.dma_semaphore, #tpu.memory_space<semaphore_mem>>) src(%dma_wait3A_811 : memref<1000000x64xf32, #tpu.memory_space<hbm>>) dst(%dma_wait3A_805 : memref<40x64xf32, #tpu.memory_space<vmem>>)
      %dma_wait3A_812 = arith.constant 4 : i32
      %dma_wait3A_813 = arith.constant 0 : i32
      %dma_wait3A_814 = arith.constant 160 : i32
      %dma_wait3A_815 = arith.constant 0 : i32
      %dma_wait3A_816 = tpu.memref_slice %arg9[%dma_wait3A_813, %dma_wait3A_814, %dma_wait3A_815] : memref<4x200x64xf32, #tpu.memory_space<vmem>> -> memref<1x40x64xf32, #tpu.memory_space<vmem>>
      %dma_wait3A_817 = tpu.memref_squeeze %dma_wait3A_816 : memref<1x40x64xf32, #tpu.memory_space<vmem>> -> memref<40x64xf32, #tpu.memory_space<vmem>>
      %dma_wait3A_818 = arith.constant 160 : i32
      %dma_wait3A_819 = tpu.memref_slice %arg7[%dma_wait3A_812, %dma_wait3A_818] : memref<8x200xi32, #tpu.memory_space<vmem>> -> memref<1x40xi32, #tpu.memory_space<vmem>>
      %dma_wait3A_820 = tpu.memref_squeeze %dma_wait3A_819 : memref<1x40xi32, #tpu.memory_space<vmem>> -> memref<40xi32, #tpu.memory_space<vmem>>
      %dma_wait3A_821 = arith.constant 0 : i32
      %dma_wait3A_822 = arith.constant 0 : i32
      %dma_wait3A_823 = tpu.memref_slice %arg3[%dma_wait3A_821, %dma_wait3A_822] : memref<1000000x64xf32, #tpu.memory_space<hbm>> -> memref<1000000x64xf32, #tpu.memory_space<hbm>>
      tpu.wait_indirect_dma semaphore(%arg11 : memref<!tpu.dma_semaphore, #tpu.memory_space<semaphore_mem>>) src(%dma_wait3A_823 : memref<1000000x64xf32, #tpu.memory_space<hbm>>) dst(%dma_wait3A_817 : memref<40x64xf32, #tpu.memory_space<vmem>>)
      %dma_wait3A_824 = arith.constant 5 : i32
      %dma_wait3A_825 = arith.constant 1 : i32
      %dma_wait3A_826 = arith.constant 0 : i32
      %dma_wait3A_827 = arith.constant 0 : i32
      %dma_wait3A_828 = tpu.memref_slice %arg9[%dma_wait3A_825, %dma_wait3A_826, %dma_wait3A_827] : memref<4x200x64xf32, #tpu.memory_space<vmem>> -> memref<1x40x64xf32, #tpu.memory_space<vmem>>
      %dma_wait3A_829 = tpu.memref_squeeze %dma_wait3A_828 : memref<1x40x64xf32, #tpu.memory_space<vmem>> -> memref<40x64xf32, #tpu.memory_space<vmem>>
      %dma_wait3A_830 = arith.constant 0 : i32
      %dma_wait3A_831 = tpu.memref_slice %arg7[%dma_wait3A_824, %dma_wait3A_830] : memref<8x200xi32, #tpu.memory_space<vmem>> -> memref<1x40xi32, #tpu.memory_space<vmem>>
      %dma_wait3A_832 = tpu.memref_squeeze %dma_wait3A_831 : memref<1x40xi32, #tpu.memory_space<vmem>> -> memref<40xi32, #tpu.memory_space<vmem>>
      %dma_wait3A_833 = arith.constant 0 : i32
      %dma_wait3A_834 = arith.constant 0 : i32
      %dma_wait3A_835 = tpu.memref_slice %arg3[%dma_wait3A_833, %dma_wait3A_834] : memref<1000000x64xf32, #tpu.memory_space<hbm>> -> memref<1000000x64xf32, #tpu.memory_space<hbm>>
      tpu.wait_indirect_dma semaphore(%arg11 : memref<!tpu.dma_semaphore, #tpu.memory_space<semaphore_mem>>) src(%dma_wait3A_835 : memref<1000000x64xf32, #tpu.memory_space<hbm>>) dst(%dma_wait3A_829 : memref<40x64xf32, #tpu.memory_space<vmem>>)
      %dma_wait3A_836 = arith.constant 5 : i32
      %dma_wait3A_837 = arith.constant 1 : i32
      %dma_wait3A_838 = arith.constant 40 : i32
      %dma_wait3A_839 = arith.constant 0 : i32
      %dma_wait3A_840 = tpu.memref_slice %arg9[%dma_wait3A_837, %dma_wait3A_838, %dma_wait3A_839] : memref<4x200x64xf32, #tpu.memory_space<vmem>> -> memref<1x40x64xf32, #tpu.memory_space<vmem>>
      %dma_wait3A_841 = tpu.memref_squeeze %dma_wait3A_840 : memref<1x40x64xf32, #tpu.memory_space<vmem>> -> memref<40x64xf32, #tpu.memory_space<vmem>>
      %dma_wait3A_842 = arith.constant 40 : i32
      %dma_wait3A_843 = tpu.memref_slice %arg7[%dma_wait3A_836, %dma_wait3A_842] : memref<8x200xi32, #tpu.memory_space<vmem>> -> memref<1x40xi32, #tpu.memory_space<vmem>>
      %dma_wait3A_844 = tpu.memref_squeeze %dma_wait3A_843 : memref<1x40xi32, #tpu.memory_space<vmem>> -> memref<40xi32, #tpu.memory_space<vmem>>
      %dma_wait3A_845 = arith.constant 0 : i32
      %dma_wait3A_846 = arith.constant 0 : i32
      %dma_wait3A_847 = tpu.memref_slice %arg3[%dma_wait3A_845, %dma_wait3A_846] : memref<1000000x64xf32, #tpu.memory_space<hbm>> -> memref<1000000x64xf32, #tpu.memory_space<hbm>>
      tpu.wait_indirect_dma semaphore(%arg11 : memref<!tpu.dma_semaphore, #tpu.memory_space<semaphore_mem>>) src(%dma_wait3A_847 : memref<1000000x64xf32, #tpu.memory_space<hbm>>) dst(%dma_wait3A_841 : memref<40x64xf32, #tpu.memory_space<vmem>>)
      %dma_wait3A_848 = arith.constant 5 : i32
      %dma_wait3A_849 = arith.constant 1 : i32
      %dma_wait3A_850 = arith.constant 80 : i32
      %dma_wait3A_851 = arith.constant 0 : i32
      %dma_wait3A_852 = tpu.memref_slice %arg9[%dma_wait3A_849, %dma_wait3A_850, %dma_wait3A_851] : memref<4x200x64xf32, #tpu.memory_space<vmem>> -> memref<1x40x64xf32, #tpu.memory_space<vmem>>
      %dma_wait3A_853 = tpu.memref_squeeze %dma_wait3A_852 : memref<1x40x64xf32, #tpu.memory_space<vmem>> -> memref<40x64xf32, #tpu.memory_space<vmem>>
      %dma_wait3A_854 = arith.constant 80 : i32
      %dma_wait3A_855 = tpu.memref_slice %arg7[%dma_wait3A_848, %dma_wait3A_854] : memref<8x200xi32, #tpu.memory_space<vmem>> -> memref<1x40xi32, #tpu.memory_space<vmem>>
      %dma_wait3A_856 = tpu.memref_squeeze %dma_wait3A_855 : memref<1x40xi32, #tpu.memory_space<vmem>> -> memref<40xi32, #tpu.memory_space<vmem>>
      %dma_wait3A_857 = arith.constant 0 : i32
      %dma_wait3A_858 = arith.constant 0 : i32
      %dma_wait3A_859 = tpu.memref_slice %arg3[%dma_wait3A_857, %dma_wait3A_858] : memref<1000000x64xf32, #tpu.memory_space<hbm>> -> memref<1000000x64xf32, #tpu.memory_space<hbm>>
      tpu.wait_indirect_dma semaphore(%arg11 : memref<!tpu.dma_semaphore, #tpu.memory_space<semaphore_mem>>) src(%dma_wait3A_859 : memref<1000000x64xf32, #tpu.memory_space<hbm>>) dst(%dma_wait3A_853 : memref<40x64xf32, #tpu.memory_space<vmem>>)
      %dma_wait3A_860 = arith.constant 5 : i32
      %dma_wait3A_861 = arith.constant 1 : i32
      %dma_wait3A_862 = arith.constant 120 : i32
      %dma_wait3A_863 = arith.constant 0 : i32
      %dma_wait3A_864 = tpu.memref_slice %arg9[%dma_wait3A_861, %dma_wait3A_862, %dma_wait3A_863] : memref<4x200x64xf32, #tpu.memory_space<vmem>> -> memref<1x40x64xf32, #tpu.memory_space<vmem>>
      %dma_wait3A_865 = tpu.memref_squeeze %dma_wait3A_864 : memref<1x40x64xf32, #tpu.memory_space<vmem>> -> memref<40x64xf32, #tpu.memory_space<vmem>>
      %dma_wait3A_866 = arith.constant 120 : i32
      %dma_wait3A_867 = tpu.memref_slice %arg7[%dma_wait3A_860, %dma_wait3A_866] : memref<8x200xi32, #tpu.memory_space<vmem>> -> memref<1x40xi32, #tpu.memory_space<vmem>>
      %dma_wait3A_868 = tpu.memref_squeeze %dma_wait3A_867 : memref<1x40xi32, #tpu.memory_space<vmem>> -> memref<40xi32, #tpu.memory_space<vmem>>
      %dma_wait3A_869 = arith.constant 0 : i32
      %dma_wait3A_870 = arith.constant 0 : i32
      %dma_wait3A_871 = tpu.memref_slice %arg3[%dma_wait3A_869, %dma_wait3A_870] : memref<1000000x64xf32, #tpu.memory_space<hbm>> -> memref<1000000x64xf32, #tpu.memory_space<hbm>>
      tpu.wait_indirect_dma semaphore(%arg11 : memref<!tpu.dma_semaphore, #tpu.memory_space<semaphore_mem>>) src(%dma_wait3A_871 : memref<1000000x64xf32, #tpu.memory_space<hbm>>) dst(%dma_wait3A_865 : memref<40x64xf32, #tpu.memory_space<vmem>>)
      %dma_wait3A_872 = arith.constant 5 : i32
      %dma_wait3A_873 = arith.constant 1 : i32
      %dma_wait3A_874 = arith.constant 160 : i32
      %dma_wait3A_875 = arith.constant 0 : i32
      %dma_wait3A_876 = tpu.memref_slice %arg9[%dma_wait3A_873, %dma_wait3A_874, %dma_wait3A_875] : memref<4x200x64xf32, #tpu.memory_space<vmem>> -> memref<1x40x64xf32, #tpu.memory_space<vmem>>
      %dma_wait3A_877 = tpu.memref_squeeze %dma_wait3A_876 : memref<1x40x64xf32, #tpu.memory_space<vmem>> -> memref<40x64xf32, #tpu.memory_space<vmem>>
      %dma_wait3A_878 = arith.constant 160 : i32
      %dma_wait3A_879 = tpu.memref_slice %arg7[%dma_wait3A_872, %dma_wait3A_878] : memref<8x200xi32, #tpu.memory_space<vmem>> -> memref<1x40xi32, #tpu.memory_space<vmem>>
      %dma_wait3A_880 = tpu.memref_squeeze %dma_wait3A_879 : memref<1x40xi32, #tpu.memory_space<vmem>> -> memref<40xi32, #tpu.memory_space<vmem>>
      %dma_wait3A_881 = arith.constant 0 : i32
      %dma_wait3A_882 = arith.constant 0 : i32
      %dma_wait3A_883 = tpu.memref_slice %arg3[%dma_wait3A_881, %dma_wait3A_882] : memref<1000000x64xf32, #tpu.memory_space<hbm>> -> memref<1000000x64xf32, #tpu.memory_space<hbm>>
      tpu.wait_indirect_dma semaphore(%arg11 : memref<!tpu.dma_semaphore, #tpu.memory_space<semaphore_mem>>) src(%dma_wait3A_883 : memref<1000000x64xf32, #tpu.memory_space<hbm>>) dst(%dma_wait3A_877 : memref<40x64xf32, #tpu.memory_space<vmem>>)
      %dma_wait3A_884 = arith.constant 6 : i32
      %dma_wait3A_885 = arith.constant 2 : i32
      %dma_wait3A_886 = arith.constant 0 : i32
      %dma_wait3A_887 = arith.constant 0 : i32
      %dma_wait3A_888 = tpu.memref_slice %arg9[%dma_wait3A_885, %dma_wait3A_886, %dma_wait3A_887] : memref<4x200x64xf32, #tpu.memory_space<vmem>> -> memref<1x40x64xf32, #tpu.memory_space<vmem>>
      %dma_wait3A_889 = tpu.memref_squeeze %dma_wait3A_888 : memref<1x40x64xf32, #tpu.memory_space<vmem>> -> memref<40x64xf32, #tpu.memory_space<vmem>>
      %dma_wait3A_890 = arith.constant 0 : i32
      %dma_wait3A_891 = tpu.memref_slice %arg7[%dma_wait3A_884, %dma_wait3A_890] : memref<8x200xi32, #tpu.memory_space<vmem>> -> memref<1x40xi32, #tpu.memory_space<vmem>>
      %dma_wait3A_892 = tpu.memref_squeeze %dma_wait3A_891 : memref<1x40xi32, #tpu.memory_space<vmem>> -> memref<40xi32, #tpu.memory_space<vmem>>
      %dma_wait3A_893 = arith.constant 0 : i32
      %dma_wait3A_894 = arith.constant 0 : i32
      %dma_wait3A_895 = tpu.memref_slice %arg3[%dma_wait3A_893, %dma_wait3A_894] : memref<1000000x64xf32, #tpu.memory_space<hbm>> -> memref<1000000x64xf32, #tpu.memory_space<hbm>>
      tpu.wait_indirect_dma semaphore(%arg11 : memref<!tpu.dma_semaphore, #tpu.memory_space<semaphore_mem>>) src(%dma_wait3A_895 : memref<1000000x64xf32, #tpu.memory_space<hbm>>) dst(%dma_wait3A_889 : memref<40x64xf32, #tpu.memory_space<vmem>>)
      %dma_wait3A_896 = arith.constant 6 : i32
      %dma_wait3A_897 = arith.constant 2 : i32
      %dma_wait3A_898 = arith.constant 40 : i32
      %dma_wait3A_899 = arith.constant 0 : i32
      %dma_wait3A_900 = tpu.memref_slice %arg9[%dma_wait3A_897, %dma_wait3A_898, %dma_wait3A_899] : memref<4x200x64xf32, #tpu.memory_space<vmem>> -> memref<1x40x64xf32, #tpu.memory_space<vmem>>
      %dma_wait3A_901 = tpu.memref_squeeze %dma_wait3A_900 : memref<1x40x64xf32, #tpu.memory_space<vmem>> -> memref<40x64xf32, #tpu.memory_space<vmem>>
      %dma_wait3A_902 = arith.constant 40 : i32
      %dma_wait3A_903 = tpu.memref_slice %arg7[%dma_wait3A_896, %dma_wait3A_902] : memref<8x200xi32, #tpu.memory_space<vmem>> -> memref<1x40xi32, #tpu.memory_space<vmem>>
      %dma_wait3A_904 = tpu.memref_squeeze %dma_wait3A_903 : memref<1x40xi32, #tpu.memory_space<vmem>> -> memref<40xi32, #tpu.memory_space<vmem>>
      %dma_wait3A_905 = arith.constant 0 : i32
      %dma_wait3A_906 = arith.constant 0 : i32
      %dma_wait3A_907 = tpu.memref_slice %arg3[%dma_wait3A_905, %dma_wait3A_906] : memref<1000000x64xf32, #tpu.memory_space<hbm>> -> memref<1000000x64xf32, #tpu.memory_space<hbm>>
      tpu.wait_indirect_dma semaphore(%arg11 : memref<!tpu.dma_semaphore, #tpu.memory_space<semaphore_mem>>) src(%dma_wait3A_907 : memref<1000000x64xf32, #tpu.memory_space<hbm>>) dst(%dma_wait3A_901 : memref<40x64xf32, #tpu.memory_space<vmem>>)
      %dma_wait3A_908 = arith.constant 6 : i32
      %dma_wait3A_909 = arith.constant 2 : i32
      %dma_wait3A_910 = arith.constant 80 : i32
      %dma_wait3A_911 = arith.constant 0 : i32
      %dma_wait3A_912 = tpu.memref_slice %arg9[%dma_wait3A_909, %dma_wait3A_910, %dma_wait3A_911] : memref<4x200x64xf32, #tpu.memory_space<vmem>> -> memref<1x40x64xf32, #tpu.memory_space<vmem>>
      %dma_wait3A_913 = tpu.memref_squeeze %dma_wait3A_912 : memref<1x40x64xf32, #tpu.memory_space<vmem>> -> memref<40x64xf32, #tpu.memory_space<vmem>>
      %dma_wait3A_914 = arith.constant 80 : i32
      %dma_wait3A_915 = tpu.memref_slice %arg7[%dma_wait3A_908, %dma_wait3A_914] : memref<8x200xi32, #tpu.memory_space<vmem>> -> memref<1x40xi32, #tpu.memory_space<vmem>>
      %dma_wait3A_916 = tpu.memref_squeeze %dma_wait3A_915 : memref<1x40xi32, #tpu.memory_space<vmem>> -> memref<40xi32, #tpu.memory_space<vmem>>
      %dma_wait3A_917 = arith.constant 0 : i32
      %dma_wait3A_918 = arith.constant 0 : i32
      %dma_wait3A_919 = tpu.memref_slice %arg3[%dma_wait3A_917, %dma_wait3A_918] : memref<1000000x64xf32, #tpu.memory_space<hbm>> -> memref<1000000x64xf32, #tpu.memory_space<hbm>>
      tpu.wait_indirect_dma semaphore(%arg11 : memref<!tpu.dma_semaphore, #tpu.memory_space<semaphore_mem>>) src(%dma_wait3A_919 : memref<1000000x64xf32, #tpu.memory_space<hbm>>) dst(%dma_wait3A_913 : memref<40x64xf32, #tpu.memory_space<vmem>>)
      %dma_wait3A_920 = arith.constant 6 : i32
      %dma_wait3A_921 = arith.constant 2 : i32
      %dma_wait3A_922 = arith.constant 120 : i32
      %dma_wait3A_923 = arith.constant 0 : i32
      %dma_wait3A_924 = tpu.memref_slice %arg9[%dma_wait3A_921, %dma_wait3A_922, %dma_wait3A_923] : memref<4x200x64xf32, #tpu.memory_space<vmem>> -> memref<1x40x64xf32, #tpu.memory_space<vmem>>
      %dma_wait3A_925 = tpu.memref_squeeze %dma_wait3A_924 : memref<1x40x64xf32, #tpu.memory_space<vmem>> -> memref<40x64xf32, #tpu.memory_space<vmem>>
      %dma_wait3A_926 = arith.constant 120 : i32
      %dma_wait3A_927 = tpu.memref_slice %arg7[%dma_wait3A_920, %dma_wait3A_926] : memref<8x200xi32, #tpu.memory_space<vmem>> -> memref<1x40xi32, #tpu.memory_space<vmem>>
      %dma_wait3A_928 = tpu.memref_squeeze %dma_wait3A_927 : memref<1x40xi32, #tpu.memory_space<vmem>> -> memref<40xi32, #tpu.memory_space<vmem>>
      %dma_wait3A_929 = arith.constant 0 : i32
      %dma_wait3A_930 = arith.constant 0 : i32
      %dma_wait3A_931 = tpu.memref_slice %arg3[%dma_wait3A_929, %dma_wait3A_930] : memref<1000000x64xf32, #tpu.memory_space<hbm>> -> memref<1000000x64xf32, #tpu.memory_space<hbm>>
      tpu.wait_indirect_dma semaphore(%arg11 : memref<!tpu.dma_semaphore, #tpu.memory_space<semaphore_mem>>) src(%dma_wait3A_931 : memref<1000000x64xf32, #tpu.memory_space<hbm>>) dst(%dma_wait3A_925 : memref<40x64xf32, #tpu.memory_space<vmem>>)
      %dma_wait3A_932 = arith.constant 6 : i32
      %dma_wait3A_933 = arith.constant 2 : i32
      %dma_wait3A_934 = arith.constant 160 : i32
      %dma_wait3A_935 = arith.constant 0 : i32
      %dma_wait3A_936 = tpu.memref_slice %arg9[%dma_wait3A_933, %dma_wait3A_934, %dma_wait3A_935] : memref<4x200x64xf32, #tpu.memory_space<vmem>> -> memref<1x40x64xf32, #tpu.memory_space<vmem>>
      %dma_wait3A_937 = tpu.memref_squeeze %dma_wait3A_936 : memref<1x40x64xf32, #tpu.memory_space<vmem>> -> memref<40x64xf32, #tpu.memory_space<vmem>>
      %dma_wait3A_938 = arith.constant 160 : i32
      %dma_wait3A_939 = tpu.memref_slice %arg7[%dma_wait3A_932, %dma_wait3A_938] : memref<8x200xi32, #tpu.memory_space<vmem>> -> memref<1x40xi32, #tpu.memory_space<vmem>>
      %dma_wait3A_940 = tpu.memref_squeeze %dma_wait3A_939 : memref<1x40xi32, #tpu.memory_space<vmem>> -> memref<40xi32, #tpu.memory_space<vmem>>
      %dma_wait3A_941 = arith.constant 0 : i32
      %dma_wait3A_942 = arith.constant 0 : i32
      %dma_wait3A_943 = tpu.memref_slice %arg3[%dma_wait3A_941, %dma_wait3A_942] : memref<1000000x64xf32, #tpu.memory_space<hbm>> -> memref<1000000x64xf32, #tpu.memory_space<hbm>>
      tpu.wait_indirect_dma semaphore(%arg11 : memref<!tpu.dma_semaphore, #tpu.memory_space<semaphore_mem>>) src(%dma_wait3A_943 : memref<1000000x64xf32, #tpu.memory_space<hbm>>) dst(%dma_wait3A_937 : memref<40x64xf32, #tpu.memory_space<vmem>>)
      %dma_wait3A_944 = arith.constant 7 : i32
      %dma_wait3A_945 = arith.constant 3 : i32
      %dma_wait3A_946 = arith.constant 0 : i32
      %dma_wait3A_947 = arith.constant 0 : i32
      %dma_wait3A_948 = tpu.memref_slice %arg9[%dma_wait3A_945, %dma_wait3A_946, %dma_wait3A_947] : memref<4x200x64xf32, #tpu.memory_space<vmem>> -> memref<1x40x64xf32, #tpu.memory_space<vmem>>
      %dma_wait3A_949 = tpu.memref_squeeze %dma_wait3A_948 : memref<1x40x64xf32, #tpu.memory_space<vmem>> -> memref<40x64xf32, #tpu.memory_space<vmem>>
      %dma_wait3A_950 = arith.constant 0 : i32
      %dma_wait3A_951 = tpu.memref_slice %arg7[%dma_wait3A_944, %dma_wait3A_950] : memref<8x200xi32, #tpu.memory_space<vmem>> -> memref<1x40xi32, #tpu.memory_space<vmem>>
      %dma_wait3A_952 = tpu.memref_squeeze %dma_wait3A_951 : memref<1x40xi32, #tpu.memory_space<vmem>> -> memref<40xi32, #tpu.memory_space<vmem>>
      %dma_wait3A_953 = arith.constant 0 : i32
      %dma_wait3A_954 = arith.constant 0 : i32
      %dma_wait3A_955 = tpu.memref_slice %arg3[%dma_wait3A_953, %dma_wait3A_954] : memref<1000000x64xf32, #tpu.memory_space<hbm>> -> memref<1000000x64xf32, #tpu.memory_space<hbm>>
      tpu.wait_indirect_dma semaphore(%arg11 : memref<!tpu.dma_semaphore, #tpu.memory_space<semaphore_mem>>) src(%dma_wait3A_955 : memref<1000000x64xf32, #tpu.memory_space<hbm>>) dst(%dma_wait3A_949 : memref<40x64xf32, #tpu.memory_space<vmem>>)
      %dma_wait3A_956 = arith.constant 7 : i32
      %dma_wait3A_957 = arith.constant 3 : i32
      %dma_wait3A_958 = arith.constant 40 : i32
      %dma_wait3A_959 = arith.constant 0 : i32
      %dma_wait3A_960 = tpu.memref_slice %arg9[%dma_wait3A_957, %dma_wait3A_958, %dma_wait3A_959] : memref<4x200x64xf32, #tpu.memory_space<vmem>> -> memref<1x40x64xf32, #tpu.memory_space<vmem>>
      %dma_wait3A_961 = tpu.memref_squeeze %dma_wait3A_960 : memref<1x40x64xf32, #tpu.memory_space<vmem>> -> memref<40x64xf32, #tpu.memory_space<vmem>>
      %dma_wait3A_962 = arith.constant 40 : i32
      %dma_wait3A_963 = tpu.memref_slice %arg7[%dma_wait3A_956, %dma_wait3A_962] : memref<8x200xi32, #tpu.memory_space<vmem>> -> memref<1x40xi32, #tpu.memory_space<vmem>>
      %dma_wait3A_964 = tpu.memref_squeeze %dma_wait3A_963 : memref<1x40xi32, #tpu.memory_space<vmem>> -> memref<40xi32, #tpu.memory_space<vmem>>
      %dma_wait3A_965 = arith.constant 0 : i32
      %dma_wait3A_966 = arith.constant 0 : i32
      %dma_wait3A_967 = tpu.memref_slice %arg3[%dma_wait3A_965, %dma_wait3A_966] : memref<1000000x64xf32, #tpu.memory_space<hbm>> -> memref<1000000x64xf32, #tpu.memory_space<hbm>>
      tpu.wait_indirect_dma semaphore(%arg11 : memref<!tpu.dma_semaphore, #tpu.memory_space<semaphore_mem>>) src(%dma_wait3A_967 : memref<1000000x64xf32, #tpu.memory_space<hbm>>) dst(%dma_wait3A_961 : memref<40x64xf32, #tpu.memory_space<vmem>>)
      %dma_wait3A_968 = arith.constant 7 : i32
      %dma_wait3A_969 = arith.constant 3 : i32
      %dma_wait3A_970 = arith.constant 80 : i32
      %dma_wait3A_971 = arith.constant 0 : i32
      %dma_wait3A_972 = tpu.memref_slice %arg9[%dma_wait3A_969, %dma_wait3A_970, %dma_wait3A_971] : memref<4x200x64xf32, #tpu.memory_space<vmem>> -> memref<1x40x64xf32, #tpu.memory_space<vmem>>
      %dma_wait3A_973 = tpu.memref_squeeze %dma_wait3A_972 : memref<1x40x64xf32, #tpu.memory_space<vmem>> -> memref<40x64xf32, #tpu.memory_space<vmem>>
      %dma_wait3A_974 = arith.constant 80 : i32
      %dma_wait3A_975 = tpu.memref_slice %arg7[%dma_wait3A_968, %dma_wait3A_974] : memref<8x200xi32, #tpu.memory_space<vmem>> -> memref<1x40xi32, #tpu.memory_space<vmem>>
      %dma_wait3A_976 = tpu.memref_squeeze %dma_wait3A_975 : memref<1x40xi32, #tpu.memory_space<vmem>> -> memref<40xi32, #tpu.memory_space<vmem>>
      %dma_wait3A_977 = arith.constant 0 : i32
      %dma_wait3A_978 = arith.constant 0 : i32
      %dma_wait3A_979 = tpu.memref_slice %arg3[%dma_wait3A_977, %dma_wait3A_978] : memref<1000000x64xf32, #tpu.memory_space<hbm>> -> memref<1000000x64xf32, #tpu.memory_space<hbm>>
      tpu.wait_indirect_dma semaphore(%arg11 : memref<!tpu.dma_semaphore, #tpu.memory_space<semaphore_mem>>) src(%dma_wait3A_979 : memref<1000000x64xf32, #tpu.memory_space<hbm>>) dst(%dma_wait3A_973 : memref<40x64xf32, #tpu.memory_space<vmem>>)
      %dma_wait3A_980 = arith.constant 7 : i32
      %dma_wait3A_981 = arith.constant 3 : i32
      %dma_wait3A_982 = arith.constant 120 : i32
      %dma_wait3A_983 = arith.constant 0 : i32
      %dma_wait3A_984 = tpu.memref_slice %arg9[%dma_wait3A_981, %dma_wait3A_982, %dma_wait3A_983] : memref<4x200x64xf32, #tpu.memory_space<vmem>> -> memref<1x40x64xf32, #tpu.memory_space<vmem>>
      %dma_wait3A_985 = tpu.memref_squeeze %dma_wait3A_984 : memref<1x40x64xf32, #tpu.memory_space<vmem>> -> memref<40x64xf32, #tpu.memory_space<vmem>>
      %dma_wait3A_986 = arith.constant 120 : i32
      %dma_wait3A_987 = tpu.memref_slice %arg7[%dma_wait3A_980, %dma_wait3A_986] : memref<8x200xi32, #tpu.memory_space<vmem>> -> memref<1x40xi32, #tpu.memory_space<vmem>>
      %dma_wait3A_988 = tpu.memref_squeeze %dma_wait3A_987 : memref<1x40xi32, #tpu.memory_space<vmem>> -> memref<40xi32, #tpu.memory_space<vmem>>
      %dma_wait3A_989 = arith.constant 0 : i32
      %dma_wait3A_990 = arith.constant 0 : i32
      %dma_wait3A_991 = tpu.memref_slice %arg3[%dma_wait3A_989, %dma_wait3A_990] : memref<1000000x64xf32, #tpu.memory_space<hbm>> -> memref<1000000x64xf32, #tpu.memory_space<hbm>>
      tpu.wait_indirect_dma semaphore(%arg11 : memref<!tpu.dma_semaphore, #tpu.memory_space<semaphore_mem>>) src(%dma_wait3A_991 : memref<1000000x64xf32, #tpu.memory_space<hbm>>) dst(%dma_wait3A_985 : memref<40x64xf32, #tpu.memory_space<vmem>>)
      %dma_wait3A_992 = arith.constant 7 : i32
      %dma_wait3A_993 = arith.constant 3 : i32
      %dma_wait3A_994 = arith.constant 160 : i32
      %dma_wait3A_995 = arith.constant 0 : i32
      %dma_wait3A_996 = tpu.memref_slice %arg9[%dma_wait3A_993, %dma_wait3A_994, %dma_wait3A_995] : memref<4x200x64xf32, #tpu.memory_space<vmem>> -> memref<1x40x64xf32, #tpu.memory_space<vmem>>
      %dma_wait3A_997 = tpu.memref_squeeze %dma_wait3A_996 : memref<1x40x64xf32, #tpu.memory_space<vmem>> -> memref<40x64xf32, #tpu.memory_space<vmem>>
      %dma_wait3A_998 = arith.constant 160 : i32
      %dma_wait3A_999 = tpu.memref_slice %arg7[%dma_wait3A_992, %dma_wait3A_998] : memref<8x200xi32, #tpu.memory_space<vmem>> -> memref<1x40xi32, #tpu.memory_space<vmem>>
      %dma_wait3A_1000 = tpu.memref_squeeze %dma_wait3A_999 : memref<1x40xi32, #tpu.memory_space<vmem>> -> memref<40xi32, #tpu.memory_space<vmem>>
      %dma_wait3A_1001 = arith.constant 0 : i32
      %dma_wait3A_1002 = arith.constant 0 : i32
      %dma_wait3A_1003 = tpu.memref_slice %arg3[%dma_wait3A_1001, %dma_wait3A_1002] : memref<1000000x64xf32, #tpu.memory_space<hbm>> -> memref<1000000x64xf32, #tpu.memory_space<hbm>>
      tpu.wait_indirect_dma semaphore(%arg11 : memref<!tpu.dma_semaphore, #tpu.memory_space<semaphore_mem>>) src(%dma_wait3A_1003 : memref<1000000x64xf32, #tpu.memory_space<hbm>>) dst(%dma_wait3A_997 : memref<40x64xf32, #tpu.memory_space<vmem>>)
      %scan3A_1004 = arith.constant 0 : i32
      %scan3A_1005 = arith.constant 0 : i32
      %scan3A_1006 = arith.constant 200 : i32
      %scan3A_1007 = arith.addi %scan3A_1005, %scan3A_1006 : i32
      %scan3A_1008 = arith.constant 1 : i32
      scf.for %scan3A_1017 = %scan3A_1005 to %scan3A_1007 step %scan3A_1008  : i32 {
        %get3A = arith.index_cast %scan3A_1017 : i32 to index
        %get3A_1018 = arith.constant 0 : index
        %get3A_1019 = tpu.vector_load %arg6[%get3A, %get3A_1018] {strides = array<i32>} : memref<200x64xf32, #tpu.memory_space<vmem>>, vector<1x16xf32>,
        %get3A_1020 = vector.shape_cast %get3A_1019 : vector<1x16xf32> to vector<16xf32>
        %get3A_1021 = arith.index_cast %scan3A_1017 : i32 to index
        %get3A_1022 = arith.constant 16 : index
        %get3A_1023 = tpu.vector_load %arg6[%get3A_1021, %get3A_1022] {strides = array<i32>} : memref<200x64xf32, #tpu.memory_space<vmem>>, vector<1x16xf32>,
        %get3A_1024 = vector.shape_cast %get3A_1023 : vector<1x16xf32> to vector<16xf32>
        %get3A_1025 = arith.index_cast %scan3A_1017 : i32 to index
        %get3A_1026 = arith.constant 32 : index
        %get3A_1027 = tpu.vector_load %arg6[%get3A_1025, %get3A_1026] {strides = array<i32>} : memref<200x64xf32, #tpu.memory_space<vmem>>, vector<1x16xf32>,
        %get3A_1028 = vector.shape_cast %get3A_1027 : vector<1x16xf32> to vector<16xf32>
        %get3A_1029 = arith.index_cast %scan3A_1017 : i32 to index
        %get3A_1030 = arith.constant 48 : index
        %get3A_1031 = tpu.vector_load %arg6[%get3A_1029, %get3A_1030] {strides = array<i32>} : memref<200x64xf32, #tpu.memory_space<vmem>>, vector<1x16xf32>,
        %get3A_1032 = vector.shape_cast %get3A_1031 : vector<1x16xf32> to vector<16xf32>
        %get3A_1033 = arith.constant 0 : i32
        %get3A_1034 = arith.index_cast %get3A_1033 : i32 to index
        %get3A_1035 = arith.index_cast %scan3A_1017 : i32 to index
        %get3A_1036 = arith.constant 0 : index
        %get3A_1037 = tpu.vector_load %arg9[%get3A_1034, %get3A_1035, %get3A_1036] {strides = array<i32>} : memref<4x200x64xf32, #tpu.memory_space<vmem>>, vector<1x1x16xf32>,
        %get3A_1038 = vector.shape_cast %get3A_1037 : vector<1x1x16xf32> to vector<16xf32>
        %mul3A_1039 = arith.constant 8.000000e+00 : f32
        %mul3A_1040 = vector.broadcast %mul3A_1039 : f32 to vector<16xf32>
        %mul3A_1041 = arith.mulf %get3A_1038, %mul3A_1040 : vector<16xf32>
        %add3A_1042 = arith.addf %mul3A_1041, %get3A_1020 : vector<16xf32>
        %swap3A = arith.constant 0 : i32
        %swap3A_1043 = arith.index_cast %swap3A : i32 to index
        %swap3A_1044 = arith.index_cast %scan3A_1017 : i32 to index
        %swap3A_1045 = arith.constant 0 : index
        %swap3A_1046 = tpu.vector_load %arg9[%swap3A_1043, %swap3A_1044, %swap3A_1045] {strides = array<i32>} : memref<4x200x64xf32, #tpu.memory_space<vmem>>, vector<1x1x16xf32>,
        %swap3A_1047 = vector.shape_cast %swap3A_1046 : vector<1x1x16xf32> to vector<16xf32>
        %swap3A_1048 = vector.shape_cast %add3A_1042 : vector<16xf32> to vector<1x1x16xf32>
        tpu.vector_store %arg9[%swap3A_1043, %swap3A_1044, %swap3A_1045], %swap3A_1048 {strides = array<i32>} : memref<4x200x64xf32, #tpu.memory_space<vmem>>, vector<1x1x16xf32>,
        %get3A_1049 = arith.constant 0 : i32
        %get3A_1050 = arith.index_cast %get3A_1049 : i32 to index
        %get3A_1051 = arith.index_cast %scan3A_1017 : i32 to index
        %get3A_1052 = arith.constant 16 : index
        %get3A_1053 = tpu.vector_load %arg9[%get3A_1050, %get3A_1051, %get3A_1052] {strides = array<i32>} : memref<4x200x64xf32, #tpu.memory_space<vmem>>, vector<1x1x16xf32>,
        %get3A_1054 = vector.shape_cast %get3A_1053 : vector<1x1x16xf32> to vector<16xf32>
        %mul3A_1055 = arith.constant 8.000000e+00 : f32
        %mul3A_1056 = vector.broadcast %mul3A_1055 : f32 to vector<16xf32>
        %mul3A_1057 = arith.mulf %get3A_1054, %mul3A_1056 : vector<16xf32>
        %add3A_1058 = arith.addf %mul3A_1057, %get3A_1024 : vector<16xf32>
        %swap3A_1059 = arith.constant 0 : i32
        %swap3A_1060 = arith.index_cast %swap3A_1059 : i32 to index
        %swap3A_1061 = arith.index_cast %scan3A_1017 : i32 to index
        %swap3A_1062 = arith.constant 16 : index
        %swap3A_1063 = tpu.vector_load %arg9[%swap3A_1060, %swap3A_1061, %swap3A_1062] {strides = array<i32>} : memref<4x200x64xf32, #tpu.memory_space<vmem>>, vector<1x1x16xf32>,
        %swap3A_1064 = vector.shape_cast %swap3A_1063 : vector<1x1x16xf32> to vector<16xf32>
        %swap3A_1065 = vector.shape_cast %add3A_1058 : vector<16xf32> to vector<1x1x16xf32>
        tpu.vector_store %arg9[%swap3A_1060, %swap3A_1061, %swap3A_1062], %swap3A_1065 {strides = array<i32>} : memref<4x200x64xf32, #tpu.memory_space<vmem>>, vector<1x1x16xf32>,
        %get3A_1066 = arith.constant 0 : i32
        %get3A_1067 = arith.index_cast %get3A_1066 : i32 to index
        %get3A_1068 = arith.index_cast %scan3A_1017 : i32 to index
        %get3A_1069 = arith.constant 32 : index
        %get3A_1070 = tpu.vector_load %arg9[%get3A_1067, %get3A_1068, %get3A_1069] {strides = array<i32>} : memref<4x200x64xf32, #tpu.memory_space<vmem>>, vector<1x1x16xf32>,
        %get3A_1071 = vector.shape_cast %get3A_1070 : vector<1x1x16xf32> to vector<16xf32>
        %mul3A_1072 = arith.constant 8.000000e+00 : f32
        %mul3A_1073 = vector.broadcast %mul3A_1072 : f32 to vector<16xf32>
        %mul3A_1074 = arith.mulf %get3A_1071, %mul3A_1073 : vector<16xf32>
        %add3A_1075 = arith.addf %mul3A_1074, %get3A_1028 : vector<16xf32>
        %swap3A_1076 = arith.constant 0 : i32
        %swap3A_1077 = arith.index_cast %swap3A_1076 : i32 to index
        %swap3A_1078 = arith.index_cast %scan3A_1017 : i32 to index
        %swap3A_1079 = arith.constant 32 : index
        %swap3A_1080 = tpu.vector_load %arg9[%swap3A_1077, %swap3A_1078, %swap3A_1079] {strides = array<i32>} : memref<4x200x64xf32, #tpu.memory_space<vmem>>, vector<1x1x16xf32>,
        %swap3A_1081 = vector.shape_cast %swap3A_1080 : vector<1x1x16xf32> to vector<16xf32>
        %swap3A_1082 = vector.shape_cast %add3A_1075 : vector<16xf32> to vector<1x1x16xf32>
        tpu.vector_store %arg9[%swap3A_1077, %swap3A_1078, %swap3A_1079], %swap3A_1082 {strides = array<i32>} : memref<4x200x64xf32, #tpu.memory_space<vmem>>, vector<1x1x16xf32>,
        %get3A_1083 = arith.constant 0 : i32
        %get3A_1084 = arith.index_cast %get3A_1083 : i32 to index
        %get3A_1085 = arith.index_cast %scan3A_1017 : i32 to index
        %get3A_1086 = arith.constant 48 : index
        %get3A_1087 = tpu.vector_load %arg9[%get3A_1084, %get3A_1085, %get3A_1086] {strides = array<i32>} : memref<4x200x64xf32, #tpu.memory_space<vmem>>, vector<1x1x16xf32>,
        %get3A_1088 = vector.shape_cast %get3A_1087 : vector<1x1x16xf32> to vector<16xf32>
        %mul3A_1089 = arith.constant 8.000000e+00 : f32
        %mul3A_1090 = vector.broadcast %mul3A_1089 : f32 to vector<16xf32>
        %mul3A_1091 = arith.mulf %get3A_1088, %mul3A_1090 : vector<16xf32>
        %add3A_1092 = arith.addf %mul3A_1091, %get3A_1032 : vector<16xf32>
        %swap3A_1093 = arith.constant 0 : i32
        %swap3A_1094 = arith.index_cast %swap3A_1093 : i32 to index
        %swap3A_1095 = arith.index_cast %scan3A_1017 : i32 to index
        %swap3A_1096 = arith.constant 48 : index
        %swap3A_1097 = tpu.vector_load %arg9[%swap3A_1094, %swap3A_1095, %swap3A_1096] {strides = array<i32>} : memref<4x200x64xf32, #tpu.memory_space<vmem>>, vector<1x1x16xf32>,
        %swap3A_1098 = vector.shape_cast %swap3A_1097 : vector<1x1x16xf32> to vector<16xf32>
        %swap3A_1099 = vector.shape_cast %add3A_1092 : vector<16xf32> to vector<1x1x16xf32>
        tpu.vector_store %arg9[%swap3A_1094, %swap3A_1095, %swap3A_1096], %swap3A_1099 {strides = array<i32>} : memref<4x200x64xf32, #tpu.memory_space<vmem>>, vector<1x1x16xf32>,
        %get3A_1100 = arith.constant 1 : i32
        %get3A_1101 = arith.index_cast %get3A_1100 : i32 to index
        %get3A_1102 = arith.index_cast %scan3A_1017 : i32 to index
        %get3A_1103 = arith.constant 0 : index
        %get3A_1104 = tpu.vector_load %arg9[%get3A_1101, %get3A_1102, %get3A_1103] {strides = array<i32>} : memref<4x200x64xf32, #tpu.memory_space<vmem>>, vector<1x1x16xf32>,
        %get3A_1105 = vector.shape_cast %get3A_1104 : vector<1x1x16xf32> to vector<16xf32>
        %mul3A_1106 = arith.constant 8.000000e+00 : f32
        %mul3A_1107 = vector.broadcast %mul3A_1106 : f32 to vector<16xf32>
        %mul3A_1108 = arith.mulf %get3A_1105, %mul3A_1107 : vector<16xf32>
        %add3A_1109 = arith.addf %mul3A_1108, %get3A_1020 : vector<16xf32>
        %swap3A_1110 = arith.constant 1 : i32
        %swap3A_1111 = arith.index_cast %swap3A_1110 : i32 to index
        %swap3A_1112 = arith.index_cast %scan3A_1017 : i32 to index
        %swap3A_1113 = arith.constant 0 : index
        %swap3A_1114 = tpu.vector_load %arg9[%swap3A_1111, %swap3A_1112, %swap3A_1113] {strides = array<i32>} : memref<4x200x64xf32, #tpu.memory_space<vmem>>, vector<1x1x16xf32>,
        %swap3A_1115 = vector.shape_cast %swap3A_1114 : vector<1x1x16xf32> to vector<16xf32>
        %swap3A_1116 = vector.shape_cast %add3A_1109 : vector<16xf32> to vector<1x1x16xf32>
        tpu.vector_store %arg9[%swap3A_1111, %swap3A_1112, %swap3A_1113], %swap3A_1116 {strides = array<i32>} : memref<4x200x64xf32, #tpu.memory_space<vmem>>, vector<1x1x16xf32>,
        %get3A_1117 = arith.constant 1 : i32
        %get3A_1118 = arith.index_cast %get3A_1117 : i32 to index
        %get3A_1119 = arith.index_cast %scan3A_1017 : i32 to index
        %get3A_1120 = arith.constant 16 : index
        %get3A_1121 = tpu.vector_load %arg9[%get3A_1118, %get3A_1119, %get3A_1120] {strides = array<i32>} : memref<4x200x64xf32, #tpu.memory_space<vmem>>, vector<1x1x16xf32>,
        %get3A_1122 = vector.shape_cast %get3A_1121 : vector<1x1x16xf32> to vector<16xf32>
        %mul3A_1123 = arith.constant 8.000000e+00 : f32
        %mul3A_1124 = vector.broadcast %mul3A_1123 : f32 to vector<16xf32>
        %mul3A_1125 = arith.mulf %get3A_1122, %mul3A_1124 : vector<16xf32>
        %add3A_1126 = arith.addf %mul3A_1125, %get3A_1024 : vector<16xf32>
        %swap3A_1127 = arith.constant 1 : i32
        %swap3A_1128 = arith.index_cast %swap3A_1127 : i32 to index
        %swap3A_1129 = arith.index_cast %scan3A_1017 : i32 to index
        %swap3A_1130 = arith.constant 16 : index
        %swap3A_1131 = tpu.vector_load %arg9[%swap3A_1128, %swap3A_1129, %swap3A_1130] {strides = array<i32>} : memref<4x200x64xf32, #tpu.memory_space<vmem>>, vector<1x1x16xf32>,
        %swap3A_1132 = vector.shape_cast %swap3A_1131 : vector<1x1x16xf32> to vector<16xf32>
        %swap3A_1133 = vector.shape_cast %add3A_1126 : vector<16xf32> to vector<1x1x16xf32>
        tpu.vector_store %arg9[%swap3A_1128, %swap3A_1129, %swap3A_1130], %swap3A_1133 {strides = array<i32>} : memref<4x200x64xf32, #tpu.memory_space<vmem>>, vector<1x1x16xf32>,
        %get3A_1134 = arith.constant 1 : i32
        %get3A_1135 = arith.index_cast %get3A_1134 : i32 to index
        %get3A_1136 = arith.index_cast %scan3A_1017 : i32 to index
        %get3A_1137 = arith.constant 32 : index
        %get3A_1138 = tpu.vector_load %arg9[%get3A_1135, %get3A_1136, %get3A_1137] {strides = array<i32>} : memref<4x200x64xf32, #tpu.memory_space<vmem>>, vector<1x1x16xf32>,
        %get3A_1139 = vector.shape_cast %get3A_1138 : vector<1x1x16xf32> to vector<16xf32>
        %mul3A_1140 = arith.constant 8.000000e+00 : f32
        %mul3A_1141 = vector.broadcast %mul3A_1140 : f32 to vector<16xf32>
        %mul3A_1142 = arith.mulf %get3A_1139, %mul3A_1141 : vector<16xf32>
        %add3A_1143 = arith.addf %mul3A_1142, %get3A_1028 : vector<16xf32>
        %swap3A_1144 = arith.constant 1 : i32
        %swap3A_1145 = arith.index_cast %swap3A_1144 : i32 to index
        %swap3A_1146 = arith.index_cast %scan3A_1017 : i32 to index
        %swap3A_1147 = arith.constant 32 : index
        %swap3A_1148 = tpu.vector_load %arg9[%swap3A_1145, %swap3A_1146, %swap3A_1147] {strides = array<i32>} : memref<4x200x64xf32, #tpu.memory_space<vmem>>, vector<1x1x16xf32>,
        %swap3A_1149 = vector.shape_cast %swap3A_1148 : vector<1x1x16xf32> to vector<16xf32>
        %swap3A_1150 = vector.shape_cast %add3A_1143 : vector<16xf32> to vector<1x1x16xf32>
        tpu.vector_store %arg9[%swap3A_1145, %swap3A_1146, %swap3A_1147], %swap3A_1150 {strides = array<i32>} : memref<4x200x64xf32, #tpu.memory_space<vmem>>, vector<1x1x16xf32>,
        %get3A_1151 = arith.constant 1 : i32
        %get3A_1152 = arith.index_cast %get3A_1151 : i32 to index
        %get3A_1153 = arith.index_cast %scan3A_1017 : i32 to index
        %get3A_1154 = arith.constant 48 : index
        %get3A_1155 = tpu.vector_load %arg9[%get3A_1152, %get3A_1153, %get3A_1154] {strides = array<i32>} : memref<4x200x64xf32, #tpu.memory_space<vmem>>, vector<1x1x16xf32>,
        %get3A_1156 = vector.shape_cast %get3A_1155 : vector<1x1x16xf32> to vector<16xf32>
        %mul3A_1157 = arith.constant 8.000000e+00 : f32
        %mul3A_1158 = vector.broadcast %mul3A_1157 : f32 to vector<16xf32>
        %mul3A_1159 = arith.mulf %get3A_1156, %mul3A_1158 : vector<16xf32>
        %add3A_1160 = arith.addf %mul3A_1159, %get3A_1032 : vector<16xf32>
        %swap3A_1161 = arith.constant 1 : i32
        %swap3A_1162 = arith.index_cast %swap3A_1161 : i32 to index
        %swap3A_1163 = arith.index_cast %scan3A_1017 : i32 to index
        %swap3A_1164 = arith.constant 48 : index
        %swap3A_1165 = tpu.vector_load %arg9[%swap3A_1162, %swap3A_1163, %swap3A_1164] {strides = array<i32>} : memref<4x200x64xf32, #tpu.memory_space<vmem>>, vector<1x1x16xf32>,
        %swap3A_1166 = vector.shape_cast %swap3A_1165 : vector<1x1x16xf32> to vector<16xf32>
        %swap3A_1167 = vector.shape_cast %add3A_1160 : vector<16xf32> to vector<1x1x16xf32>
        tpu.vector_store %arg9[%swap3A_1162, %swap3A_1163, %swap3A_1164], %swap3A_1167 {strides = array<i32>} : memref<4x200x64xf32, #tpu.memory_space<vmem>>, vector<1x1x16xf32>,
        %get3A_1168 = arith.constant 2 : i32
        %get3A_1169 = arith.index_cast %get3A_1168 : i32 to index
        %get3A_1170 = arith.index_cast %scan3A_1017 : i32 to index
        %get3A_1171 = arith.constant 0 : index
        %get3A_1172 = tpu.vector_load %arg9[%get3A_1169, %get3A_1170, %get3A_1171] {strides = array<i32>} : memref<4x200x64xf32, #tpu.memory_space<vmem>>, vector<1x1x16xf32>,
        %get3A_1173 = vector.shape_cast %get3A_1172 : vector<1x1x16xf32> to vector<16xf32>
        %mul3A_1174 = arith.constant 8.000000e+00 : f32
        %mul3A_1175 = vector.broadcast %mul3A_1174 : f32 to vector<16xf32>
        %mul3A_1176 = arith.mulf %get3A_1173, %mul3A_1175 : vector<16xf32>
        %add3A_1177 = arith.addf %mul3A_1176, %get3A_1020 : vector<16xf32>
        %swap3A_1178 = arith.constant 2 : i32
        %swap3A_1179 = arith.index_cast %swap3A_1178 : i32 to index
        %swap3A_1180 = arith.index_cast %scan3A_1017 : i32 to index
        %swap3A_1181 = arith.constant 0 : index
        %swap3A_1182 = tpu.vector_load %arg9[%swap3A_1179, %swap3A_1180, %swap3A_1181] {strides = array<i32>} : memref<4x200x64xf32, #tpu.memory_space<vmem>>, vector<1x1x16xf32>,
        %swap3A_1183 = vector.shape_cast %swap3A_1182 : vector<1x1x16xf32> to vector<16xf32>
        %swap3A_1184 = vector.shape_cast %add3A_1177 : vector<16xf32> to vector<1x1x16xf32>
        tpu.vector_store %arg9[%swap3A_1179, %swap3A_1180, %swap3A_1181], %swap3A_1184 {strides = array<i32>} : memref<4x200x64xf32, #tpu.memory_space<vmem>>, vector<1x1x16xf32>,
        %get3A_1185 = arith.constant 2 : i32
        %get3A_1186 = arith.index_cast %get3A_1185 : i32 to index
        %get3A_1187 = arith.index_cast %scan3A_1017 : i32 to index
        %get3A_1188 = arith.constant 16 : index
        %get3A_1189 = tpu.vector_load %arg9[%get3A_1186, %get3A_1187, %get3A_1188] {strides = array<i32>} : memref<4x200x64xf32, #tpu.memory_space<vmem>>, vector<1x1x16xf32>,
        %get3A_1190 = vector.shape_cast %get3A_1189 : vector<1x1x16xf32> to vector<16xf32>
        %mul3A_1191 = arith.constant 8.000000e+00 : f32
        %mul3A_1192 = vector.broadcast %mul3A_1191 : f32 to vector<16xf32>
        %mul3A_1193 = arith.mulf %get3A_1190, %mul3A_1192 : vector<16xf32>
        %add3A_1194 = arith.addf %mul3A_1193, %get3A_1024 : vector<16xf32>
        %swap3A_1195 = arith.constant 2 : i32
        %swap3A_1196 = arith.index_cast %swap3A_1195 : i32 to index
        %swap3A_1197 = arith.index_cast %scan3A_1017 : i32 to index
        %swap3A_1198 = arith.constant 16 : index
        %swap3A_1199 = tpu.vector_load %arg9[%swap3A_1196, %swap3A_1197, %swap3A_1198] {strides = array<i32>} : memref<4x200x64xf32, #tpu.memory_space<vmem>>, vector<1x1x16xf32>,
        %swap3A_1200 = vector.shape_cast %swap3A_1199 : vector<1x1x16xf32> to vector<16xf32>
        %swap3A_1201 = vector.shape_cast %add3A_1194 : vector<16xf32> to vector<1x1x16xf32>
        tpu.vector_store %arg9[%swap3A_1196, %swap3A_1197, %swap3A_1198], %swap3A_1201 {strides = array<i32>} : memref<4x200x64xf32, #tpu.memory_space<vmem>>, vector<1x1x16xf32>,
        %get3A_1202 = arith.constant 2 : i32
        %get3A_1203 = arith.index_cast %get3A_1202 : i32 to index
        %get3A_1204 = arith.index_cast %scan3A_1017 : i32 to index
        %get3A_1205 = arith.constant 32 : index
        %get3A_1206 = tpu.vector_load %arg9[%get3A_1203, %get3A_1204, %get3A_1205] {strides = array<i32>} : memref<4x200x64xf32, #tpu.memory_space<vmem>>, vector<1x1x16xf32>,
        %get3A_1207 = vector.shape_cast %get3A_1206 : vector<1x1x16xf32> to vector<16xf32>
        %mul3A_1208 = arith.constant 8.000000e+00 : f32
        %mul3A_1209 = vector.broadcast %mul3A_1208 : f32 to vector<16xf32>
        %mul3A_1210 = arith.mulf %get3A_1207, %mul3A_1209 : vector<16xf32>
        %add3A_1211 = arith.addf %mul3A_1210, %get3A_1028 : vector<16xf32>
        %swap3A_1212 = arith.constant 2 : i32
        %swap3A_1213 = arith.index_cast %swap3A_1212 : i32 to index
        %swap3A_1214 = arith.index_cast %scan3A_1017 : i32 to index
        %swap3A_1215 = arith.constant 32 : index
        %swap3A_1216 = tpu.vector_load %arg9[%swap3A_1213, %swap3A_1214, %swap3A_1215] {strides = array<i32>} : memref<4x200x64xf32, #tpu.memory_space<vmem>>, vector<1x1x16xf32>,
        %swap3A_1217 = vector.shape_cast %swap3A_1216 : vector<1x1x16xf32> to vector<16xf32>
        %swap3A_1218 = vector.shape_cast %add3A_1211 : vector<16xf32> to vector<1x1x16xf32>
        tpu.vector_store %arg9[%swap3A_1213, %swap3A_1214, %swap3A_1215], %swap3A_1218 {strides = array<i32>} : memref<4x200x64xf32, #tpu.memory_space<vmem>>, vector<1x1x16xf32>,
        %get3A_1219 = arith.constant 2 : i32
        %get3A_1220 = arith.index_cast %get3A_1219 : i32 to index
        %get3A_1221 = arith.index_cast %scan3A_1017 : i32 to index
        %get3A_1222 = arith.constant 48 : index
        %get3A_1223 = tpu.vector_load %arg9[%get3A_1220, %get3A_1221, %get3A_1222] {strides = array<i32>} : memref<4x200x64xf32, #tpu.memory_space<vmem>>, vector<1x1x16xf32>,
        %get3A_1224 = vector.shape_cast %get3A_1223 : vector<1x1x16xf32> to vector<16xf32>
        %mul3A_1225 = arith.constant 8.000000e+00 : f32
        %mul3A_1226 = vector.broadcast %mul3A_1225 : f32 to vector<16xf32>
        %mul3A_1227 = arith.mulf %get3A_1224, %mul3A_1226 : vector<16xf32>
        %add3A_1228 = arith.addf %mul3A_1227, %get3A_1032 : vector<16xf32>
        %swap3A_1229 = arith.constant 2 : i32
        %swap3A_1230 = arith.index_cast %swap3A_1229 : i32 to index
        %swap3A_1231 = arith.index_cast %scan3A_1017 : i32 to index
        %swap3A_1232 = arith.constant 48 : index
        %swap3A_1233 = tpu.vector_load %arg9[%swap3A_1230, %swap3A_1231, %swap3A_1232] {strides = array<i32>} : memref<4x200x64xf32, #tpu.memory_space<vmem>>, vector<1x1x16xf32>,
        %swap3A_1234 = vector.shape_cast %swap3A_1233 : vector<1x1x16xf32> to vector<16xf32>
        %swap3A_1235 = vector.shape_cast %add3A_1228 : vector<16xf32> to vector<1x1x16xf32>
        tpu.vector_store %arg9[%swap3A_1230, %swap3A_1231, %swap3A_1232], %swap3A_1235 {strides = array<i32>} : memref<4x200x64xf32, #tpu.memory_space<vmem>>, vector<1x1x16xf32>,
        %get3A_1236 = arith.constant 3 : i32
        %get3A_1237 = arith.index_cast %get3A_1236 : i32 to index
        %get3A_1238 = arith.index_cast %scan3A_1017 : i32 to index
        %get3A_1239 = arith.constant 0 : index
        %get3A_1240 = tpu.vector_load %arg9[%get3A_1237, %get3A_1238, %get3A_1239] {strides = array<i32>} : memref<4x200x64xf32, #tpu.memory_space<vmem>>, vector<1x1x16xf32>,
        %get3A_1241 = vector.shape_cast %get3A_1240 : vector<1x1x16xf32> to vector<16xf32>
        %mul3A_1242 = arith.constant 8.000000e+00 : f32
        %mul3A_1243 = vector.broadcast %mul3A_1242 : f32 to vector<16xf32>
        %mul3A_1244 = arith.mulf %get3A_1241, %mul3A_1243 : vector<16xf32>
        %add3A_1245 = arith.addf %mul3A_1244, %get3A_1020 : vector<16xf32>
        %swap3A_1246 = arith.constant 3 : i32
        %swap3A_1247 = arith.index_cast %swap3A_1246 : i32 to index
        %swap3A_1248 = arith.index_cast %scan3A_1017 : i32 to index
        %swap3A_1249 = arith.constant 0 : index
        %swap3A_1250 = tpu.vector_load %arg9[%swap3A_1247, %swap3A_1248, %swap3A_1249] {strides = array<i32>} : memref<4x200x64xf32, #tpu.memory_space<vmem>>, vector<1x1x16xf32>,
        %swap3A_1251 = vector.shape_cast %swap3A_1250 : vector<1x1x16xf32> to vector<16xf32>
        %swap3A_1252 = vector.shape_cast %add3A_1245 : vector<16xf32> to vector<1x1x16xf32>
        tpu.vector_store %arg9[%swap3A_1247, %swap3A_1248, %swap3A_1249], %swap3A_1252 {strides = array<i32>} : memref<4x200x64xf32, #tpu.memory_space<vmem>>, vector<1x1x16xf32>,
        %get3A_1253 = arith.constant 3 : i32
        %get3A_1254 = arith.index_cast %get3A_1253 : i32 to index
        %get3A_1255 = arith.index_cast %scan3A_1017 : i32 to index
        %get3A_1256 = arith.constant 16 : index
        %get3A_1257 = tpu.vector_load %arg9[%get3A_1254, %get3A_1255, %get3A_1256] {strides = array<i32>} : memref<4x200x64xf32, #tpu.memory_space<vmem>>, vector<1x1x16xf32>,
        %get3A_1258 = vector.shape_cast %get3A_1257 : vector<1x1x16xf32> to vector<16xf32>
        %mul3A_1259 = arith.constant 8.000000e+00 : f32
        %mul3A_1260 = vector.broadcast %mul3A_1259 : f32 to vector<16xf32>
        %mul3A_1261 = arith.mulf %get3A_1258, %mul3A_1260 : vector<16xf32>
        %add3A_1262 = arith.addf %mul3A_1261, %get3A_1024 : vector<16xf32>
        %swap3A_1263 = arith.constant 3 : i32
        %swap3A_1264 = arith.index_cast %swap3A_1263 : i32 to index
        %swap3A_1265 = arith.index_cast %scan3A_1017 : i32 to index
        %swap3A_1266 = arith.constant 16 : index
        %swap3A_1267 = tpu.vector_load %arg9[%swap3A_1264, %swap3A_1265, %swap3A_1266] {strides = array<i32>} : memref<4x200x64xf32, #tpu.memory_space<vmem>>, vector<1x1x16xf32>,
        %swap3A_1268 = vector.shape_cast %swap3A_1267 : vector<1x1x16xf32> to vector<16xf32>
        %swap3A_1269 = vector.shape_cast %add3A_1262 : vector<16xf32> to vector<1x1x16xf32>
        tpu.vector_store %arg9[%swap3A_1264, %swap3A_1265, %swap3A_1266], %swap3A_1269 {strides = array<i32>} : memref<4x200x64xf32, #tpu.memory_space<vmem>>, vector<1x1x16xf32>,
        %get3A_1270 = arith.constant 3 : i32
        %get3A_1271 = arith.index_cast %get3A_1270 : i32 to index
        %get3A_1272 = arith.index_cast %scan3A_1017 : i32 to index
        %get3A_1273 = arith.constant 32 : index
        %get3A_1274 = tpu.vector_load %arg9[%get3A_1271, %get3A_1272, %get3A_1273] {strides = array<i32>} : memref<4x200x64xf32, #tpu.memory_space<vmem>>, vector<1x1x16xf32>,
        %get3A_1275 = vector.shape_cast %get3A_1274 : vector<1x1x16xf32> to vector<16xf32>
        %mul3A_1276 = arith.constant 8.000000e+00 : f32
        %mul3A_1277 = vector.broadcast %mul3A_1276 : f32 to vector<16xf32>
        %mul3A_1278 = arith.mulf %get3A_1275, %mul3A_1277 : vector<16xf32>
        %add3A_1279 = arith.addf %mul3A_1278, %get3A_1028 : vector<16xf32>
        %swap3A_1280 = arith.constant 3 : i32
        %swap3A_1281 = arith.index_cast %swap3A_1280 : i32 to index
        %swap3A_1282 = arith.index_cast %scan3A_1017 : i32 to index
        %swap3A_1283 = arith.constant 32 : index
        %swap3A_1284 = tpu.vector_load %arg9[%swap3A_1281, %swap3A_1282, %swap3A_1283] {strides = array<i32>} : memref<4x200x64xf32, #tpu.memory_space<vmem>>, vector<1x1x16xf32>,
        %swap3A_1285 = vector.shape_cast %swap3A_1284 : vector<1x1x16xf32> to vector<16xf32>
        %swap3A_1286 = vector.shape_cast %add3A_1279 : vector<16xf32> to vector<1x1x16xf32>
        tpu.vector_store %arg9[%swap3A_1281, %swap3A_1282, %swap3A_1283], %swap3A_1286 {strides = array<i32>} : memref<4x200x64xf32, #tpu.memory_space<vmem>>, vector<1x1x16xf32>,
        %get3A_1287 = arith.constant 3 : i32
        %get3A_1288 = arith.index_cast %get3A_1287 : i32 to index
        %get3A_1289 = arith.index_cast %scan3A_1017 : i32 to index
        %get3A_1290 = arith.constant 48 : index
        %get3A_1291 = tpu.vector_load %arg9[%get3A_1288, %get3A_1289, %get3A_1290] {strides = array<i32>} : memref<4x200x64xf32, #tpu.memory_space<vmem>>, vector<1x1x16xf32>,
        %get3A_1292 = vector.shape_cast %get3A_1291 : vector<1x1x16xf32> to vector<16xf32>
        %mul3A_1293 = arith.constant 8.000000e+00 : f32
        %mul3A_1294 = vector.broadcast %mul3A_1293 : f32 to vector<16xf32>
        %mul3A_1295 = arith.mulf %get3A_1292, %mul3A_1294 : vector<16xf32>
        %add3A_1296 = arith.addf %mul3A_1295, %get3A_1032 : vector<16xf32>
        %swap3A_1297 = arith.constant 3 : i32
        %swap3A_1298 = arith.index_cast %swap3A_1297 : i32 to index
        %swap3A_1299 = arith.index_cast %scan3A_1017 : i32 to index
        %swap3A_1300 = arith.constant 48 : index
        %swap3A_1301 = tpu.vector_load %arg9[%swap3A_1298, %swap3A_1299, %swap3A_1300] {strides = array<i32>} : memref<4x200x64xf32, #tpu.memory_space<vmem>>, vector<1x1x16xf32>,
        %swap3A_1302 = vector.shape_cast %swap3A_1301 : vector<1x1x16xf32> to vector<16xf32>
        %swap3A_1303 = vector.shape_cast %add3A_1296 : vector<16xf32> to vector<1x1x16xf32>
        tpu.vector_store %arg9[%swap3A_1298, %swap3A_1299, %swap3A_1300], %swap3A_1303 {strides = array<i32>} : memref<4x200x64xf32, #tpu.memory_space<vmem>>, vector<1x1x16xf32>,
      }
      %scan3A_1009 = arith.constant 200 : i32
      %dma_start3A_1010 = arith.constant 0 : i32
      %dma_start3A_1011 = arith.constant 0 : i32
      %dma_start3A_1012 = tpu.memref_slice %arg5[%add3A_763, %dma_start3A_1010, %dma_start3A_1011] : memref<4096x200x64xf32, #tpu.memory_space<hbm>> -> memref<4x200x64xf32, #tpu.memory_space<hbm>>
      %dma_start3A_1013 = arith.constant 0 : i32
      %dma_start3A_1014 = arith.constant 0 : i32
      %dma_start3A_1015 = tpu.memref_slice %arg5[%add3A_763, %dma_start3A_1013, %dma_start3A_1014] : memref<4096x200x64xf32, #tpu.memory_space<hbm>> -> memref<4x200x64xf32, #tpu.memory_space<hbm>>
      tpu.enqueue_dma source(%arg9 : memref<4x200x64xf32, #tpu.memory_space<vmem>>) target(%dma_start3A_1015 : memref<4x200x64xf32, #tpu.memory_space<hbm>>) target_semaphore(%arg13 : memref<!tpu.dma_semaphore, #tpu.memory_space<semaphore_mem>>)
      %scan3A_1016 = arith.constant 1 : i32
      scf.yield %scan3A_1016 : i32
    }
    %scan3A_8 = arith.constant 16 : i32
    %ne3A = arith.constant 0 : i32
    %ne3A_9 = arith.cmpi ne, %scan3A_7, %ne3A : i32
    %convert_element_type3A = arith.extui %ne3A_9 : i1 to i32
    %cond3A = arith.constant 0 : i32
    %cond3A_10 = arith.cmpi ne, %convert_element_type3A, %cond3A : i32
    scf.if %cond3A_10 {
      %add3A_11 = arith.constant 120 : i32
      %add3A_12 = arith.addi %mul3A_2, %add3A_11 : i32
      %multiple_of3A = tpu.assume_multiple %add3A_12, 8 : i32
      %add3A_13 = arith.constant 0 : i32
      %add3A_14 = arith.addi %multiple_of3A, %add3A_13 : i32
      %dma_wait3A = arith.constant 0 : i32
      %dma_wait3A_15 = arith.constant 0 : i32
      %dma_wait3A_16 = tpu.memref_slice %arg5[%add3A_14, %dma_wait3A, %dma_wait3A_15] : memref<4096x200x64xf32, #tpu.memory_space<hbm>> -> memref<4x200x64xf32, #tpu.memory_space<hbm>>
      %dma_wait3A_17 = arith.constant 0 : i32
      %dma_wait3A_18 = arith.constant 0 : i32
      %dma_wait3A_19 = tpu.memref_slice %arg5[%add3A_14, %dma_wait3A_17, %dma_wait3A_18] : memref<4096x200x64xf32, #tpu.memory_space<hbm>> -> memref<4x200x64xf32, #tpu.memory_space<hbm>>
      tpu.wait_dma2 semaphore(%arg12 : memref<!tpu.dma_semaphore, #tpu.memory_space<semaphore_mem>>) src(%arg8 : memref<4x200x64xf32, #tpu.memory_space<vmem>>) dst(%dma_wait3A_19 : memref<4x200x64xf32, #tpu.memory_space<hbm>>)
      %add3A_20 = arith.constant 4 : i32
      %add3A_21 = arith.addi %multiple_of3A, %add3A_20 : i32
      %dma_wait3A_22 = arith.constant 0 : i32
      %dma_wait3A_23 = arith.constant 0 : i32
      %dma_wait3A_24 = tpu.memref_slice %arg5[%add3A_21, %dma_wait3A_22, %dma_wait3A_23] : memref<4096x200x64xf32, #tpu.memory_space<hbm>> -> memref<4x200x64xf32, #tpu.memory_space<hbm>>
      %dma_wait3A_25 = arith.constant 0 : i32
      %dma_wait3A_26 = arith.constant 0 : i32
      %dma_wait3A_27 = tpu.memref_slice %arg5[%add3A_21, %dma_wait3A_25, %dma_wait3A_26] : memref<4096x200x64xf32, #tpu.memory_space<hbm>> -> memref<4x200x64xf32, #tpu.memory_space<hbm>>
      tpu.wait_dma2 semaphore(%arg13 : memref<!tpu.dma_semaphore, #tpu.memory_space<semaphore_mem>>) src(%arg9 : memref<4x200x64xf32, #tpu.memory_space<vmem>>) dst(%dma_wait3A_27 : memref<4x200x64xf32, #tpu.memory_space<hbm>>)
    } else {
    }
    return
  }
}

</mosaic_0001>

<sc_bundles>
// kernel: _run.3.cloned.1.call-start
scs
__scs_entry_jumppad:
0x0: {  	(pc) =	sbr.rel $0x88, $3  }
0x1: {  	(tag) =	ssettag $0x0;
	lr =	simm.s32 $0x1  }
0x2: {  	[smem:$0x3F9E] =	sst lr;
	_ =	strace $0xD0000000  }
0x3: {  	_ = 	snop  }
0x4: {  	_ = 	snop  }
0x5: {  	_ = 	snop  }
0x6: {  	_ = 	snop  }
0x7: {  	_ = 	snop  }
__scs_overlays_trampoline_lowered:
0x8: {  	[smem:$0x3FAD] =	sst s0  }
0x9: {  	[smem:$0x3FAE] =	sst s1  }
0xa: {  	[smem:$0x3FAF] =	sst s2  }
0xb: {  	[smem:$0x3FB0] =	sst s3  }
0xc: {  	[smem:$0x3FB1] =	sst s4  }
0xd: {  	[smem:$0x3FB2] =	sst s5  }
0xe: {  	[smem:$0x3FB3] =	sst s6  }
0xf: {  	[smem:$0x3FB4] =	sst s7  }
0x10: {  	[smem:$0x3FB5] =	sst s8  }
0x11: {  	[smem:$0x3FB6] =	sst s9;
	s0 =	simm.s32 @!p0 $0x0  }
0x12: {  	s1 =	sld [smem:$0x3F9C];
	s0 =	simm.s32 @p0 $0x1  }
0x13: {  	[smem:$0x3FB7] =	sst s0;
	s0 =	simm.s32 @!p1 $0x0  }
0x14: {  	s2 =	sld [smem:$0x3F9B];
	s0 =	simm.s32 @p1 $0x1  }
0x15: {  	[smem:$0x3FB8] =	sst s0;
	s0 =	simm.s32 @!p2 $0x0  }
0x16: {  	s3 =	sld [smem:$0x3FDB];
	s0 =	simm.s32 @p2 $0x1  }
0x17: {  	s4 =	simm.s32 $0x1BF5;
	[smem:$0x3FBA] =	sst s0  }
0x18: {  	s0 =	sld [smem:$0x3F9D];
	_ =	swait.ge [sflag:s4], $0x0  }
0x19: {  	s7 =	sld [smem:$0x3F9E]  }
0x1a: {  	s8 =	sadd.s32 $0xFFFFE003, lr  }
0x1b: {  	s9 =	sadd.s32 $0xFFFFFEF7, lr;
	s5 =	simm.s32 $0xFFFFFFFF;
	p2 =	slt.u32 s8, $0xFFFFF086  }
0x1c: {  	p1 =	slt.u32 s9, $0xF7A;
	s5 =	simm.s32 @!p2 $0x0  }
0x1d: {  	s5 =	simm.s32 @p1 $0x1;
	p0 =	seq.s32 s7, s2  }
0x1e: {  	s7 =	smul.u32 @!p0 $0xF7A, s2;
	p2 =	seq.s32 @!p0 s5, $0x0  }
0x1f: {  	s9 =	smul.u32 $0xF7A, s1;
	s8 =	simm.s32 @!p0 $0x1BF5;
	p2 =	por !p2, p0  }
0x20: {  	[sflag:s8] =	ssyncset.s32 @!p0 $0xFFFFF086;
	s6 =	sadd.s32 @!p0 s3, s7;
	s7 =	simm.s32 @!p0 $0x108  }
0x21: {  	s3 =	sadd.s32 s3, s9;
	s6 =	sadd.s32 @!p0 $0x88, s6;
	s7 =	simm.s32 @p2 $0x1082  }
0x22: {  	[simem:s7], [sflag:s8] =	dma.local @!p0 [hbm:s6], $0xF7A  }
0x23: {  	s9 =	sor.u32 $0xD0000000, s2;
	s6 =	simm.s32 $0x108;
	_ =	swait.ge @!p0 [sflag:s8], $0x0  }
0x24: {  	s3 =	sadd.s32 $0x88, s3;
	s6 =	simm.s32 @!p1 $0x1082;
	[sflag:s4] =	ssyncset.s32 $0xFFFFF086  }
0x25: {  	[simem:s6], [sflag:s4] =	dma.local [hbm:s3], $0xF7A  }
0x26: {  	[smem:$0x3F9E] =	sst s1;
	(tag) =	ssettag s2;
	_ =	strace s9  }
0x27: {  	s1 =	sld [smem:$0x3FAE]  }
0x28: {  	s2 =	sld [smem:$0x3FAF]  }
0x29: {  	s4 =	sld [smem:$0x3FB1]  }
0x2a: {  	p0 =	seq.s32 s5, $0x0;
	s5 =	sld [smem:$0x3FB2]  }
0x2b: {  	s6 =	sld [smem:$0x3FB3]  }
0x2c: {  	s7 =	sld [smem:$0x3FB4]  }
0x2d: {  	s3 =	simm.s32 $0x108;
	s8 =	sld [smem:$0x3FB5]  }
0x2e: {  	s3 =	simm.s32 @!p0 $0x1082;
	s9 =	sld [smem:$0x3FB6]  }
0x2f: {  	lr =	sadd.s32 s0, s3;
	s0 =	sld [smem:$0x3FAD]  }
0x30: {  	s3 =	sld [smem:$0x3FB0]  }
0x31: {  	[smem:$0x3FB9] =	sst s10  }
0x32: {  	s10 =	sld [smem:$0x3FB7];
	_ =	sdelay $0x3  }
0x33: {  	p0 =	seq.s32 s10, $0x1;
	s10 =	sld [smem:$0x3FB9];
	_ =	sdelay $0x3  }
0x34: {  	[smem:$0x3FB9] =	sst s10  }
0x35: {  	s10 =	sld [smem:$0x3FB8];
	_ =	sdelay $0x3  }
0x36: {  	p1 =	seq.s32 s10, $0x1;
	s10 =	sld [smem:$0x3FB9];
	_ =	sdelay $0x3  }
0x37: {  	[smem:$0x3FB9] =	sst s10  }
0x38: {  	s10 =	sld [smem:$0x3FBA]  }
0x39: {  	_ = 	snop;
	(pc) =	sbr.ind lr, $3  }
0x3a: {  	_ = 	snop  }
0x3b: {  	_ = 	snop  }
0x3c: {  	p2 =	seq.s32 s10, $0x1;
	s10 =	sld [smem:$0x3FB9]  }
0x3d: {  	_ =	shalt  }
0x3e: {  	_ =	shalt  }
0x3f: {  	_ =	shalt  }
0x40: {  	_ =	shalt  }
0x41: {  	_ =	shalt  }
0x42: {  	_ =	shalt  }
0x43: {  	_ =	shalt  }
0x44: {  	_ =	shalt  }
0x45: {  	_ =	shalt  }
0x46: {  	_ =	shalt  }
0x47: {  	_ =	shalt  }
0x48: {  	_ =	shalt  }
0x49: {  	_ =	shalt  }
0x4a: {  	_ =	shalt  }
0x4b: {  	_ =	shalt  }
0x4c: {  	_ =	shalt  }
0x4d: {  	_ =	shalt  }
0x4e: {  	_ =	shalt  }
0x4f: {  	_ =	shalt  }
0x50: {  	_ =	shalt  }
0x51: {  	_ =	shalt  }
0x52: {  	_ =	shalt  }
0x53: {  	_ =	shalt  }
0x54: {  	_ =	shalt  }
0x55: {  	_ =	shalt  }
0x56: {  	_ =	shalt  }
0x57: {  	_ =	shalt  }
0x58: {  	_ =	shalt  }
0x59: {  	_ =	shalt  }
0x5a: {  	_ =	shalt  }
0x5b: {  	_ =	shalt  }
0x5c: {  	_ =	shalt  }
0x5d: {  	_ =	shalt  }
0x5e: {  	_ =	shalt  }
0x5f: {  	_ =	shalt  }
0x60: {  	_ =	shalt  }
0x61: {  	_ =	shalt  }
0x62: {  	_ =	shalt  }
0x63: {  	_ =	shalt  }
0x64: {  	_ =	shalt  }
0x65: {  	_ =	shalt  }
0x66: {  	_ =	shalt  }
0x67: {  	_ =	shalt  }
0x68: {  	_ =	shalt  }
0x69: {  	_ =	shalt  }
0x6a: {  	_ =	shalt  }
0x6b: {  	_ =	shalt  }
0x6c: {  	_ =	shalt  }
0x6d: {  	_ =	shalt  }
0x6e: {  	_ =	shalt  }
0x6f: {  	_ =	shalt  }
0x70: {  	_ =	shalt  }
0x71: {  	_ =	shalt  }
0x72: {  	_ =	shalt  }
0x73: {  	_ =	shalt  }
0x74: {  	_ =	shalt  }
0x75: {  	_ =	shalt  }
0x76: {  	_ =	shalt  }
0x77: {  	_ =	shalt  }
0x78: {  	_ =	shalt  }
0x79: {  	_ =	shalt  }
0x7a: {  	_ =	shalt  }
0x7b: {  	_ =	shalt  }
0x7c: {  	_ =	shalt  }
0x7d: {  	_ =	shalt  }
0x7e: {  	_ =	shalt  }
0x7f: {  	_ =	shalt  }
0x80: {  	_ =	shalt  }
0x81: {  	_ =	shalt  }
0x82: {  	_ =	shalt  }
0x83: {  	_ =	shalt  }
0x84: {  	_ =	shalt  }
0x85: {  	_ =	shalt  }
0x86: {  	_ =	shalt  }
0x87: {  	_ =	shalt  }
.Lfunc_end0:
.L_simem_size_0:
called_computation.1_lowered:
.L_overlay_start_0:
0x88: {  	s2 =	sld [smem:$0x3FD9]  }
0x89: {  	s3 =	sld [smem:$0x3FFE];
	_ =	sdelay $0x1  }
0x8a: {  	s1 =	srdreg.scid  }
0x8b: {  	s0 =	sand.u32 $0x1, s1  }
0x8c: {  	s17 =	sshll.u32 s0, $0xA;
	s2 =	sadd.s32 s3, s2  }
0x8d: {  	s2 =	sadd.s32 s2, s17  }
0x8e: {  	[smem:$0x3FC5] =	sst s2  }
0x8f: {  	_ = 	snop  }
0x90: {  	s2 =	sld [smem:$0x3FD0];
	(tm) =	ssettm $0x1  }
0x91: {  	s18 =	sld [smem:$0x3FFB];
	_ =	sdelay $0x3  }
0x92: {  	_ =	strace s18  }
0x93: {  	s3 =	sld [smem:$0x3FFC];
	_ =	sdelay $0x3  }
0x94: {  	_ =	strace s3  }
0x95: {  	s3 =	sld [smem:$0x3FFD];
	_ =	sdelay $0x3  }
0x96: {  	_ =	strace s3  }
0x97: {  	_ =	strace $0x8FFFFFFF  }
0x98: {  	s19 =	sld [smem:$0x3FDB];
	_ =	sdelay $0x1  }
0x99: {  	s4 =	simm.s32 $_scs_section_size  }
0x9a: {  	s5 =	simm.s32 $_size__tile_overlayer_lowered;
	s6 =	simm.s32 $_tile_overlayer_lowered  }
0x9b: {  	s22 =	simm.s32 $0x1BFF;
	s21 =	sshll.u32 s6, $0x1;
	s3 =	sadd.s32 s4, s19  }
0x9c: {  	s7 =	simm.s32 $0x0;
	s20 =	sshll.u32 s5, $0x1;
	s5 =	sadd.s32 s21, s3  }
0x9d: {  	[timem:s7], [sflag:s22] =	dma.local [hbm:s5], s20  }
0x9e: {  	_ =	swait.ge [sflag:s22], s20  }
0x9f: {  	s4 =	ssub.s32 $0x0, s20;
	[sflag:s22] =	ssyncset.done $0x0  }
0xa0: {  	[sflag:s22] =	ssyncadd.s32 s4;
	_ =	sdelay $0x1  }
0xa1: {  	s23 =	simm.s32 $0x1B8B  }
0xa2: {  	_ =	swait.ge [sflag:s23], $0x1  }
0xa3: {  	[sflag:s23] =	ssyncset.done $0x0  }
0xa4: {  	s25 =	simm.s32 $0x1B8E;
	s24 =	sld [smem:$0x3FFE];
	[sflag:s23] =	ssyncadd.s32 $0xFFFFFFFF  }
0xa5: {  	s26 =	simm.s32 $execute0_lowered;
	[smem:$0x3FD2] =	sst s25  }
0xa6: {  	s5 =	sshll.u32 s26, $0x1;
	_ =	strace $0x80000046;
	[dreg:$0x1] =	wrdreg $0xFFFFFFFF  }
0xa7: {  	s28 =	simm.s32 $_size_execute0_lowered;
	s3 =	sadd.s32 s3, s5;
	[dreg:$0x0] =	wrdreg $0x0  }
0xa8: {  	s5 =	sshll.u32 s28, $0x1;
	[dreg:$0x2] =	wrdreg s3  }
0xa9: {  	[dreg:$0x3] =	wrdreg s5  }
0xaa: {  	[dreg:$0x4] =	wrdreg $0xC0  }
0xab: {  	_ =	task [dreg:s7], $0x5FFFF  }
0xac: {  	[dreg:$0x1] =	wrdreg $0xFFFFFFFF  }
0xad: {  	[dreg:$0x0] =	wrdreg $0x60  }
0xae: {  	[dreg:$0x2] =	wrdreg s24  }
0xaf: {  	[dreg:$0x3] =	wrdreg s2  }
0xb0: {  	[dreg:$0x4] =	wrdreg $0x9  }
0xb1: {  	_ =	task.clear_ibuf [dreg:s7], $0x5FFFF;
	_ =	strace $0x90000046  }
0xb2: {  	s29 =	simm.s32 $0x9;
	_ =	strace $0x80000048  }
0xb3: {  	_ =	swait.ge [sflag:s29], $0x1  }
0xb4: {  	[sflag:s29] =	ssyncadd.s32 $0xFFFFFFFF  }
0xb5: {  	_ =	strace $0x90000048  }
0xb6: {  	_ =	sfence  }
0xb7: {  	s30 =	sld [smem:$0x0];
	_ =	sdelay $0x2  }
0xb8: {  	s31 =	sshll.u32 s1, $0xD;
	s1 =	sshrl.u32 s1, $0x2  }
0xb9: {  	s3 =	sand.u32 $0x4000, s31;
	s1 =	sadd.s32 s1, s30  }
0xba: {  	s0 =	sor.u32 s3, s0;
	s1 =	sshll.u32 s1, $0x11  }
0xbb: {  	s0 =	sor.u32 s1, s0  }
0xbc: {  	s0 =	sadd.s32 $0x8F2B, s0  }
0xbd: {  	[sflag:s0] =	ssyncadd.remote.s32 $0x1  }
0xbe: {  	_ =	sfence.sel $0xFFFF  }
0xbf: {  	[dreg:$0x0] =	wrdreg $0xFFFFFFFF;
	(pc) =	sbr.abs _section_cstart, $3  }
0xc0: {  	[dreg:$0x1] =	wrdreg $0xFFFFFFFF  }
0xc1: {  	_ =	task.clear_ibuf [dreg:s7], $0x2FFFF;
	_ =	strace $0x9FFFFFFF  }
0xc2: {  	(tm) =	ssettm $0x7FFFFFFF  }
0xc3: {  	_ =	shalt  }
tec
execute0_lowered:
.L_overlay_start_1:
0x0: {  	(tag) =	ssettag $0x1  }
0x1: {  	s0 =	rddreg [dreg:$0x0]  }
0x2: {  	s1 =	rddreg [dreg:$0x1];
	s2 =	simm.s32 $0x0  }
0x3: {  	s3 =	srdreg.scid;
	s8 =	stileid.u32;
	s9 =	simm.s32 $0x5  }
0x4: {  	s10 =	simm.s32 $0x3200;
	s11 =	simm.s32 $0x28;
	s12 =	simm.s32 $0x3840  }
0x5: {  	s31 =	simm.s32 $0x10040;
	s13 =	simm.s32 $0x18240;
	s14 =	simm.s32 $0x3750  }
0x6: {  	s15 =	simm.s32 $0x18C40;
	s16 =	simm.s32 $0x3778;
	s17 =	simm.s32 $0x19640  }
0x7: {  	s18 =	simm.s32 $0x37A0;
	s19 =	simm.s32 $0x1A040;
	s20 =	simm.s32 $0x37C8  }
0x8: {  	s21 =	simm.s32 $0x1AA40;
	s22 =	simm.s32 $0x37F0;
	s23 =	simm.s32 $0x1B440  }
0x9: {  	s24 =	simm.s32 $0x3818;
	s25 =	simm.s32 $0x1BE40;
	s26 =	simm.s32 $0x1  }
0xa: {  	s28 =	simm.s32 $0x2;
	[smem:$0x7FF] =	sst s2;
	s3 =	sand.u32 $0x1, s3  }
0xb: {  	s4 =	sadd.s32 $0xC00, s0;
	s5 =	sadd.s32 $0xF43000, s0;
	s6 =	ssub.s32 $0x2, s3  }
0xc: {  	s29 =	sshll.u32 s8, $0x8;
	s0 =	sadd.s32 $0x19C00, s0;
	s7 =	sshrl.u32 s6, $0x1  }
0xd: {  	s8 =	simm.s32 $0x3728;
	_ =	strace $0x80000047;
	s6 =	ssub.s32 s6, s7  }
0xe: {  	s3 =	sshll.u32 s3, $0x7;
	[dreg:$0x3] =	wrdreg s0;
	s30 =	smax.u32 s6, $0x1  }
0xf: {  	s7 =	sor.u32 s3, s29;
	s6 =	simm.s32 $0x0;
	[dreg:$0x4] =	wrdreg s30  }
.LBB2_1:
0x10: {  	[dreg:$0x5] =	wrdreg s6  }
0x11: {  	s0 =	rddreg [dreg:$0x3]  }
0x12: {  	[tilespmem:s2], [sflag:$0x5] =	stream.linear.gather [hbm4b:s0+s2], $0x3200, $0x38;
	[tilespmem:$0x1C840] =	vst v63  }
0x13: {  	_ =	swait.ge [sflag:s9], $0x3200  }
0x14: {  	[sflag:s9] =	ssyncset.done $0x0  }
0x15: {  	p0 =	por $0x1, $0x1;
	s29 =	simm.s32 $0x0;
	[sflag:s9] =	ssyncadd.s32 $0xFFFFCE00  }
.LBB2_2:
0x16: {  	s0 =	sshll.u32 s29, $0x3  }
0x17: {  	s30 =	sadd.s32 s7, s0  }
0x18: {  	s0 =	smul.u32 $0x19, s30;
	_ =	sdelay $0x1  }
0x19: {  	s0 =	sadd.s32 s4, s0  }
0x1a: {  	[tilespmem:s10], [sflag:$0x5] =	stream.linear.gather [hbm4b:s0+s2], $0x640, $0x38;
	[tilespmem:$0x1C840] =	vst v63  }
0x1b: {  	_ =	swait.ge [sflag:s9], $0x640  }
0x1c: {  	[sflag:s9] =	ssyncset.done $0x0  }
0x1d: {  	s0 =	simm.s32 @!p0 $0x3;
	[sflag:s9] =	ssyncadd.s32 $0xFFFFF9C0  }
0x1e: {  	_ =	swait.ge @!p0 [sflag:s0], $0xC800  }
0x1f: {  	[sflag:s0] =	ssyncset.done @!p0 $0x0  }
0x20: {  	[sflag:s0] =	ssyncadd.s32 @!p0 $0xFFFF3800  }
0x21: {  	[tilespmem:s12], [sflag:$0x1] =	stream.indirect.gather [hbm4b:s5+s11], $0x40, s10, s11, $0xb8;
	[tilespmem:$0x1C840] =	vst v63  }
0x22: {  	s6 =	simm.s32 $0x3228;
	s3 =	simm.s32 $0x4240  }
0x23: {  	[tilespmem:s3], [sflag:$0x1] =	stream.indirect.gather [hbm4b:s5+s11], $0x40, s6, s11, $0xb8;
	[tilespmem:$0x1C840] =	vst v63  }
0x24: {  	s3 =	simm.s32 $0x3250;
	s6 =	simm.s32 $0x4C40  }
0x25: {  	[tilespmem:s6], [sflag:$0x1] =	stream.indirect.gather [hbm4b:s5+s11], $0x40, s3, s11, $0xb8;
	[tilespmem:$0x1C840] =	vst v63  }
0x26: {  	s3 =	simm.s32 $0x3278;
	s6 =	simm.s32 $0x5640  }
0x27: {  	[tilespmem:s6], [sflag:$0x1] =	stream.indirect.gather [hbm4b:s5+s11], $0x40, s3, s11, $0xb8;
	[tilespmem:$0x1C840] =	vst v63  }
0x28: {  	s3 =	simm.s32 $0x32A0;
	s6 =	simm.s32 $0x6040  }
0x29: {  	[tilespmem:s6], [sflag:$0x1] =	stream.indirect.gather [hbm4b:s5+s11], $0x40, s3, s11, $0xb8;
	[tilespmem:$0x1C840] =	vst v63  }
0x2a: {  	s3 =	simm.s32 $0x32C8;
	s6 =	simm.s32 $0x6A40  }
0x2b: {  	[tilespmem:s6], [sflag:$0x1] =	stream.indirect.gather [hbm4b:s5+s11], $0x40, s3, s11, $0xb8;
	[tilespmem:$0x1C840] =	vst v63  }
0x2c: {  	s3 =	simm.s32 $0x32F0;
	s6 =	simm.s32 $0x7440  }
0x2d: {  	[tilespmem:s6], [sflag:$0x1] =	stream.indirect.gather [hbm4b:s5+s11], $0x40, s3, s11, $0xb8;
	[tilespmem:$0x1C840] =	vst v63  }
0x2e: {  	s3 =	simm.s32 $0x3318;
	s6 =	simm.s32 $0x7E40  }
0x2f: {  	[tilespmem:s6], [sflag:$0x1] =	stream.indirect.gather [hbm4b:s5+s11], $0x40, s3, s11, $0xb8;
	[tilespmem:$0x1C840] =	vst v63  }
0x30: {  	s3 =	simm.s32 $0x3340;
	s6 =	simm.s32 $0x8840  }
0x31: {  	[tilespmem:s6], [sflag:$0x1] =	stream.indirect.gather [hbm4b:s5+s11], $0x40, s3, s11, $0xb8;
	[tilespmem:$0x1C840] =	vst v63  }
0x32: {  	s3 =	simm.s32 $0x3368;
	s6 =	simm.s32 $0x9240  }
0x33: {  	[tilespmem:s6], [sflag:$0x1] =	stream.indirect.gather [hbm4b:s5+s11], $0x40, s3, s11, $0xb8;
	[tilespmem:$0x1C840] =	vst v63  }
0x34: {  	s3 =	simm.s32 $0x3390;
	s6 =	simm.s32 $0x9C40  }
0x35: {  	[tilespmem:s6], [sflag:$0x1] =	stream.indirect.gather [hbm4b:s5+s11], $0x40, s3, s11, $0xb8;
	[tilespmem:$0x1C840] =	vst v63  }
0x36: {  	s3 =	simm.s32 $0x33B8;
	s6 =	simm.s32 $0xA640  }
0x37: {  	[tilespmem:s6], [sflag:$0x1] =	stream.indirect.gather [hbm4b:s5+s11], $0x40, s3, s11, $0xb8;
	[tilespmem:$0x1C840] =	vst v63  }
0x38: {  	s3 =	simm.s32 $0x33E0;
	s6 =	simm.s32 $0xB040  }
0x39: {  	[tilespmem:s6], [sflag:$0x1] =	stream.indirect.gather [hbm4b:s5+s11], $0x40, s3, s11, $0xb8;
	[tilespmem:$0x1C840] =	vst v63  }
0x3a: {  	s3 =	simm.s32 $0x3408;
	s6 =	simm.s32 $0xBA40  }
0x3b: {  	[tilespmem:s6], [sflag:$0x1] =	stream.indirect.gather [hbm4b:s5+s11], $0x40, s3, s11, $0xb8;
	[tilespmem:$0x1C840] =	vst v63  }
0x3c: {  	s3 =	simm.s32 $0x3430;
	s6 =	simm.s32 $0xC440  }
0x3d: {  	[tilespmem:s6], [sflag:$0x1] =	stream.indirect.gather [hbm4b:s5+s11], $0x40, s3, s11, $0xb8;
	[tilespmem:$0x1C840] =	vst v63  }
0x3e: {  	s3 =	simm.s32 $0x3458;
	s6 =	simm.s32 $0xCE40  }
0x3f: {  	[tilespmem:s6], [sflag:$0x1] =	stream.indirect.gather [hbm4b:s5+s11], $0x40, s3, s11, $0xb8;
	[tilespmem:$0x1C840] =	vst v63  }
0x40: {  	s3 =	simm.s32 $0x3480;
	s6 =	simm.s32 $0xD840  }
0x41: {  	[tilespmem:s6], [sflag:$0x1] =	stream.indirect.gather [hbm4b:s5+s11], $0x40, s3, s11, $0xb8;
	[tilespmem:$0x1C840] =	vst v63  }
0x42: {  	s3 =	simm.s32 $0x34A8;
	s6 =	simm.s32 $0xE240  }
0x43: {  	[tilespmem:s6], [sflag:$0x1] =	stream.indirect.gather [hbm4b:s5+s11], $0x40, s3, s11, $0xb8;
	[tilespmem:$0x1C840] =	vst v63  }
0x44: {  	s3 =	simm.s32 $0x34D0;
	s6 =	simm.s32 $0xEC40  }
0x45: {  	[tilespmem:s6], [sflag:$0x1] =	stream.indirect.gather [hbm4b:s5+s11], $0x40, s3, s11, $0xb8;
	[tilespmem:$0x1C840] =	vst v63  }
0x46: {  	s0 =	simm.s32 @!p0 $0x4;
	s3 =	simm.s32 $0x34F8;
	s6 =	simm.s32 $0xF640  }
0x47: {  	[tilespmem:s6], [sflag:$0x1] =	stream.indirect.gather [hbm4b:s5+s11], $0x40, s3, s11, $0xb8;
	[tilespmem:$0x1C840] =	vst v63  }
0x48: {  	_ =	swait.ge @!p0 [sflag:s0], $0xC800  }
0x49: {  	[sflag:s0] =	ssyncset.done @!p0 $0x0  }
0x4a: {  	s6 =	simm.s32 $0x3520;
	[sflag:s0] =	ssyncadd.s32 @!p0 $0xFFFF3800  }
0x4b: {  	[tilespmem:s31], [sflag:$0x2] =	stream.indirect.gather [hbm4b:s5+s11], $0x40, s6, s11, $0xb8;
	[tilespmem:$0x1C840] =	vst v63  }
0x4c: {  	s3 =	simm.s32 $0x3548;
	s6 =	simm.s32 $0x10A40  }
0x4d: {  	[tilespmem:s6], [sflag:$0x2] =	stream.indirect.gather [hbm4b:s5+s11], $0x40, s3, s11, $0xb8;
	[tilespmem:$0x1C840] =	vst v63  }
0x4e: {  	s3 =	simm.s32 $0x3570;
	s6 =	simm.s32 $0x11440  }
0x4f: {  	[tilespmem:s6], [sflag:$0x2] =	stream.indirect.gather [hbm4b:s5+s11], $0x40, s3, s11, $0xb8;
	[tilespmem:$0x1C840] =	vst v63  }
0x50: {  	s3 =	simm.s32 $0x3598;
	s6 =	simm.s32 $0x11E40  }
0x51: {  	[tilespmem:s6], [sflag:$0x2] =	stream.indirect.gather [hbm4b:s5+s11], $0x40, s3, s11, $0xb8;
	[tilespmem:$0x1C840] =	vst v63  }
0x52: {  	s3 =	simm.s32 $0x35C0;
	s6 =	simm.s32 $0x12840  }
0x53: {  	[tilespmem:s6], [sflag:$0x2] =	stream.indirect.gather [hbm4b:s5+s11], $0x40, s3, s11, $0xb8;
	[tilespmem:$0x1C840] =	vst v63  }
0x54: {  	s3 =	simm.s32 $0x35E8;
	s6 =	simm.s32 $0x13240  }
0x55: {  	[tilespmem:s6], [sflag:$0x2] =	stream.indirect.gather [hbm4b:s5+s11], $0x40, s3, s11, $0xb8;
	[tilespmem:$0x1C840] =	vst v63  }
0x56: {  	s3 =	simm.s32 $0x3610;
	s6 =	simm.s32 $0x13C40  }
0x57: {  	[tilespmem:s6], [sflag:$0x2] =	stream.indirect.gather [hbm4b:s5+s11], $0x40, s3, s11, $0xb8;
	[tilespmem:$0x1C840] =	vst v63  }
0x58: {  	s3 =	simm.s32 $0x3638;
	s6 =	simm.s32 $0x14640  }
0x59: {  	[tilespmem:s6], [sflag:$0x2] =	stream.indirect.gather [hbm4b:s5+s11], $0x40, s3, s11, $0xb8;
	[tilespmem:$0x1C840] =	vst v63  }
0x5a: {  	s3 =	simm.s32 $0x3660;
	s6 =	simm.s32 $0x15040  }
0x5b: {  	[tilespmem:s6], [sflag:$0x2] =	stream.indirect.gather [hbm4b:s5+s11], $0x40, s3, s11, $0xb8;
	[tilespmem:$0x1C840] =	vst v63  }
0x5c: {  	s3 =	simm.s32 $0x3688;
	s6 =	simm.s32 $0x15A40  }
0x5d: {  	[tilespmem:s6], [sflag:$0x2] =	stream.indirect.gather [hbm4b:s5+s11], $0x40, s3, s11, $0xb8;
	[tilespmem:$0x1C840] =	vst v63  }
0x5e: {  	s3 =	simm.s32 $0x36B0;
	s6 =	simm.s32 $0x16440  }
0x5f: {  	[tilespmem:s6], [sflag:$0x2] =	stream.indirect.gather [hbm4b:s5+s11], $0x40, s3, s11, $0xb8;
	[tilespmem:$0x1C840] =	vst v63  }
0x60: {  	s3 =	simm.s32 $0x36D8;
	s6 =	simm.s32 $0x16E40  }
0x61: {  	[tilespmem:s6], [sflag:$0x2] =	stream.indirect.gather [hbm4b:s5+s11], $0x40, s3, s11, $0xb8;
	[tilespmem:$0x1C840] =	vst v63  }
0x62: {  	s3 =	simm.s32 $0x3700;
	s6 =	simm.s32 $0x17840  }
0x63: {  	[tilespmem:s6], [sflag:$0x2] =	stream.indirect.gather [hbm4b:s5+s11], $0x40, s3, s11, $0xb8;
	[tilespmem:$0x1C840] =	vst v63  }
0x64: {  	_ = 	snop  }
0x65: {  	[tilespmem:s13], [sflag:$0x2] =	stream.indirect.gather [hbm4b:s5+s11], $0x40, s8, s11, $0xb8;
	[tilespmem:$0x1C840] =	vst v63  }
0x66: {  	_ = 	snop  }
0x67: {  	[tilespmem:s15], [sflag:$0x2] =	stream.indirect.gather [hbm4b:s5+s11], $0x40, s14, s11, $0xb8;
	[tilespmem:$0x1C840] =	vst v63  }
0x68: {  	_ = 	snop  }
0x69: {  	[tilespmem:s17], [sflag:$0x2] =	stream.indirect.gather [hbm4b:s5+s11], $0x40, s16, s11, $0xb8;
	[tilespmem:$0x1C840] =	vst v63  }
0x6a: {  	_ = 	snop  }
0x6b: {  	[tilespmem:s19], [sflag:$0x2] =	stream.indirect.gather [hbm4b:s5+s11], $0x40, s18, s11, $0xb8;
	[tilespmem:$0x1C840] =	vst v63  }
0x6c: {  	_ = 	snop  }
0x6d: {  	[tilespmem:s21], [sflag:$0x2] =	stream.indirect.gather [hbm4b:s5+s11], $0x40, s20, s11, $0xb8;
	[tilespmem:$0x1C840] =	vst v63  }
0x6e: {  	_ = 	snop  }
0x6f: {  	[tilespmem:s23], [sflag:$0x2] =	stream.indirect.gather [hbm4b:s5+s11], $0x40, s22, s11, $0xb8;
	[tilespmem:$0x1C840] =	vst v63  }
0x70: {  	_ = 	snop  }
0x71: {  	[tilespmem:s25], [sflag:$0x2] =	stream.indirect.gather [hbm4b:s5+s11], $0x40, s24, s11, $0xb8;
	[tilespmem:$0x1C840] =	vst v63  }
0x72: {  	_ =	swait.ge [sflag:s26], $0xA00  }
0x73: {  	[sflag:s26] =	ssyncset.done $0x0  }
0x74: {  	[sflag:s26] =	ssyncadd.s32 $0xFFFFF600  }
0x75: {  	_ =	swait.ge [sflag:s26], $0xA00  }
0x76: {  	[sflag:s26] =	ssyncset.done $0x0  }
0x77: {  	[sflag:s26] =	ssyncadd.s32 $0xFFFFF600  }
0x78: {  	_ =	swait.ge [sflag:s26], $0xA00  }
0x79: {  	[sflag:s26] =	ssyncset.done $0x0  }
0x7a: {  	[sflag:s26] =	ssyncadd.s32 $0xFFFFF600  }
0x7b: {  	_ =	swait.ge [sflag:s26], $0xA00  }
0x7c: {  	[sflag:s26] =	ssyncset.done $0x0  }
0x7d: {  	[sflag:s26] =	ssyncadd.s32 $0xFFFFF600  }
0x7e: {  	_ =	swait.ge [sflag:s26], $0xA00  }
0x7f: {  	[sflag:s26] =	ssyncset.done $0x0  }
0x80: {  	[sflag:s26] =	ssyncadd.s32 $0xFFFFF600  }
0x81: {  	_ =	swait.ge [sflag:s26], $0xA00  }
0x82: {  	[sflag:s26] =	ssyncset.done $0x0  }
0x83: {  	[sflag:s26] =	ssyncadd.s32 $0xFFFFF600  }
0x84: {  	_ =	swait.ge [sflag:s26], $0xA00  }
0x85: {  	[sflag:s26] =	ssyncset.done $0x0  }
0x86: {  	[sflag:s26] =	ssyncadd.s32 $0xFFFFF600  }
0x87: {  	_ =	swait.ge [sflag:s26], $0xA00  }
0x88: {  	[sflag:s26] =	ssyncset.done $0x0  }
0x89: {  	[sflag:s26] =	ssyncadd.s32 $0xFFFFF600  }
0x8a: {  	_ =	swait.ge [sflag:s26], $0xA00  }
0x8b: {  	[sflag:s26] =	ssyncset.done $0x0  }
0x8c: {  	[sflag:s26] =	ssyncadd.s32 $0xFFFFF600  }
0x8d: {  	_ =	swait.ge [sflag:s26], $0xA00  }
0x8e: {  	[sflag:s26] =	ssyncset.done $0x0  }
0x8f: {  	[sflag:s26] =	ssyncadd.s32 $0xFFFFF600  }
0x90: {  	_ =	swait.ge [sflag:s26], $0xA00  }
0x91: {  	[sflag:s26] =	ssyncset.done $0x0  }
0x92: {  	[sflag:s26] =	ssyncadd.s32 $0xFFFFF600  }
0x93: {  	_ =	swait.ge [sflag:s26], $0xA00  }
0x94: {  	[sflag:s26] =	ssyncset.done $0x0  }
0x95: {  	[sflag:s26] =	ssyncadd.s32 $0xFFFFF600  }
0x96: {  	_ =	swait.ge [sflag:s26], $0xA00  }
0x97: {  	[sflag:s26] =	ssyncset.done $0x0  }
0x98: {  	[sflag:s26] =	ssyncadd.s32 $0xFFFFF600  }
0x99: {  	_ =	swait.ge [sflag:s26], $0xA00  }
0x9a: {  	[sflag:s26] =	ssyncset.done $0x0  }
0x9b: {  	[sflag:s26] =	ssyncadd.s32 $0xFFFFF600  }
0x9c: {  	_ =	swait.ge [sflag:s26], $0xA00  }
0x9d: {  	[sflag:s26] =	ssyncset.done $0x0  }
0x9e: {  	[sflag:s26] =	ssyncadd.s32 $0xFFFFF600  }
0x9f: {  	_ =	swait.ge [sflag:s26], $0xA00  }
0xa0: {  	[sflag:s26] =	ssyncset.done $0x0  }
0xa1: {  	[sflag:s26] =	ssyncadd.s32 $0xFFFFF600  }
0xa2: {  	_ =	swait.ge [sflag:s26], $0xA00  }
0xa3: {  	[sflag:s26] =	ssyncset.done $0x0  }
0xa4: {  	[sflag:s26] =	ssyncadd.s32 $0xFFFFF600  }
0xa5: {  	_ =	swait.ge [sflag:s26], $0xA00  }
0xa6: {  	[sflag:s26] =	ssyncset.done $0x0  }
0xa7: {  	[sflag:s26] =	ssyncadd.s32 $0xFFFFF600  }
0xa8: {  	_ =	swait.ge [sflag:s26], $0xA00  }
0xa9: {  	[sflag:s26] =	ssyncset.done $0x0  }
0xaa: {  	[sflag:s26] =	ssyncadd.s32 $0xFFFFF600  }
0xab: {  	_ =	swait.ge [sflag:s26], $0xA00  }
0xac: {  	[sflag:s26] =	ssyncset.done $0x0  }
0xad: {  	s0 =	simm.s32 $0x0;
	[sflag:s26] =	ssyncadd.s32 $0xFFFFF600  }
0xae: {  	v3 =	vld [tilespmem:s0+$0x0]  }
0xaf: {  	v2 =	vld [tilespmem:s0+$0x10]  }
0xb0: {  	v4 =	vld [tilespmem:s0+$0x3840]  }
0xb1: {  	v1 =	vld [tilespmem:s0+$0x20]  }
0xb2: {  	v0 =	vld [tilespmem:s0+$0x30]  }
0xb3: {  	v5 =	vld [tilespmem:s0+$0x3850]  }
0xb4: {  	v7 =	vld [tilespmem:s0+$0x3870]  }
0xb5: {  	v6 =	vld [tilespmem:s0+$0x3860];
	v4 =	vmul.f32 $8.000000000e+00, v4  }
0xb6: {  	v8 =	vld [tilespmem:s0+$0x6A40]  }
0xb7: {  	v9 =	vld [tilespmem:s0+$0x6A50];
	v4 =	vadd.f32 v4, v3  }
0xb8: {  	v10 =	vld [tilespmem:s0+$0x6A60];
	v5 =	vmul.f32 $8.000000000e+00, v5  }
0xb9: {  	v11 =	vld [tilespmem:s0+$0x6A70];
	[tilespmem:s0+$0x3840] =	vst v4;
	v4 =	vmul.f32 $8.000000000e+00, v7  }
0xba: {  	v12 =	vld [tilespmem:s0+$0x9C40];
	v6 =	vmul.f32 $8.000000000e+00, v6;
	v5 =	vadd.f32 v5, v2  }
0xbb: {  	v13 =	vld [tilespmem:s0+$0x9C50];
	v7 =	vmul.f32 $8.000000000e+00, v8;
	v8 =	vadd.f32 v4, v0  }
0xbc: {  	v9 =	vmul.f32 $8.000000000e+00, v9;
	v6 =	vadd.f32 v6, v1;
	[tilespmem:s0+$0x3850] =	vst v5;
	v5 =	vld [tilespmem:s0+$0x9C60]  }
0xbd: {  	v4 =	vld [tilespmem:s0+$0x9C70];
	v7 =	vadd.f32 v7, v3;
	[tilespmem:s0+$0x3870] =	vst v8;
	v8 =	vmul.f32 $8.000000000e+00, v10  }
0xbe: {  	v9 =	vadd.f32 v9, v2;
	[tilespmem:s0+$0x3860] =	vst v6;
	v6 =	vld [tilespmem:s0+$0xCE40];
	v10 =	vmul.f32 $8.000000000e+00, v11  }
0xbf: {  	v12 =	vmul.f32 $8.000000000e+00, v12;
	[tilespmem:s0+$0x6A40] =	vst v7;
	v7 =	vld [tilespmem:s0+$0xCE50];
	v11 =	vadd.f32 v8, v1  }
0xc0: {  	s3 =	simm.s32 $0x100;
	[tilespmem:s0+$0x6A50] =	vst v9;
	v9 =	vadd.f32 v10, v0;
	v10 =	vmul.f32 $8.000000000e+00, v13;
	v8 =	vld [tilespmem:s0+$0xCE60]  }
.LBB2_3:
0xc1: {  	s6 =	sshra.s32 s3, $0x2;
	p0 =	sne.s32 s3, $0xC700;
	[tilespmem:s0+$0x6A60] =	vst v11;
	v11 =	vadd.f32 v12, v3;
	v5 =	vmul.f32 $8.000000000e+00, v5;
	v12 =	vld [tilespmem:s0+$0xCE70]  }
0xc2: {  	v13 =	vld [tilespmem:s6+$0x0];
	[tilespmem:s0+$0x6A70] =	vst v9;
	v9 =	vadd.f32 v10, v2;
	v4 =	vmul.f32 $8.000000000e+00, v4  }
0xc3: {  	v10 =	vld [tilespmem:s6+$0x10];
	[tilespmem:s0+$0x9C40] =	vst v11;
	v5 =	vadd.f32 v5, v1;
	v6 =	vmul.f32 $8.000000000e+00, v6  }
0xc4: {  	v11 =	vld [tilespmem:s6+$0x20];
	[tilespmem:s0+$0x9C50] =	vst v9;
	v4 =	vadd.f32 v4, v0;
	v7 =	vmul.f32 $8.000000000e+00, v7  }
0xc5: {  	v9 =	vld [tilespmem:s6+$0x30];
	[tilespmem:s0+$0x9C60] =	vst v5;
	v14 =	vadd.f32 v6, v3;
	v5 =	vmul.f32 $8.000000000e+00, v8  }
0xc6: {  	v6 =	vld [tilespmem:s6+$0x3840];
	[tilespmem:s0+$0x9C70] =	vst v4;
	v8 =	vadd.f32 v7, v2;
	v4 =	vmul.f32 $8.000000000e+00, v12  }
0xc7: {  	v7 =	vld [tilespmem:s6+$0x3850];
	[tilespmem:s0+$0xCE40] =	vst v14;
	v12 =	vadd.f32 v5, v1;
	v3 =	vmov v13  }
0xc8: {  	v5 =	vld [tilespmem:s6+$0x3860];
	[tilespmem:s0+$0xCE50] =	vst v8;
	v13 =	vadd.f32 v4, v0;
	v2 =	vmov v10  }
0xc9: {  	v4 =	vld [tilespmem:s6+$0x3870];
	[tilespmem:s0+$0xCE60] =	vst v12;
	v1 =	vmov v11  }
0xca: {  	v8 =	vld [tilespmem:s6+$0x6A40];
	[tilespmem:s0+$0xCE70] =	vst v13;
	v0 =	vmov v9;
	s0 =	smov.u32 s6  }
0xcb: {  	v6 =	vmul.f32 $8.000000000e+00, v6;
	v9 =	vld [tilespmem:s0+$0x6A50]  }
0xcc: {  	v7 =	vmul.f32 $8.000000000e+00, v7;
	v10 =	vld [tilespmem:s0+$0x6A60]  }
0xcd: {  	v6 =	vadd.f32 v6, v3;
	v5 =	vmul.f32 $8.000000000e+00, v5;
	v11 =	vld [tilespmem:s0+$0x6A70]  }
0xce: {  	v7 =	vadd.f32 v7, v2;
	v4 =	vmul.f32 $8.000000000e+00, v4;
	v12 =	vld [tilespmem:s0+$0x9C40]  }
0xcf: {  	[tilespmem:s0+$0x3840] =	vst v6;
	v6 =	vadd.f32 v5, v1;
	v8 =	vmul.f32 $8.000000000e+00, v8;
	v13 =	vld [tilespmem:s0+$0x9C50]  }
.Ltmp0:
0xd0: {  	[tilespmem:s0+$0x3850] =	vst v7;
	v7 =	vadd.f32 v4, v0;
	v9 =	vmul.f32 $8.000000000e+00, v9;
	v5 =	vld [tilespmem:s0+$0x9C60];
	(pc) =	sbr.rel @p0 .LBB2_3-.Ltmp0, $4  }
0xd1: {  	[tilespmem:s0+$0x3860] =	vst v6;
	v8 =	vadd.f32 v8, v3;
	v10 =	vmul.f32 $8.000000000e+00, v10;
	v4 =	vld [tilespmem:s0+$0x9C70]  }
0xd2: {  	[tilespmem:s0+$0x3870] =	vst v7;
	v9 =	vadd.f32 v9, v2;
	v14 =	vmul.f32 $8.000000000e+00, v11;
	v6 =	vld [tilespmem:s0+$0xCE40]  }
0xd3: {  	[tilespmem:s0+$0x6A40] =	vst v8;
	v11 =	vadd.f32 v10, v1;
	v12 =	vmul.f32 $8.000000000e+00, v12;
	v7 =	vld [tilespmem:s0+$0xCE50]  }
0xd4: {  	s3 =	sadd.s32 $0x100, s3;
	[tilespmem:s0+$0x6A50] =	vst v9;
	v9 =	vadd.f32 v14, v0;
	v10 =	vmul.f32 $8.000000000e+00, v13;
	v8 =	vld [tilespmem:s0+$0xCE60]  }
0xd5: {  	[tilespmem:s0+$0x6A60] =	vst v11;
	v11 =	vadd.f32 v12, v3;
	v5 =	vmul.f32 $8.000000000e+00, v5;
	v12 =	vld [tilespmem:s0+$0xCE70]  }
0xd6: {  	[tilespmem:s0+$0x6A70] =	vst v9;
	v9 =	vadd.f32 v10, v2;
	v4 =	vmul.f32 $8.000000000e+00, v4  }
0xd7: {  	[tilespmem:s0+$0x9C40] =	vst v11;
	v5 =	vadd.f32 v5, v1;
	v6 =	vmul.f32 $8.000000000e+00, v6  }
0xd8: {  	[tilespmem:s0+$0x9C50] =	vst v9;
	v4 =	vadd.f32 v4, v0;
	v7 =	vmul.f32 $8.000000000e+00, v7  }
0xd9: {  	[tilespmem:s0+$0x9C60] =	vst v5;
	v3 =	vadd.f32 v6, v3;
	v5 =	vmul.f32 $8.000000000e+00, v8  }
0xda: {  	[tilespmem:s0+$0x9C70] =	vst v4;
	v2 =	vadd.f32 v7, v2;
	v4 =	vmul.f32 $8.000000000e+00, v12  }
0xdb: {  	[tilespmem:s0+$0xCE40] =	vst v3;
	v1 =	vadd.f32 v5, v1  }
0xdc: {  	s3 =	smul.u32 $0x640, s30;
	[tilespmem:s0+$0xCE50] =	vst v2;
	v0 =	vadd.f32 v4, v0  }
0xdd: {  	[tilespmem:s0+$0xCE60] =	vst v1  }
0xde: {  	s6 =	simm.s32 $0x0;
	s3 =	sadd.s32 s1, s3;
	[tilespmem:s0+$0xCE70] =	vst v0  }
0xdf: {  	[hbm4b:s3+s6] =	stream.linear.scatter [tilespmem:s12], [sflag:$0x3], $0xC800, $0x38;
	[tilespmem:$0x1C840] =	vst v63  }
0xe0: {  	_ =	swait.ge [sflag:s28], $0xA00  }
0xe1: {  	[sflag:s28] =	ssyncset.done $0x0  }
0xe2: {  	[sflag:s28] =	ssyncadd.s32 $0xFFFFF600  }
0xe3: {  	_ =	swait.ge [sflag:s28], $0xA00  }
0xe4: {  	[sflag:s28] =	ssyncset.done $0x0  }
0xe5: {  	[sflag:s28] =	ssyncadd.s32 $0xFFFFF600  }
0xe6: {  	_ =	swait.ge [sflag:s28], $0xA00  }
0xe7: {  	[sflag:s28] =	ssyncset.done $0x0  }
0xe8: {  	[sflag:s28] =	ssyncadd.s32 $0xFFFFF600  }
0xe9: {  	_ =	swait.ge [sflag:s28], $0xA00  }
0xea: {  	[sflag:s28] =	ssyncset.done $0x0  }
0xeb: {  	[sflag:s28] =	ssyncadd.s32 $0xFFFFF600  }
0xec: {  	_ =	swait.ge [sflag:s28], $0xA00  }
0xed: {  	[sflag:s28] =	ssyncset.done $0x0  }
0xee: {  	[sflag:s28] =	ssyncadd.s32 $0xFFFFF600  }
0xef: {  	_ =	swait.ge [sflag:s28], $0xA00  }
0xf0: {  	[sflag:s28] =	ssyncset.done $0x0  }
0xf1: {  	[sflag:s28] =	ssyncadd.s32 $0xFFFFF600  }
0xf2: {  	_ =	swait.ge [sflag:s28], $0xA00  }
0xf3: {  	[sflag:s28] =	ssyncset.done $0x0  }
0xf4: {  	[sflag:s28] =	ssyncadd.s32 $0xFFFFF600  }
0xf5: {  	_ =	swait.ge [sflag:s28], $0xA00  }
0xf6: {  	[sflag:s28] =	ssyncset.done $0x0  }
0xf7: {  	[sflag:s28] =	ssyncadd.s32 $0xFFFFF600  }
0xf8: {  	_ =	swait.ge [sflag:s28], $0xA00  }
0xf9: {  	[sflag:s28] =	ssyncset.done $0x0  }
0xfa: {  	[sflag:s28] =	ssyncadd.s32 $0xFFFFF600  }
0xfb: {  	_ =	swait.ge [sflag:s28], $0xA00  }
0xfc: {  	[sflag:s28] =	ssyncset.done $0x0  }
0xfd: {  	[sflag:s28] =	ssyncadd.s32 $0xFFFFF600  }
0xfe: {  	_ =	swait.ge [sflag:s28], $0xA00  }
0xff: {  	[sflag:s28] =	ssyncset.done $0x0  }
0x100: {  	[sflag:s28] =	ssyncadd.s32 $0xFFFFF600  }
0x101: {  	_ =	swait.ge [sflag:s28], $0xA00  }
0x102: {  	[sflag:s28] =	ssyncset.done $0x0  }
0x103: {  	[sflag:s28] =	ssyncadd.s32 $0xFFFFF600  }
0x104: {  	_ =	swait.ge [sflag:s28], $0xA00  }
0x105: {  	[sflag:s28] =	ssyncset.done $0x0  }
0x106: {  	[sflag:s28] =	ssyncadd.s32 $0xFFFFF600  }
0x107: {  	_ =	swait.ge [sflag:s28], $0xA00  }
0x108: {  	[sflag:s28] =	ssyncset.done $0x0  }
0x109: {  	[sflag:s28] =	ssyncadd.s32 $0xFFFFF600  }
0x10a: {  	_ =	swait.ge [sflag:s28], $0xA00  }
0x10b: {  	[sflag:s28] =	ssyncset.done $0x0  }
0x10c: {  	[sflag:s28] =	ssyncadd.s32 $0xFFFFF600  }
0x10d: {  	_ =	swait.ge [sflag:s28], $0xA00  }
0x10e: {  	[sflag:s28] =	ssyncset.done $0x0  }
0x10f: {  	[sflag:s28] =	ssyncadd.s32 $0xFFFFF600  }
0x110: {  	_ =	swait.ge [sflag:s28], $0xA00  }
0x111: {  	[sflag:s28] =	ssyncset.done $0x0  }
0x112: {  	[sflag:s28] =	ssyncadd.s32 $0xFFFFF600  }
0x113: {  	_ =	swait.ge [sflag:s28], $0xA00  }
0x114: {  	[sflag:s28] =	ssyncset.done $0x0  }
0x115: {  	[sflag:s28] =	ssyncadd.s32 $0xFFFFF600  }
0x116: {  	_ =	swait.ge [sflag:s28], $0xA00  }
0x117: {  	[sflag:s28] =	ssyncset.done $0x0  }
0x118: {  	[sflag:s28] =	ssyncadd.s32 $0xFFFFF600  }
0x119: {  	_ =	swait.ge [sflag:s28], $0xA00  }
0x11a: {  	[sflag:s28] =	ssyncset.done $0x0  }
0x11b: {  	s0 =	simm.s32 $0x0;
	[sflag:s28] =	ssyncadd.s32 $0xFFFFF600  }
0x11c: {  	v3 =	vld [tilespmem:s0+$0x0]  }
0x11d: {  	v2 =	vld [tilespmem:s0+$0x10]  }
0x11e: {  	v4 =	vld [tilespmem:s0+$0x10040]  }
0x11f: {  	v1 =	vld [tilespmem:s0+$0x20]  }
0x120: {  	v0 =	vld [tilespmem:s0+$0x30]  }
0x121: {  	v5 =	vld [tilespmem:s0+$0x10050]  }
0x122: {  	v7 =	vld [tilespmem:s0+$0x10070]  }
0x123: {  	v6 =	vld [tilespmem:s0+$0x10060];
	v4 =	vmul.f32 $8.000000000e+00, v4  }
0x124: {  	v8 =	vld [tilespmem:s0+$0x13240]  }
0x125: {  	v9 =	vld [tilespmem:s0+$0x13250];
	v4 =	vadd.f32 v4, v3  }
0x126: {  	v10 =	vld [tilespmem:s0+$0x13260];
	v5 =	vmul.f32 $8.000000000e+00, v5  }
0x127: {  	v11 =	vld [tilespmem:s0+$0x13270];
	[tilespmem:s0+$0x10040] =	vst v4;
	v4 =	vmul.f32 $8.000000000e+00, v7  }
0x128: {  	v12 =	vld [tilespmem:s0+$0x16440];
	v6 =	vmul.f32 $8.000000000e+00, v6;
	v5 =	vadd.f32 v5, v2  }
0x129: {  	v13 =	vld [tilespmem:s0+$0x16450];
	v7 =	vmul.f32 $8.000000000e+00, v8;
	v8 =	vadd.f32 v4, v0  }
0x12a: {  	v9 =	vmul.f32 $8.000000000e+00, v9;
	v6 =	vadd.f32 v6, v1;
	[tilespmem:s0+$0x10050] =	vst v5;
	v5 =	vld [tilespmem:s0+$0x16460]  }
0x12b: {  	v4 =	vld [tilespmem:s0+$0x16470];
	v7 =	vadd.f32 v7, v3;
	[tilespmem:s0+$0x10070] =	vst v8;
	v8 =	vmul.f32 $8.000000000e+00, v10  }
0x12c: {  	v9 =	vadd.f32 v9, v2;
	[tilespmem:s0+$0x10060] =	vst v6;
	v6 =	vld [tilespmem:s0+$0x19640];
	v10 =	vmul.f32 $8.000000000e+00, v11  }
0x12d: {  	v12 =	vmul.f32 $8.000000000e+00, v12;
	[tilespmem:s0+$0x13240] =	vst v7;
	v7 =	vld [tilespmem:s0+$0x19650];
	v11 =	vadd.f32 v8, v1  }
0x12e: {  	s3 =	simm.s32 $0x100;
	[tilespmem:s0+$0x13250] =	vst v9;
	v9 =	vadd.f32 v10, v0;
	v10 =	vmul.f32 $8.000000000e+00, v13;
	v8 =	vld [tilespmem:s0+$0x19660]  }
.LBB2_5:
0x12f: {  	s6 =	sshra.s32 s3, $0x2;
	p0 =	sne.s32 s3, $0xC700;
	[tilespmem:s0+$0x13260] =	vst v11;
	v11 =	vadd.f32 v12, v3;
	v5 =	vmul.f32 $8.000000000e+00, v5;
	v12 =	vld [tilespmem:s0+$0x19670]  }
0x130: {  	v13 =	vld [tilespmem:s6+$0x0];
	[tilespmem:s0+$0x13270] =	vst v9;
	v9 =	vadd.f32 v10, v2;
	v4 =	vmul.f32 $8.000000000e+00, v4  }
0x131: {  	v10 =	vld [tilespmem:s6+$0x10];
	[tilespmem:s0+$0x16440] =	vst v11;
	v5 =	vadd.f32 v5, v1;
	v6 =	vmul.f32 $8.000000000e+00, v6  }
0x132: {  	v11 =	vld [tilespmem:s6+$0x20];
	[tilespmem:s0+$0x16450] =	vst v9;
	v4 =	vadd.f32 v4, v0;
	v7 =	vmul.f32 $8.000000000e+00, v7  }
0x133: {  	v9 =	vld [tilespmem:s6+$0x30];
	[tilespmem:s0+$0x16460] =	vst v5;
	v14 =	vadd.f32 v6, v3;
	v5 =	vmul.f32 $8.000000000e+00, v8  }
0x134: {  	v6 =	vld [tilespmem:s6+$0x10040];
	[tilespmem:s0+$0x16470] =	vst v4;
	v8 =	vadd.f32 v7, v2;
	v4 =	vmul.f32 $8.000000000e+00, v12  }
0x135: {  	v7 =	vld [tilespmem:s6+$0x10050];
	[tilespmem:s0+$0x19640] =	vst v14;
	v12 =	vadd.f32 v5, v1;
	v3 =	vmov v13  }
0x136: {  	v5 =	vld [tilespmem:s6+$0x10060];
	[tilespmem:s0+$0x19650] =	vst v8;
	v13 =	vadd.f32 v4, v0;
	v2 =	vmov v10  }
0x137: {  	v4 =	vld [tilespmem:s6+$0x10070];
	[tilespmem:s0+$0x19660] =	vst v12;
	v1 =	vmov v11  }
0x138: {  	v8 =	vld [tilespmem:s6+$0x13240];
	[tilespmem:s0+$0x19670] =	vst v13;
	v0 =	vmov v9;
	s0 =	smov.u32 s6  }
0x139: {  	v6 =	vmul.f32 $8.000000000e+00, v6;
	v9 =	vld [tilespmem:s0+$0x13250]  }
0x13a: {  	v7 =	vmul.f32 $8.000000000e+00, v7;
	v10 =	vld [tilespmem:s0+$0x13260]  }
0x13b: {  	v6 =	vadd.f32 v6, v3;
	v5 =	vmul.f32 $8.000000000e+00, v5;
	v11 =	vld [tilespmem:s0+$0x13270]  }
0x13c: {  	v7 =	vadd.f32 v7, v2;
	v4 =	vmul.f32 $8.000000000e+00, v4;
	v12 =	vld [tilespmem:s0+$0x16440]  }
0x13d: {  	[tilespmem:s0+$0x10040] =	vst v6;
	v6 =	vadd.f32 v5, v1;
	v8 =	vmul.f32 $8.000000000e+00, v8;
	v13 =	vld [tilespmem:s0+$0x16450]  }
.Ltmp1:
0x13e: {  	[tilespmem:s0+$0x10050] =	vst v7;
	v7 =	vadd.f32 v4, v0;
	v9 =	vmul.f32 $8.000000000e+00, v9;
	v5 =	vld [tilespmem:s0+$0x16460];
	(pc) =	sbr.rel @p0 .LBB2_5-.Ltmp1, $4  }
0x13f: {  	[tilespmem:s0+$0x10060] =	vst v6;
	v8 =	vadd.f32 v8, v3;
	v10 =	vmul.f32 $8.000000000e+00, v10;
	v4 =	vld [tilespmem:s0+$0x16470]  }
0x140: {  	[tilespmem:s0+$0x10070] =	vst v7;
	v9 =	vadd.f32 v9, v2;
	v14 =	vmul.f32 $8.000000000e+00, v11;
	v6 =	vld [tilespmem:s0+$0x19640]  }
0x141: {  	[tilespmem:s0+$0x13240] =	vst v8;
	v11 =	vadd.f32 v10, v1;
	v12 =	vmul.f32 $8.000000000e+00, v12;
	v7 =	vld [tilespmem:s0+$0x19650]  }
0x142: {  	s3 =	sadd.s32 $0x100, s3;
	[tilespmem:s0+$0x13250] =	vst v9;
	v9 =	vadd.f32 v14, v0;
	v10 =	vmul.f32 $8.000000000e+00, v13;
	v8 =	vld [tilespmem:s0+$0x19660]  }
0x143: {  	[tilespmem:s0+$0x13260] =	vst v11;
	v55 =	vadd.f32 v12, v3;
	v5 =	vmul.f32 $8.000000000e+00, v5;
	v56 =	vld [tilespmem:s0+$0x19670]  }
0x144: {  	[tilespmem:s0+$0x13270] =	vst v9;
	v57 =	vadd.f32 v10, v2;
	v4 =	vmul.f32 $8.000000000e+00, v4  }
0x145: {  	[tilespmem:s0+$0x16440] =	vst v55;
	v5 =	vadd.f32 v5, v1;
	v6 =	vmul.f32 $8.000000000e+00, v6  }
0x146: {  	[tilespmem:s0+$0x16450] =	vst v57;
	v4 =	vadd.f32 v4, v0;
	v7 =	vmul.f32 $8.000000000e+00, v7  }
0x147: {  	s29 =	sadd.s32 $0x1, s29;
	[tilespmem:s0+$0x16460] =	vst v5;
	v58 =	vadd.f32 v6, v3;
	v59 =	vmul.f32 $8.000000000e+00, v8  }
0x148: {  	s3 =	smul.u32 $0x3200, s30;
	p1 =	sne.s32 s29, $0x10;
	[tilespmem:s0+$0x16470] =	vst v4;
	v60 =	vadd.f32 v7, v2;
	v61 =	vmul.f32 $8.000000000e+00, v56  }
.Ltmp2:
0x149: {  	[tilespmem:s0+$0x19640] =	vst v58;
	v62 =	vadd.f32 v59, v1;
	(pc) =	sbr.rel @p1 .LBB2_2-.Ltmp2, $4  }
0x14a: {  	s3 =	sshrl.u32 s3, $0x3;
	[tilespmem:s0+$0x19650] =	vst v60;
	v63 =	vadd.f32 v61, v0  }
0x14b: {  	s3 =	sadd.s32 s1, s3;
	[tilespmem:s0+$0x19660] =	vst v62  }
0x14c: {  	p0 =	por $0x0, $0x0;
	s30 =	sadd.s32 $0x1900, s3;
	[tilespmem:s0+$0x19670] =	vst v63  }
0x14d: {  	[hbm4b:s30+s2] =	stream.linear.scatter [tilespmem:s31], [sflag:$0x4], $0xC800, $0x38;
	[tilespmem:$0x1C840] =	vst v63  }
0x14e: {  	s0 =	simm.s32 $0x3  }
0x14f: {  	_ =	swait.ge [sflag:s0], $0xC800  }
0x150: {  	[sflag:s0] =	ssyncset.done $0x0  }
0x151: {  	s3 =	simm.s32 $0x4;
	[sflag:s0] =	ssyncadd.s32 $0xFFFF3800  }
0x152: {  	_ =	swait.ge [sflag:s3], $0xC800  }
0x153: {  	s6 =	rddreg [dreg:$0x5]  }
0x154: {  	s30 =	rddreg [dreg:$0x4];
	s6 =	sadd.s32 $0x1, s6  }
0x155: {  	p0 =	sne.s32 s6, s30  }
.Ltmp3:
0x156: {  	_ = 	snop;
	(pc) =	sbr.rel @p0 .LBB2_1-.Ltmp3, $3  }
0x157: {  	_ =	sdelay $0x1  }
0x158: {  	[sflag:s3] =	ssyncset.done $0x0  }
0x159: {  	[sflag:s3] =	ssyncadd.s32 $0xFFFF3800  }
0x15a: {  	_ =	sfence.sel $0x180000  }
0x15b: {  	[bflag:$0x0] =	sbarrier.arrive $0xFFFF  }
0x15c: {  	_ =	strace $0x90000047  }
0x15d: {  	s0 =	stileid.u32;
	[bflag:$0x2] =	sbarrier.arrive $0xFFFF  }
0x15e: {  	p0 =	sne.s32 s0, $0x0;
	s0 =	rddreg [dreg:$0x2]  }
0x15f: {  	s0 =	sadd.s32 @!p0 $0x100000, s0  }
0x160: {  	[sflag:s0] =	ssyncadd.tile.s32 @!p0 $0x1;
	_ =	shalt  }
.Lfunc_end2:
_tile_overlayer_lowered:
.L_overlay_start_2:
0x161: {  	(tag) =	ssettag $0x2  }
0x162: {  	s0 =	rddreg [dreg:$0x0];
	s2 =	stileid.u32  }
0x163: {  	s1 =	rddreg [dreg:$0x1];
	p0 =	sne.s32 s2, $0x0  }
0x164: {  	s3 =	rddreg [dreg:$0x2];
	[bflag:$0x3] =	sbarrier.arrive $0xFFFF;
	s2 =	simm.s32 @!p0 $0x1C05  }
0x165: {  	[timem:s3], [sflag:s2] =	dma.local @!p0 [hbm:s0], s1  }
0x166: {  	s0 =	simm.s32 @!p0 $0x5  }
0x167: {  	_ =	swait.ge @!p0 [sflag:s0], s1  }
0x168: {  	s1 =	ssub.s32 @!p0 $0x0, s1;
	[sflag:s0] =	ssyncset.done @!p0 $0x0  }
0x169: {  	[sflag:s0] =	ssyncadd.s32 @!p0 s1  }
0x16a: {  	[bflag:$0x3] =	sbarrier.arrive $0xFFFF  }
0x16b: {  	_ =	shalt  }

// kernel: sparse-core-data-format-call.cloned.1.call-start
scs
called_computation_lowered:
.L_overlay_start_0:
0x0: {  	s2 =	sld [smem:$0x3FD9]  }
0x1: {  	s3 =	sld [smem:$0x3FFE];
	_ =	sdelay $0x1  }
0x2: {  	s1 =	srdreg.scid  }
0x3: {  	s0 =	sand.u32 $0x1, s1  }
0x4: {  	s18 =	sshll.u32 s0, $0xA;
	s2 =	sadd.s32 s3, s2  }
0x5: {  	s2 =	sadd.s32 s2, s18  }
0x6: {  	[smem:$0x3FC5] =	sst s2  }
0x7: {  	_ = 	snop  }
0x8: {  	s2 =	sld [smem:$0x3FD0];
	(tm) =	ssettm $0x1  }
0x9: {  	s19 =	sld [smem:$0x3FFB];
	_ =	sdelay $0x3  }
0xa: {  	_ =	strace s19  }
0xb: {  	s3 =	sld [smem:$0x3FFC];
	_ =	sdelay $0x3  }
0xc: {  	_ =	strace s3  }
0xd: {  	s3 =	sld [smem:$0x3FFD];
	_ =	sdelay $0x3  }
0xe: {  	_ =	strace s3  }
0xf: {  	_ =	strace $0x8FFFFFFF  }
0x10: {  	s20 =	sld [smem:$0x3FDB];
	_ =	sdelay $0x1  }
0x11: {  	s4 =	simm.s32 $_scs_section_size  }
0x12: {  	s5 =	simm.s32 $_size__tile_overlayer_lowered;
	s6 =	simm.s32 $_tile_overlayer_lowered  }
0x13: {  	s23 =	simm.s32 $0x1BFF;
	s22 =	sshll.u32 s6, $0x1;
	s3 =	sadd.s32 s4, s20  }
0x14: {  	s7 =	simm.s32 $0x0;
	s21 =	sshll.u32 s5, $0x1;
	s5 =	sadd.s32 s22, s3  }
0x15: {  	[timem:s7], [sflag:s23] =	dma.local [hbm:s5], s21  }
0x16: {  	_ =	swait.ge [sflag:s23], s21  }
0x17: {  	s4 =	ssub.s32 $0x0, s21;
	[sflag:s23] =	ssyncset.done $0x0  }
0x18: {  	[sflag:s23] =	ssyncadd.s32 s4;
	_ =	sdelay $0x1  }
0x19: {  	s24 =	simm.s32 $0x1B8B  }
0x1a: {  	_ =	swait.ge [sflag:s24], $0x1  }
0x1b: {  	[sflag:s24] =	ssyncset.done $0x0  }
0x1c: {  	s26 =	simm.s32 $0x1B8E;
	s25 =	sld [smem:$0x3FFE];
	[sflag:s24] =	ssyncadd.s32 $0xFFFFFFFF  }
0x1d: {  	s27 =	simm.s32 $execute0_lowered;
	[smem:$0x3FD2] =	sst s26  }
0x1e: {  	s5 =	sshll.u32 s27, $0x1;
	_ =	strace $0x80000049;
	[dreg:$0x1] =	wrdreg $0xFFFFFFFF  }
0x1f: {  	s28 =	simm.s32 $_size_execute0_lowered;
	s3 =	sadd.s32 s3, s5;
	[dreg:$0x0] =	wrdreg $0x0  }
0x20: {  	s5 =	sshll.u32 s28, $0x1;
	[dreg:$0x2] =	wrdreg s3  }
0x21: {  	[dreg:$0x3] =	wrdreg s5  }
0x22: {  	[dreg:$0x4] =	wrdreg $0xC0  }
0x23: {  	_ =	task [dreg:s7], $0x5FFFF  }
0x24: {  	[dreg:$0x1] =	wrdreg $0xFFFFFFFF  }
0x25: {  	[dreg:$0x0] =	wrdreg $0x60  }
0x26: {  	[dreg:$0x2] =	wrdreg s25  }
0x27: {  	[dreg:$0x3] =	wrdreg s2  }
0x28: {  	[dreg:$0x4] =	wrdreg $0x9  }
0x29: {  	_ =	task.clear_ibuf [dreg:s7], $0x5FFFF;
	_ =	strace $0x90000049  }
0x2a: {  	s29 =	simm.s32 $0x9;
	_ =	strace $0x8000004B  }
0x2b: {  	_ =	swait.ge [sflag:s29], $0x1  }
0x2c: {  	[sflag:s29] =	ssyncadd.s32 $0xFFFFFFFF  }
0x2d: {  	_ =	strace $0x9000004B  }
0x2e: {  	_ =	sfence  }
0x2f: {  	s30 =	sld [smem:$0x0];
	_ =	sdelay $0x2  }
0x30: {  	s31 =	sshll.u32 s1, $0xD;
	s1 =	sshrl.u32 s1, $0x2  }
0x31: {  	s3 =	sand.u32 $0x4000, s31;
	s1 =	sadd.s32 s1, s30  }
0x32: {  	s0 =	sor.u32 s3, s0;
	s1 =	sshll.u32 s1, $0x11  }
0x33: {  	s0 =	sor.u32 s1, s0  }
0x34: {  	s0 =	sadd.s32 $0x8F2B, s0  }
0x35: {  	[sflag:s0] =	ssyncadd.remote.s32 $0x1  }
0x36: {  	_ =	sfence.sel $0xFFFF  }
0x37: {  	[dreg:$0x0] =	wrdreg $0xFFFFFFFF;
	(pc) =	sbr.abs _section_cstart, $3  }
0x38: {  	[dreg:$0x1] =	wrdreg $0xFFFFFFFF  }
0x39: {  	_ =	task.clear_ibuf [dreg:s7], $0x2FFFF;
	_ =	strace $0x9FFFFFFF  }
0x3a: {  	(tm) =	ssettm $0x7FFFFFFF  }
0x3b: {  	_ =	shalt  }
tec
execute0_lowered:
.L_overlay_start_1:
0x0: {  	(tag) =	ssettag $0x1  }
0x1: {  	s0 =	srdreg.scid  }
0x2: {  	s1 =	sshll.u32 s0, $0x4  }
0x3: {  	s0 =	stileid.u32;
	s1 =	sand.u32 $0x10, s1  }
0x4: {  	s1 =	sor.u32 s0, s1  }
0x5: {  	s6 =	rddreg [dreg:$0x0];
	s4 =	simm.s32 $0x1;
	s2 =	sshll.u32 s1, $0x7  }
0x6: {  	s7 =	simm.s32 $0x2;
	s12 =	simm.s32 $0x0;
	s1 =	ssub.s32 $0x1000, s2  }
0x7: {  	s8 =	simm.s32 $0x8000;
	s13 =	simm.s32 $0x0;
	s3 =	sand.u32 $0xF80, s1  }
0x8: {  	s9 =	simm.s32 $0x0;
	s5 =	sshrl.u32 s1, $0xC;
	p0 =	sne.s32 s3, $0x0  }
.Ltmp0:
0x9: {  	s1 =	rddreg [dreg:$0x2];
	s4 =	simm.s32 @!p0 $0x0;
	(pc) =	sbr.rel .LBB1_1-.Ltmp0, $4  }
0xa: {  	s11 =	simm.s32 $0x0;
	s3 =	rddreg [dreg:$0x1];
	s5 =	sadd.s32 s4, s5  }
0xb: {  	_ =	strace $0x8000004A;
	s4 =	simm.s32 $0x1;
	s5 =	smul.u32 $0xC8, s5  }
0xc: {  	s6 =	sadd.s32 $0xC00, s6;
	s10 =	smov.u32 s2;
	[sflag:s4] =	ssyncpa.u1 $0x0  }
0xd: {  	p0 =	por $0x0, $0x0;
	[sflag:s7] =	ssyncpa.u1 $0x0;
	s7 =	sor.u32 $0x1, s5  }
.LBB1_4:
0xe: {  	s16 =	sshll.u32 s13, $0x3;
	s17 =	sand.u32 $0x78, s13  }
0xf: {  	s30 =	sand.u32 $0x7E00, s13;
	s12 =	sshll.u32 s12, $0xF;
	s16 =	sand.u32 $0xC00, s16  }
0x10: {  	[tilespmem:s15+$0x810 ss:$0x81] =	vst.msk $0xffff, v2;
	s31 =	sand.u32 $0x7, s13;
	s16 =	sor.u32 s17, s16;
	s17 =	sadd.s32 s3, s30  }
0x11: {  	[tilespmem:s15+$0x1020 ss:$0x81] =	vst.msk $0xffff, v0;
	s13 =	sshll.u32 s31, $0x12;
	s12 =	sadd.s32 s12, s17;
	s16 =	sshrl.u32 s16, $0x3  }
0x12: {  	[tilespmem:s15+$0x0 ss:$0x81] =	vst.msk $0xffff, v1;
	s13 =	sor.u32 $0x400, s13;
	s12 =	sadd.s32 s16, s12  }
0x13: {  	[hbm4b:s12+s13] =	stream.strided.scatter [tilespmem:s14], [sflag:$0x2], $0x2000, s8, s13, $0x20;
	[tilespmem:$0x8080] =	vst v63  }
.LBB1_5:
0x14: {  	s14 =	sadd.s32 $0x1, s9  }
0x15: {  	s12 =	sadd.s32 $0x1000, s10;
	s16 =	smov.u32 s10;
	p2 =	sgt.s32 s14, $0xC7  }
0x16: {  	s16 =	smov.u32 @p2 s12  }
0x17: {  	s14 =	simm.s32 @p2 $0x0;
	p2 =	sgt.s32 s16, $0xFFF  }
0x18: {  	s16 =	smov.u32 @p2 s2;
	p2 =	sne.s32 s11, s7  }
.Ltmp1:
0x19: {  	p1 =	slt.u32 s11, $0x2;
	(pc) =	sbr.rel @!p2 .LBB1_6-.Ltmp1, $4  }
0x1a: {  	s15 =	simm.s32 @!p1 $0x2  }
0x1b: {  	s13 =	smov.u32 s10;
	p0 =	por !p0, !p0;
	_ =	swait.ge @!p1 [sflag:s15], $0x2000  }
0x1c: {  	s12 =	smov.u32 s9;
	[sflag:s15] =	ssyncset.done @!p1 $0x0;
	s9 =	smov.u32 s14  }
0x1d: {  	s11 =	sadd.s32 $0x1, s11;
	[sflag:s15] =	ssyncadd.s32 @!p1 $0xFFFFE000;
	s10 =	smov.u32 s16  }
.LBB1_1:
0x1e: {  	p1 =	sge.u32 s11, s5  }
0x1f: {  	s14 =	sand.u32 @!p1 $0x1FFFFFF, s9  }
0x20: {  	s15 =	smulhi.u32 @!p1 $0x147AE15, s14;
	_ =	sdelay $0x1  }
0x21: {  	s15 =	smul.u32 @!p1 $0xC8, s15  }
0x22: {  	s16 =	sxor.u32 @!p1 $0xFFFFFFFF, s11;
	s17 =	smul.u32 @!p1 $0xC80, s10  }
0x23: {  	s31 =	sadd.s32 $0xFFFFFFFF, s11;
	s16 =	sshll.u32 @!p1 s16, $0xD;
	s14 =	ssub.s32 @!p1 s14, s15  }
0x24: {  	s15 =	sand.u32 @!p1 $0x2000, s16;
	s16 =	sadd.s32 @!p1 s6, s17;
	s14 =	sshll.u32 @!p1 s14, $0x4  }
0x25: {  	s17 =	simm.s32 @!p1 $0x6400;
	s14 =	sadd.s32 @!p1 s14, s16;
	s16 =	simm.s32 @!p1 $0x40  }
0x26: {  	[tilespmem:s15], [sflag:$0x1] =	stream.strided.gather @!p1 [hbm4b:s14+s16], $0x2000, s17, s16, $0x38;
	[tilespmem:$0x8080] =	vst v63  }
0x27: {  	p1 =	sge.u32 s31, s5  }
.Ltmp2:
0x28: {  	_ = 	snop;
	(pc) =	sbr.rel @p1 .LBB1_5-.Ltmp2, $1  }
0x29: {  	_ =	sdelay $0x3  }
0x2a: {  	s14 =	simm.s32 $0x1  }
0x2b: {  	_ =	swait.ge [sflag:s4], $0x2000;
	s14 =	simm.s32 @!p0 $0x0  }
0x2c: {  	[sflag:s4] =	ssyncset.done $0x0;
	s15 =	sshll.u32 s14, $0xD  }
0x2d: {  	[sflag:s4] =	ssyncadd.s32 $0xFFFFE000;
	s18 =	sor.u32 $0x20, s15  }
0x2e: {  	s14 =	smul.u32 $0x8100, s14;
	v3 =	vld [tilespmem:s18+$0x10]  }
0x2f: {  	s30 =	sand.u32 $0x1, s11;
	v2 =	vld [tilespmem:s18+$0xFFFFFFF0]  }
0x30: {  	s15 =	smul.u32 $0x8100, s30;
	s14 =	sshrl.u32 s14, $0x2;
	v0 =	vld [tilespmem:s18+$0x0]  }
0x31: {  	v1 =	vld [tilespmem:s18+$0xFFFFFFE0];
	s16 =	sor.u32 $0x4000, s14  }
0x32: {  	s31 =	sshrl.u32 s15, $0x2;
	s15 =	sadd.s32 $0x0, s16  }
0x33: {  	s17 =	simm.s32 $0x4;
	s18 =	sadd.s32 $0x40, s18;
	s14 =	sor.u32 $0x4000, s31;
	[tilespmem:s15+$0x1830 ss:$0x81] =	vst.msk $0xffff, v3  }
.LBB1_3:
0x34: {  	v3 =	vld [tilespmem:s18+$0x10];
	p1 =	sne.s32 s17, $0x1FC;
	[tilespmem:s15+$0x810 ss:$0x81] =	vst.msk $0xffff, v2;
	s19 =	smov.u32 s17;
	s17 =	sadd.s32 $0x4, s17  }
.Ltmp3:
0x35: {  	v2 =	vld [tilespmem:s18+$0xFFFFFFF0];
	[tilespmem:s15+$0x1020 ss:$0x81] =	vst.msk $0xffff, v0;
	(pc) =	sbr.rel @p1 .LBB1_3-.Ltmp3, $4  }
0x36: {  	v0 =	vld [tilespmem:s18+$0x0];
	[tilespmem:s15+$0x0 ss:$0x81] =	vst.msk $0xffff, v1  }
0x37: {  	s15 =	sshra.s32 s19, $0x2;
	v1 =	vld [tilespmem:s18+$0xFFFFFFE0]  }
0x38: {  	s15 =	sadd.s32 s15, s16  }
0x39: {  	s18 =	sadd.s32 $0x40, s18;
	[tilespmem:s15+$0x1830 ss:$0x81] =	vst.msk $0xffff, v3  }
.Ltmp4:
0x3a: {  	_ = 	snop;
	(pc) =	sbr.rel .LBB1_4-.Ltmp4, $1  }
0x3b: {  	_ =	sdelay $0x3  }
.LBB1_6:
0x3c: {  	_ =	sfence.sel $0x180000  }
0x3d: {  	s2 =	simm.s32 $0x1;
	[bflag:$0x0] =	sbarrier.arrive $0xFFFF  }
0x3e: {  	s31 =	simm.s32 $0x2;
	[sflag:s2] =	ssyncpa.u1 $0x1  }
0x3f: {  	[sflag:s31] =	ssyncpa.u1 $0x1  }
0x40: {  	p0 =	sne.s32 s0, $0x0;
	_ =	strace $0x9000004A  }
0x41: {  	s0 =	sadd.s32 @!p0 $0x100000, s1;
	[bflag:$0x2] =	sbarrier.arrive $0xFFFF  }
0x42: {  	[sflag:s0] =	ssyncadd.tile.s32 @!p0 $0x1;
	_ =	shalt  }
.Lfunc_end1:
_tile_overlayer_lowered:
.L_overlay_start_2:
0x43: {  	(tag) =	ssettag $0x2  }
0x44: {  	s0 =	rddreg [dreg:$0x0];
	s2 =	stileid.u32  }
0x45: {  	s1 =	rddreg [dreg:$0x1];
	p0 =	sne.s32 s2, $0x0  }
0x46: {  	s3 =	rddreg [dreg:$0x2];
	[bflag:$0x3] =	sbarrier.arrive $0xFFFF;
	s2 =	simm.s32 @!p0 $0x1C01  }
0x47: {  	[timem:s3], [sflag:s2] =	dma.local @!p0 [hbm:s0], s1  }
0x48: {  	s0 =	simm.s32 @!p0 $0x1  }
0x49: {  	_ =	swait.ge @!p0 [sflag:s0], s1  }
0x4a: {  	s1 =	ssub.s32 @!p0 $0x0, s1;
	[sflag:s0] =	ssyncset.done @!p0 $0x0  }
0x4b: {  	[sflag:s0] =	ssyncadd.s32 @!p0 s1  }
0x4c: {  	[bflag:$0x3] =	sbarrier.arrive $0xFFFF  }
0x4d: {  	_ =	shalt  }

</sc_bundles>
